<compile_context>
chip_gen: v7x
topology: tpu7x:2x2x1
jax: 0.10.2.dev20260603
libtpu: 0.0.44.dev20260713+nightly
codegen_flags: <defaults>
</compile_context>

<pallas_src>
import jax
import jax.numpy as jnp
from jax import lax
from jax.experimental import pallas as pl
from jax.experimental.pallas import tpu as pltpu
from jax.experimental.pallas import tpu_sc as plsc

B = 16384
F = 32
NUM_CORES = 2
NUM_SUBCORES = 16
NW = NUM_CORES * NUM_SUBCORES
BPW = B // NW
L = 16
NITER = BPW // L


def _iota():
    return lax.iota(jnp.int32, L)


def _perm(x, idx):
    return jnp.take(x, idx, axis=0)


def _cf_body(ut_hbm, vt_hbm, user_hbm, item_hbm, out_hbm,
             uidx_v, iidx_v, ubuf_v, vbuf_v, out_v, sem):
    wid = lax.axis_index("s") * NUM_CORES + lax.axis_index("c")
    base = wid * BPW

    pltpu.sync_copy(user_hbm.at[pl.ds(base, BPW)], uidx_v)
    pltpu.sync_copy(item_hbm.at[pl.ds(base, BPW)], iidx_v)

    iota = _iota()
    lane_mod4 = iota & 3
    row_div4 = iota >> 2

    def issue(uvec, ivec, rnd, slot):
        for j in range(4):
            us = uvec[4 * rnd + j] & -128
            pltpu.async_copy(
                ut_hbm.at[:, pl.ds(pl.multiple_of(us, 128), 128)],
                ubuf_v.at[slot * 4 + j], sem)
            vs = ivec[4 * rnd + j] & -128
            pltpu.async_copy(
                vt_hbm.at[:, pl.ds(pl.multiple_of(vs, 128), 128)],
                vbuf_v.at[slot * 4 + j], sem)

    def drain(slot):
        for j in range(4):
            pltpu.make_async_copy(
                ut_hbm.at[:, pl.ds(0, 128)], ubuf_v.at[slot * 4 + j], sem
            ).wait()
            pltpu.make_async_copy(
                vt_hbm.at[:, pl.ds(0, 128)], vbuf_v.at[slot * 4 + j], sem
            ).wait()

    def step(i, carry):
        uvec, ivec = carry
        lu = uvec & 127
        lv = ivec & 127
        nxt = jnp.minimum(i + 1, NITER - 1)
        unext = uidx_v[pl.ds(nxt * L, L)]
        inext = iidx_v[pl.ds(nxt * L, L)]
        out16 = jnp.zeros((L,), jnp.float32)

        for rnd in range(4):
            slot = rnd % 2
            if rnd < 3:
                issue(uvec, ivec, rnd + 1, (rnd + 1) % 2)
            else:
                @pl.when(i < NITER - 1)
                def _():
                    issue(unext, inext, 0, 0)
            drain(slot)

            bvec = slot * 4 + lane_mod4
            lanesu = _perm(lu, 4 * rnd + lane_mod4)
            lanesv = _perm(lv, 4 * rnd + lane_mod4)
            acc = jnp.zeros((L,), jnp.float32)
            for t in range(8):
                rvec = 4 * t + row_div4
                ug = plsc.load_gather(ubuf_v, [bvec, rvec, lanesu])
                vg = plsc.load_gather(vbuf_v, [bvec, rvec, lanesv])
                acc = acc + ug * vg
            acc = acc + _perm(acc, (iota + 8) & 15)
            acc = acc + _perm(acc, (iota + 4) & 15)
            placed = _perm(acc, (iota - 4 * rnd) & 15)
            mask = (iota >= 4 * rnd) & (iota < 4 * rnd + 4)
            out16 = jnp.where(mask, placed, out16)

        out_v[pl.ds(i * L, L)] = out16
        return (unext, inext)

    uvec0 = uidx_v[pl.ds(0, L)]
    ivec0 = iidx_v[pl.ds(0, L)]
    issue(uvec0, ivec0, 0, 0)
    lax.fori_loop(0, NITER, step, (uvec0, ivec0))

    pltpu.sync_copy(out_v, out_hbm.at[pl.ds(base, BPW)])


@jax.jit
def _cf(user, item, user_factors, item_factors):
    kern = pl.kernel(
        _cf_body,
        out_type=jax.ShapeDtypeStruct((B,), jnp.float32),
        mesh=plsc.VectorSubcoreMesh(core_axis_name="c", subcore_axis_name="s"),
        compiler_params=pltpu.CompilerParams(needs_layout_passes=False),
        scratch_types=[
            pltpu.VMEM((BPW,), jnp.int32),
            pltpu.VMEM((BPW,), jnp.int32),
            pltpu.VMEM((8, F, 128), jnp.float32),
            pltpu.VMEM((8, F, 128), jnp.float32),
            pltpu.VMEM((BPW,), jnp.float32),
            pltpu.SemaphoreType.DMA,
        ],
    )
    return kern(user_factors.T, item_factors.T, user, item)


def kernel(user, item, user_factors, item_factors):
    return _cf(user.astype(jnp.int32), item.astype(jnp.int32),
               user_factors, item_factors)

# --- scband reference (transcript-rebuilt; emitter-appended) ---
"""Pipeline reference for scband-collaborative-filtering-model-66666482369011 (READ-ONLY COPY).

The authoritative reference and input builder live on the scoring server;
editing this copy changes nothing except your own understanding.
"""

import jax, jax.numpy as jnp
import numpy as np

NUM_USERS = 1000000
NUM_ITEMS = 1000000
NUM_FACTORS = 32
BATCH = 16384

def setup_inputs(seed: int = 0) -> dict:
    key = jax.random.key(seed)
    k1, k2, k3, k4 = jax.random.split(key, 4)
    user = jax.random.randint(k1, (BATCH,), 0, NUM_USERS, dtype=jnp.int64) if jax.config.jax_enable_x64 else jax.random.randint(k1, (BATCH,), 0, NUM_USERS, dtype=jnp.int32)
    item = jax.random.randint(k2, (BATCH,), 0, NUM_ITEMS, dtype=jnp.int32)
    user = user.astype(jnp.int32)
    # nn.Embedding default init: N(0, 1)
    user_factors = jax.random.normal(k3, (NUM_USERS, NUM_FACTORS), dtype=jnp.float32)
    item_factors = jax.random.normal(k4, (NUM_ITEMS, NUM_FACTORS), dtype=jnp.float32)
    return {"user": user, "item": item, "user_factors": user_factors, "item_factors": item_factors}

def reference(user, item, user_factors, item_factors):
    u = jnp.take(user_factors, user, axis=0)  # [B, F]
    v = jnp.take(item_factors, item, axis=0)  # [B, F]
    return (u * v).sum(axis=1)  # [B]

if __name__ == "__main__":
    import jax
    _d = setup_inputs()
    print(jax.jit(kernel)(*tuple(_d.values())))

</pallas_src>

<mosaic_0001>
#map = affine_map<(d0, d1) -> (0, 0)>
#map1 = affine_map<(d0, d1) -> (0)>
module attributes {stable_mosaic.version = 14 : i64} {
  func.func @_cf_body(%arg0: i32, %arg1: i32, %arg2: memref<32x1000000xf32, #tpu.memory_space<hbm>>, %arg3: memref<32x1000000xf32, #tpu.memory_space<hbm>>, %arg4: memref<16384xi32, #tpu.memory_space<hbm>>, %arg5: memref<16384xi32, #tpu.memory_space<hbm>>, %arg6: memref<16384xf32, #tpu.memory_space<hbm>>, %arg7: memref<512xi32, #tpu.memory_space<vmem>>, %arg8: memref<512xi32, #tpu.memory_space<vmem>>, %arg9: memref<8x32x128xf32, #tpu.memory_space<vmem>>, %arg10: memref<8x32x128xf32, #tpu.memory_space<vmem>>, %arg11: memref<512xf32, #tpu.memory_space<vmem>>, %arg12: memref<!tpu.dma_semaphore, #tpu.memory_space<semaphore_mem>>) attributes {dimension_semantics = [#tpu.dimension_semantics<core_parallel>, #tpu.dimension_semantics<subcore_parallel>], iteration_bounds = array<i64: 2, 16>, scalar_prefetch = 0 : i64, scratch_operands = 6 : i64, tpu.core_type = #tpu.core_type<sc_vector_subcore>, window_params = [{transform_indices = #map}, {transform_indices = #map}, {transform_indices = #map1}, {transform_indices = #map1}, {transform_indices = #map1}]} {
    %mul3A = arith.constant 2 : i32
    %mul3A_0 = arith.muli %arg1, %mul3A : i32
    %add3A = arith.addi %mul3A_0, %arg0 : i32
    %mul3A_1 = arith.constant 512 : i32
    %mul3A_2 = arith.muli %add3A, %mul3A_1 : i32
    "tpu.region"() ({
      %run_scoped3A = tpu.sem_alloc : memref<!tpu.dma_semaphore, #tpu.memory_space<semaphore_mem>>
      %dma_start3A_155 = tpu.memref_slice %arg4[%mul3A_2] : memref<16384xi32, #tpu.memory_space<hbm>> -> memref<512xi32, #tpu.memory_space<hbm>>
      %dma_start3A_156 = tpu.memref_slice %arg4[%mul3A_2] : memref<16384xi32, #tpu.memory_space<hbm>> -> memref<512xi32, #tpu.memory_space<hbm>>
      tpu.enqueue_dma source(%dma_start3A_156 : memref<512xi32, #tpu.memory_space<hbm>>) target(%arg7 : memref<512xi32, #tpu.memory_space<vmem>>) target_semaphore(%run_scoped3A : memref<!tpu.dma_semaphore, #tpu.memory_space<semaphore_mem>>)
      %dma_wait3A = tpu.memref_slice %arg4[%mul3A_2] : memref<16384xi32, #tpu.memory_space<hbm>> -> memref<512xi32, #tpu.memory_space<hbm>>
      %dma_wait3A_157 = tpu.memref_slice %arg4[%mul3A_2] : memref<16384xi32, #tpu.memory_space<hbm>> -> memref<512xi32, #tpu.memory_space<hbm>>
      tpu.wait_dma2 semaphore(%run_scoped3A : memref<!tpu.dma_semaphore, #tpu.memory_space<semaphore_mem>>) src(%dma_wait3A_157 : memref<512xi32, #tpu.memory_space<hbm>>) dst(%arg7 : memref<512xi32, #tpu.memory_space<vmem>>)
      tpu.yield
    }) : () -> ()
    "tpu.region"() ({
      %run_scoped3A = tpu.sem_alloc : memref<!tpu.dma_semaphore, #tpu.memory_space<semaphore_mem>>
      %dma_start3A_155 = tpu.memref_slice %arg5[%mul3A_2] : memref<16384xi32, #tpu.memory_space<hbm>> -> memref<512xi32, #tpu.memory_space<hbm>>
      %dma_start3A_156 = tpu.memref_slice %arg5[%mul3A_2] : memref<16384xi32, #tpu.memory_space<hbm>> -> memref<512xi32, #tpu.memory_space<hbm>>
      tpu.enqueue_dma source(%dma_start3A_156 : memref<512xi32, #tpu.memory_space<hbm>>) target(%arg8 : memref<512xi32, #tpu.memory_space<vmem>>) target_semaphore(%run_scoped3A : memref<!tpu.dma_semaphore, #tpu.memory_space<semaphore_mem>>)
      %dma_wait3A = tpu.memref_slice %arg5[%mul3A_2] : memref<16384xi32, #tpu.memory_space<hbm>> -> memref<512xi32, #tpu.memory_space<hbm>>
      %dma_wait3A_157 = tpu.memref_slice %arg5[%mul3A_2] : memref<16384xi32, #tpu.memory_space<hbm>> -> memref<512xi32, #tpu.memory_space<hbm>>
      tpu.wait_dma2 semaphore(%run_scoped3A : memref<!tpu.dma_semaphore, #tpu.memory_space<semaphore_mem>>) src(%dma_wait3A_157 : memref<512xi32, #tpu.memory_space<hbm>>) dst(%arg8 : memref<512xi32, #tpu.memory_space<vmem>>)
      tpu.yield
    }) : () -> ()
    %iota3A = tpu.iota {dimensions = array<i32: 0>} : vector<16xi32>
    %and3A = arith.constant 3 : i32
    %and3A_3 = vector.broadcast %and3A : i32 to vector<16xi32>
    %and3A_4 = arith.andi %iota3A, %and3A_3 : vector<16xi32>
    %shift_right_arithmetic3A = arith.constant 2 : i32
    %shift_right_arithmetic3A_5 = vector.broadcast %shift_right_arithmetic3A : i32 to vector<16xi32>
    %shift_right_arithmetic3A_6 = arith.shrsi %iota3A, %shift_right_arithmetic3A_5 : vector<16xi32>
    %get3A = arith.constant 0 : index
    %get3A_7 = tpu.vector_load %arg7[%get3A] {strides = array<i32>} : memref<512xi32, #tpu.memory_space<vmem>>, vector<16xi32>,
    %get3A_8 = arith.constant 0 : index
    %get3A_9 = tpu.vector_load %arg8[%get3A_8] {strides = array<i32>} : memref<512xi32, #tpu.memory_space<vmem>>, vector<16xi32>,
    %slice3A = vector.extract_strided_slice %get3A_7 {offsets = [0], sizes = [1], strides = [1]} : vector<16xi32> to vector<1xi32>
    %squeeze3A = vector.extract %slice3A[0] : i32 from vector<1xi32>
    %and3A_10 = arith.constant -128 : i32
    %and3A_11 = arith.andi %squeeze3A, %and3A_10 : i32
    %multiple_of3A = tpu.assume_multiple %and3A_11, 128 : i32
    %dma_start3A = arith.constant 0 : i32
    %dma_start3A_12 = arith.constant 0 : i32
    %dma_start3A_13 = arith.constant 0 : i32
    %dma_start3A_14 = tpu.memref_slice %arg9[%dma_start3A, %dma_start3A_12, %dma_start3A_13] : memref<8x32x128xf32, #tpu.memory_space<vmem>> -> memref<1x32x128xf32, #tpu.memory_space<vmem>>
    %dma_start3A_15 = tpu.memref_squeeze %dma_start3A_14 : memref<1x32x128xf32, #tpu.memory_space<vmem>> -> memref<32x128xf32, #tpu.memory_space<vmem>>
    %dma_start3A_16 = arith.constant 0 : i32
    %dma_start3A_17 = tpu.memref_slice %arg2[%dma_start3A_16, %multiple_of3A] : memref<32x1000000xf32, #tpu.memory_space<hbm>> -> memref<32x128xf32, #tpu.memory_space<hbm>>
    %dma_start3A_18 = arith.constant 0 : i32
    %dma_start3A_19 = arith.constant 0 : i32
    %dma_start3A_20 = tpu.memref_slice %arg9[%dma_start3A, %dma_start3A_18, %dma_start3A_19] : memref<8x32x128xf32, #tpu.memory_space<vmem>> -> memref<1x32x128xf32, #tpu.memory_space<vmem>>
    %dma_start3A_21 = tpu.memref_squeeze %dma_start3A_20 : memref<1x32x128xf32, #tpu.memory_space<vmem>> -> memref<32x128xf32, #tpu.memory_space<vmem>>
    %dma_start3A_22 = arith.constant 0 : i32
    %dma_start3A_23 = tpu.memref_slice %arg2[%dma_start3A_22, %multiple_of3A] : memref<32x1000000xf32, #tpu.memory_space<hbm>> -> memref<32x128xf32, #tpu.memory_space<hbm>>
    tpu.enqueue_dma source(%dma_start3A_23 : memref<32x128xf32, #tpu.memory_space<hbm>>) target(%dma_start3A_21 : memref<32x128xf32, #tpu.memory_space<vmem>>) target_semaphore(%arg12 : memref<!tpu.dma_semaphore, #tpu.memory_space<semaphore_mem>>)
    %slice3A_24 = vector.extract_strided_slice %get3A_9 {offsets = [0], sizes = [1], strides = [1]} : vector<16xi32> to vector<1xi32>
    %squeeze3A_25 = vector.extract %slice3A_24[0] : i32 from vector<1xi32>
    %and3A_26 = arith.constant -128 : i32
    %and3A_27 = arith.andi %squeeze3A_25, %and3A_26 : i32
    %multiple_of3A_28 = tpu.assume_multiple %and3A_27, 128 : i32
    %dma_start3A_29 = arith.constant 0 : i32
    %dma_start3A_30 = arith.constant 0 : i32
    %dma_start3A_31 = arith.constant 0 : i32
    %dma_start3A_32 = tpu.memref_slice %arg10[%dma_start3A_29, %dma_start3A_30, %dma_start3A_31] : memref<8x32x128xf32, #tpu.memory_space<vmem>> -> memref<1x32x128xf32, #tpu.memory_space<vmem>>
    %dma_start3A_33 = tpu.memref_squeeze %dma_start3A_32 : memref<1x32x128xf32, #tpu.memory_space<vmem>> -> memref<32x128xf32, #tpu.memory_space<vmem>>
    %dma_start3A_34 = arith.constant 0 : i32
    %dma_start3A_35 = tpu.memref_slice %arg3[%dma_start3A_34, %multiple_of3A_28] : memref<32x1000000xf32, #tpu.memory_space<hbm>> -> memref<32x128xf32, #tpu.memory_space<hbm>>
    %dma_start3A_36 = arith.constant 0 : i32
    %dma_start3A_37 = arith.constant 0 : i32
    %dma_start3A_38 = tpu.memref_slice %arg10[%dma_start3A_29, %dma_start3A_36, %dma_start3A_37] : memref<8x32x128xf32, #tpu.memory_space<vmem>> -> memref<1x32x128xf32, #tpu.memory_space<vmem>>
    %dma_start3A_39 = tpu.memref_squeeze %dma_start3A_38 : memref<1x32x128xf32, #tpu.memory_space<vmem>> -> memref<32x128xf32, #tpu.memory_space<vmem>>
    %dma_start3A_40 = arith.constant 0 : i32
    %dma_start3A_41 = tpu.memref_slice %arg3[%dma_start3A_40, %multiple_of3A_28] : memref<32x1000000xf32, #tpu.memory_space<hbm>> -> memref<32x128xf32, #tpu.memory_space<hbm>>
    tpu.enqueue_dma source(%dma_start3A_41 : memref<32x128xf32, #tpu.memory_space<hbm>>) target(%dma_start3A_39 : memref<32x128xf32, #tpu.memory_space<vmem>>) target_semaphore(%arg12 : memref<!tpu.dma_semaphore, #tpu.memory_space<semaphore_mem>>)
    %slice3A_42 = vector.extract_strided_slice %get3A_7 {offsets = [1], sizes = [1], strides = [1]} : vector<16xi32> to vector<1xi32>
    %squeeze3A_43 = vector.extract %slice3A_42[0] : i32 from vector<1xi32>
    %and3A_44 = arith.constant -128 : i32
    %and3A_45 = arith.andi %squeeze3A_43, %and3A_44 : i32
    %multiple_of3A_46 = tpu.assume_multiple %and3A_45, 128 : i32
    %dma_start3A_47 = arith.constant 1 : i32
    %dma_start3A_48 = arith.constant 0 : i32
    %dma_start3A_49 = arith.constant 0 : i32
    %dma_start3A_50 = tpu.memref_slice %arg9[%dma_start3A_47, %dma_start3A_48, %dma_start3A_49] : memref<8x32x128xf32, #tpu.memory_space<vmem>> -> memref<1x32x128xf32, #tpu.memory_space<vmem>>
    %dma_start3A_51 = tpu.memref_squeeze %dma_start3A_50 : memref<1x32x128xf32, #tpu.memory_space<vmem>> -> memref<32x128xf32, #tpu.memory_space<vmem>>
    %dma_start3A_52 = arith.constant 0 : i32
    %dma_start3A_53 = tpu.memref_slice %arg2[%dma_start3A_52, %multiple_of3A_46] : memref<32x1000000xf32, #tpu.memory_space<hbm>> -> memref<32x128xf32, #tpu.memory_space<hbm>>
    %dma_start3A_54 = arith.constant 0 : i32
    %dma_start3A_55 = arith.constant 0 : i32
    %dma_start3A_56 = tpu.memref_slice %arg9[%dma_start3A_47, %dma_start3A_54, %dma_start3A_55] : memref<8x32x128xf32, #tpu.memory_space<vmem>> -> memref<1x32x128xf32, #tpu.memory_space<vmem>>
    %dma_start3A_57 = tpu.memref_squeeze %dma_start3A_56 : memref<1x32x128xf32, #tpu.memory_space<vmem>> -> memref<32x128xf32, #tpu.memory_space<vmem>>
    %dma_start3A_58 = arith.constant 0 : i32
    %dma_start3A_59 = tpu.memref_slice %arg2[%dma_start3A_58, %multiple_of3A_46] : memref<32x1000000xf32, #tpu.memory_space<hbm>> -> memref<32x128xf32, #tpu.memory_space<hbm>>
    tpu.enqueue_dma source(%dma_start3A_59 : memref<32x128xf32, #tpu.memory_space<hbm>>) target(%dma_start3A_57 : memref<32x128xf32, #tpu.memory_space<vmem>>) target_semaphore(%arg12 : memref<!tpu.dma_semaphore, #tpu.memory_space<semaphore_mem>>)
    %slice3A_60 = vector.extract_strided_slice %get3A_9 {offsets = [1], sizes = [1], strides = [1]} : vector<16xi32> to vector<1xi32>
    %squeeze3A_61 = vector.extract %slice3A_60[0] : i32 from vector<1xi32>
    %and3A_62 = arith.constant -128 : i32
    %and3A_63 = arith.andi %squeeze3A_61, %and3A_62 : i32
    %multiple_of3A_64 = tpu.assume_multiple %and3A_63, 128 : i32
    %dma_start3A_65 = arith.constant 1 : i32
    %dma_start3A_66 = arith.constant 0 : i32
    %dma_start3A_67 = arith.constant 0 : i32
    %dma_start3A_68 = tpu.memref_slice %arg10[%dma_start3A_65, %dma_start3A_66, %dma_start3A_67] : memref<8x32x128xf32, #tpu.memory_space<vmem>> -> memref<1x32x128xf32, #tpu.memory_space<vmem>>
    %dma_start3A_69 = tpu.memref_squeeze %dma_start3A_68 : memref<1x32x128xf32, #tpu.memory_space<vmem>> -> memref<32x128xf32, #tpu.memory_space<vmem>>
    %dma_start3A_70 = arith.constant 0 : i32
    %dma_start3A_71 = tpu.memref_slice %arg3[%dma_start3A_70, %multiple_of3A_64] : memref<32x1000000xf32, #tpu.memory_space<hbm>> -> memref<32x128xf32, #tpu.memory_space<hbm>>
    %dma_start3A_72 = arith.constant 0 : i32
    %dma_start3A_73 = arith.constant 0 : i32
    %dma_start3A_74 = tpu.memref_slice %arg10[%dma_start3A_65, %dma_start3A_72, %dma_start3A_73] : memref<8x32x128xf32, #tpu.memory_space<vmem>> -> memref<1x32x128xf32, #tpu.memory_space<vmem>>
    %dma_start3A_75 = tpu.memref_squeeze %dma_start3A_74 : memref<1x32x128xf32, #tpu.memory_space<vmem>> -> memref<32x128xf32, #tpu.memory_space<vmem>>
    %dma_start3A_76 = arith.constant 0 : i32
    %dma_start3A_77 = tpu.memref_slice %arg3[%dma_start3A_76, %multiple_of3A_64] : memref<32x1000000xf32, #tpu.memory_space<hbm>> -> memref<32x128xf32, #tpu.memory_space<hbm>>
    tpu.enqueue_dma source(%dma_start3A_77 : memref<32x128xf32, #tpu.memory_space<hbm>>) target(%dma_start3A_75 : memref<32x128xf32, #tpu.memory_space<vmem>>) target_semaphore(%arg12 : memref<!tpu.dma_semaphore, #tpu.memory_space<semaphore_mem>>)
    %slice3A_78 = vector.extract_strided_slice %get3A_7 {offsets = [2], sizes = [1], strides = [1]} : vector<16xi32> to vector<1xi32>
    %squeeze3A_79 = vector.extract %slice3A_78[0] : i32 from vector<1xi32>
    %and3A_80 = arith.constant -128 : i32
    %and3A_81 = arith.andi %squeeze3A_79, %and3A_80 : i32
    %multiple_of3A_82 = tpu.assume_multiple %and3A_81, 128 : i32
    %dma_start3A_83 = arith.constant 2 : i32
    %dma_start3A_84 = arith.constant 0 : i32
    %dma_start3A_85 = arith.constant 0 : i32
    %dma_start3A_86 = tpu.memref_slice %arg9[%dma_start3A_83, %dma_start3A_84, %dma_start3A_85] : memref<8x32x128xf32, #tpu.memory_space<vmem>> -> memref<1x32x128xf32, #tpu.memory_space<vmem>>
    %dma_start3A_87 = tpu.memref_squeeze %dma_start3A_86 : memref<1x32x128xf32, #tpu.memory_space<vmem>> -> memref<32x128xf32, #tpu.memory_space<vmem>>
    %dma_start3A_88 = arith.constant 0 : i32
    %dma_start3A_89 = tpu.memref_slice %arg2[%dma_start3A_88, %multiple_of3A_82] : memref<32x1000000xf32, #tpu.memory_space<hbm>> -> memref<32x128xf32, #tpu.memory_space<hbm>>
    %dma_start3A_90 = arith.constant 0 : i32
    %dma_start3A_91 = arith.constant 0 : i32
    %dma_start3A_92 = tpu.memref_slice %arg9[%dma_start3A_83, %dma_start3A_90, %dma_start3A_91] : memref<8x32x128xf32, #tpu.memory_space<vmem>> -> memref<1x32x128xf32, #tpu.memory_space<vmem>>
    %dma_start3A_93 = tpu.memref_squeeze %dma_start3A_92 : memref<1x32x128xf32, #tpu.memory_space<vmem>> -> memref<32x128xf32, #tpu.memory_space<vmem>>
    %dma_start3A_94 = arith.constant 0 : i32
    %dma_start3A_95 = tpu.memref_slice %arg2[%dma_start3A_94, %multiple_of3A_82] : memref<32x1000000xf32, #tpu.memory_space<hbm>> -> memref<32x128xf32, #tpu.memory_space<hbm>>
    tpu.enqueue_dma source(%dma_start3A_95 : memref<32x128xf32, #tpu.memory_space<hbm>>) target(%dma_start3A_93 : memref<32x128xf32, #tpu.memory_space<vmem>>) target_semaphore(%arg12 : memref<!tpu.dma_semaphore, #tpu.memory_space<semaphore_mem>>)
    %slice3A_96 = vector.extract_strided_slice %get3A_9 {offsets = [2], sizes = [1], strides = [1]} : vector<16xi32> to vector<1xi32>
    %squeeze3A_97 = vector.extract %slice3A_96[0] : i32 from vector<1xi32>
    %and3A_98 = arith.constant -128 : i32
    %and3A_99 = arith.andi %squeeze3A_97, %and3A_98 : i32
    %multiple_of3A_100 = tpu.assume_multiple %and3A_99, 128 : i32
    %dma_start3A_101 = arith.constant 2 : i32
    %dma_start3A_102 = arith.constant 0 : i32
    %dma_start3A_103 = arith.constant 0 : i32
    %dma_start3A_104 = tpu.memref_slice %arg10[%dma_start3A_101, %dma_start3A_102, %dma_start3A_103] : memref<8x32x128xf32, #tpu.memory_space<vmem>> -> memref<1x32x128xf32, #tpu.memory_space<vmem>>
    %dma_start3A_105 = tpu.memref_squeeze %dma_start3A_104 : memref<1x32x128xf32, #tpu.memory_space<vmem>> -> memref<32x128xf32, #tpu.memory_space<vmem>>
    %dma_start3A_106 = arith.constant 0 : i32
    %dma_start3A_107 = tpu.memref_slice %arg3[%dma_start3A_106, %multiple_of3A_100] : memref<32x1000000xf32, #tpu.memory_space<hbm>> -> memref<32x128xf32, #tpu.memory_space<hbm>>
    %dma_start3A_108 = arith.constant 0 : i32
    %dma_start3A_109 = arith.constant 0 : i32
    %dma_start3A_110 = tpu.memref_slice %arg10[%dma_start3A_101, %dma_start3A_108, %dma_start3A_109] : memref<8x32x128xf32, #tpu.memory_space<vmem>> -> memref<1x32x128xf32, #tpu.memory_space<vmem>>
    %dma_start3A_111 = tpu.memref_squeeze %dma_start3A_110 : memref<1x32x128xf32, #tpu.memory_space<vmem>> -> memref<32x128xf32, #tpu.memory_space<vmem>>
    %dma_start3A_112 = arith.constant 0 : i32
    %dma_start3A_113 = tpu.memref_slice %arg3[%dma_start3A_112, %multiple_of3A_100] : memref<32x1000000xf32, #tpu.memory_space<hbm>> -> memref<32x128xf32, #tpu.memory_space<hbm>>
    tpu.enqueue_dma source(%dma_start3A_113 : memref<32x128xf32, #tpu.memory_space<hbm>>) target(%dma_start3A_111 : memref<32x128xf32, #tpu.memory_space<vmem>>) target_semaphore(%arg12 : memref<!tpu.dma_semaphore, #tpu.memory_space<semaphore_mem>>)
    %slice3A_114 = vector.extract_strided_slice %get3A_7 {offsets = [3], sizes = [1], strides = [1]} : vector<16xi32> to vector<1xi32>
    %squeeze3A_115 = vector.extract %slice3A_114[0] : i32 from vector<1xi32>
    %and3A_116 = arith.constant -128 : i32
    %and3A_117 = arith.andi %squeeze3A_115, %and3A_116 : i32
    %multiple_of3A_118 = tpu.assume_multiple %and3A_117, 128 : i32
    %dma_start3A_119 = arith.constant 3 : i32
    %dma_start3A_120 = arith.constant 0 : i32
    %dma_start3A_121 = arith.constant 0 : i32
    %dma_start3A_122 = tpu.memref_slice %arg9[%dma_start3A_119, %dma_start3A_120, %dma_start3A_121] : memref<8x32x128xf32, #tpu.memory_space<vmem>> -> memref<1x32x128xf32, #tpu.memory_space<vmem>>
    %dma_start3A_123 = tpu.memref_squeeze %dma_start3A_122 : memref<1x32x128xf32, #tpu.memory_space<vmem>> -> memref<32x128xf32, #tpu.memory_space<vmem>>
    %dma_start3A_124 = arith.constant 0 : i32
    %dma_start3A_125 = tpu.memref_slice %arg2[%dma_start3A_124, %multiple_of3A_118] : memref<32x1000000xf32, #tpu.memory_space<hbm>> -> memref<32x128xf32, #tpu.memory_space<hbm>>
    %dma_start3A_126 = arith.constant 0 : i32
    %dma_start3A_127 = arith.constant 0 : i32
    %dma_start3A_128 = tpu.memref_slice %arg9[%dma_start3A_119, %dma_start3A_126, %dma_start3A_127] : memref<8x32x128xf32, #tpu.memory_space<vmem>> -> memref<1x32x128xf32, #tpu.memory_space<vmem>>
    %dma_start3A_129 = tpu.memref_squeeze %dma_start3A_128 : memref<1x32x128xf32, #tpu.memory_space<vmem>> -> memref<32x128xf32, #tpu.memory_space<vmem>>
    %dma_start3A_130 = arith.constant 0 : i32
    %dma_start3A_131 = tpu.memref_slice %arg2[%dma_start3A_130, %multiple_of3A_118] : memref<32x1000000xf32, #tpu.memory_space<hbm>> -> memref<32x128xf32, #tpu.memory_space<hbm>>
    tpu.enqueue_dma source(%dma_start3A_131 : memref<32x128xf32, #tpu.memory_space<hbm>>) target(%dma_start3A_129 : memref<32x128xf32, #tpu.memory_space<vmem>>) target_semaphore(%arg12 : memref<!tpu.dma_semaphore, #tpu.memory_space<semaphore_mem>>)
    %slice3A_132 = vector.extract_strided_slice %get3A_9 {offsets = [3], sizes = [1], strides = [1]} : vector<16xi32> to vector<1xi32>
    %squeeze3A_133 = vector.extract %slice3A_132[0] : i32 from vector<1xi32>
    %and3A_134 = arith.constant -128 : i32
    %and3A_135 = arith.andi %squeeze3A_133, %and3A_134 : i32
    %multiple_of3A_136 = tpu.assume_multiple %and3A_135, 128 : i32
    %dma_start3A_137 = arith.constant 3 : i32
    %dma_start3A_138 = arith.constant 0 : i32
    %dma_start3A_139 = arith.constant 0 : i32
    %dma_start3A_140 = tpu.memref_slice %arg10[%dma_start3A_137, %dma_start3A_138, %dma_start3A_139] : memref<8x32x128xf32, #tpu.memory_space<vmem>> -> memref<1x32x128xf32, #tpu.memory_space<vmem>>
    %dma_start3A_141 = tpu.memref_squeeze %dma_start3A_140 : memref<1x32x128xf32, #tpu.memory_space<vmem>> -> memref<32x128xf32, #tpu.memory_space<vmem>>
    %dma_start3A_142 = arith.constant 0 : i32
    %dma_start3A_143 = tpu.memref_slice %arg3[%dma_start3A_142, %multiple_of3A_136] : memref<32x1000000xf32, #tpu.memory_space<hbm>> -> memref<32x128xf32, #tpu.memory_space<hbm>>
    %dma_start3A_144 = arith.constant 0 : i32
    %dma_start3A_145 = arith.constant 0 : i32
    %dma_start3A_146 = tpu.memref_slice %arg10[%dma_start3A_137, %dma_start3A_144, %dma_start3A_145] : memref<8x32x128xf32, #tpu.memory_space<vmem>> -> memref<1x32x128xf32, #tpu.memory_space<vmem>>
    %dma_start3A_147 = tpu.memref_squeeze %dma_start3A_146 : memref<1x32x128xf32, #tpu.memory_space<vmem>> -> memref<32x128xf32, #tpu.memory_space<vmem>>
    %dma_start3A_148 = arith.constant 0 : i32
    %dma_start3A_149 = tpu.memref_slice %arg3[%dma_start3A_148, %multiple_of3A_136] : memref<32x1000000xf32, #tpu.memory_space<hbm>> -> memref<32x128xf32, #tpu.memory_space<hbm>>
    tpu.enqueue_dma source(%dma_start3A_149 : memref<32x128xf32, #tpu.memory_space<hbm>>) target(%dma_start3A_147 : memref<32x128xf32, #tpu.memory_space<vmem>>) target_semaphore(%arg12 : memref<!tpu.dma_semaphore, #tpu.memory_space<semaphore_mem>>)
    %scan3A = arith.constant 0 : i32
    %scan3A_150 = arith.constant 32 : i32
    %scan3A_151 = arith.addi %scan3A, %scan3A_150 : i32
    %scan3A_152 = arith.constant 1 : i32
    %scan3A_153:2 = scf.for %scan3A_155 = %scan3A to %scan3A_151 step %scan3A_152 iter_args(%scan3A_156 = %get3A_7, %scan3A_157 = %get3A_9) -> (vector<16xi32>, vector<16xi32>)  : i32 {
      %and3A_158 = arith.constant 127 : i32
      %and3A_159 = vector.broadcast %and3A_158 : i32 to vector<16xi32>
      %and3A_160 = arith.andi %scan3A_156, %and3A_159 : vector<16xi32>
      %and3A_161 = arith.constant 127 : i32
      %and3A_162 = vector.broadcast %and3A_161 : i32 to vector<16xi32>
      %and3A_163 = arith.andi %scan3A_157, %and3A_162 : vector<16xi32>
      %add3A_164 = arith.constant 1 : i32
      %add3A_165 = arith.addi %scan3A_155, %add3A_164 : i32
      %min3A = arith.constant 31 : i32
      %min3A_166 = arith.minsi %add3A_165, %min3A : i32
      %mul3A_167 = arith.constant 16 : i32
      %mul3A_168 = arith.muli %min3A_166, %mul3A_167 : i32
      %get3A_169 = arith.index_cast %mul3A_168 : i32 to index
      %get3A_170 = tpu.vector_load %arg7[%get3A_169] {strides = array<i32>} : memref<512xi32, #tpu.memory_space<vmem>>, vector<16xi32>,
      %mul3A_171 = arith.constant 16 : i32
      %mul3A_172 = arith.muli %min3A_166, %mul3A_171 : i32
      %get3A_173 = arith.index_cast %mul3A_172 : i32 to index
      %get3A_174 = tpu.vector_load %arg8[%get3A_173] {strides = array<i32>} : memref<512xi32, #tpu.memory_space<vmem>>, vector<16xi32>,
      %broadcast_in_dim3A = arith.constant 0.000000e+00 : f32
      %broadcast_in_dim3A_175 = vector.broadcast %broadcast_in_dim3A : f32 to vector<16xf32>
      %slice3A_176 = vector.extract_strided_slice %scan3A_156 {offsets = [4], sizes = [1], strides = [1]} : vector<16xi32> to vector<1xi32>
      %squeeze3A_177 = vector.extract %slice3A_176[0] : i32 from vector<1xi32>
      %and3A_178 = arith.constant -128 : i32
      %and3A_179 = arith.andi %squeeze3A_177, %and3A_178 : i32
      %multiple_of3A_180 = tpu.assume_multiple %and3A_179, 128 : i32
      %dma_start3A_181 = arith.constant 4 : i32
      %dma_start3A_182 = arith.constant 0 : i32
      %dma_start3A_183 = arith.constant 0 : i32
      %dma_start3A_184 = tpu.memref_slice %arg9[%dma_start3A_181, %dma_start3A_182, %dma_start3A_183] : memref<8x32x128xf32, #tpu.memory_space<vmem>> -> memref<1x32x128xf32, #tpu.memory_space<vmem>>
      %dma_start3A_185 = tpu.memref_squeeze %dma_start3A_184 : memref<1x32x128xf32, #tpu.memory_space<vmem>> -> memref<32x128xf32, #tpu.memory_space<vmem>>
      %dma_start3A_186 = arith.constant 0 : i32
      %dma_start3A_187 = tpu.memref_slice %arg2[%dma_start3A_186, %multiple_of3A_180] : memref<32x1000000xf32, #tpu.memory_space<hbm>> -> memref<32x128xf32, #tpu.memory_space<hbm>>
      %dma_start3A_188 = arith.constant 0 : i32
      %dma_start3A_189 = arith.constant 0 : i32
      %dma_start3A_190 = tpu.memref_slice %arg9[%dma_start3A_181, %dma_start3A_188, %dma_start3A_189] : memref<8x32x128xf32, #tpu.memory_space<vmem>> -> memref<1x32x128xf32, #tpu.memory_space<vmem>>
      %dma_start3A_191 = tpu.memref_squeeze %dma_start3A_190 : memref<1x32x128xf32, #tpu.memory_space<vmem>> -> memref<32x128xf32, #tpu.memory_space<vmem>>
      %dma_start3A_192 = arith.constant 0 : i32
      %dma_start3A_193 = tpu.memref_slice %arg2[%dma_start3A_192, %multiple_of3A_180] : memref<32x1000000xf32, #tpu.memory_space<hbm>> -> memref<32x128xf32, #tpu.memory_space<hbm>>
      tpu.enqueue_dma source(%dma_start3A_193 : memref<32x128xf32, #tpu.memory_space<hbm>>) target(%dma_start3A_191 : memref<32x128xf32, #tpu.memory_space<vmem>>) target_semaphore(%arg12 : memref<!tpu.dma_semaphore, #tpu.memory_space<semaphore_mem>>)
      %slice3A_194 = vector.extract_strided_slice %scan3A_157 {offsets = [4], sizes = [1], strides = [1]} : vector<16xi32> to vector<1xi32>
      %squeeze3A_195 = vector.extract %slice3A_194[0] : i32 from vector<1xi32>
      %and3A_196 = arith.constant -128 : i32
      %and3A_197 = arith.andi %squeeze3A_195, %and3A_196 : i32
      %multiple_of3A_198 = tpu.assume_multiple %and3A_197, 128 : i32
      %dma_start3A_199 = arith.constant 4 : i32
      %dma_start3A_200 = arith.constant 0 : i32
      %dma_start3A_201 = arith.constant 0 : i32
      %dma_start3A_202 = tpu.memref_slice %arg10[%dma_start3A_199, %dma_start3A_200, %dma_start3A_201] : memref<8x32x128xf32, #tpu.memory_space<vmem>> -> memref<1x32x128xf32, #tpu.memory_space<vmem>>
      %dma_start3A_203 = tpu.memref_squeeze %dma_start3A_202 : memref<1x32x128xf32, #tpu.memory_space<vmem>> -> memref<32x128xf32, #tpu.memory_space<vmem>>
      %dma_start3A_204 = arith.constant 0 : i32
      %dma_start3A_205 = tpu.memref_slice %arg3[%dma_start3A_204, %multiple_of3A_198] : memref<32x1000000xf32, #tpu.memory_space<hbm>> -> memref<32x128xf32, #tpu.memory_space<hbm>>
      %dma_start3A_206 = arith.constant 0 : i32
      %dma_start3A_207 = arith.constant 0 : i32
      %dma_start3A_208 = tpu.memref_slice %arg10[%dma_start3A_199, %dma_start3A_206, %dma_start3A_207] : memref<8x32x128xf32, #tpu.memory_space<vmem>> -> memref<1x32x128xf32, #tpu.memory_space<vmem>>
      %dma_start3A_209 = tpu.memref_squeeze %dma_start3A_208 : memref<1x32x128xf32, #tpu.memory_space<vmem>> -> memref<32x128xf32, #tpu.memory_space<vmem>>
      %dma_start3A_210 = arith.constant 0 : i32
      %dma_start3A_211 = tpu.memref_slice %arg3[%dma_start3A_210, %multiple_of3A_198] : memref<32x1000000xf32, #tpu.memory_space<hbm>> -> memref<32x128xf32, #tpu.memory_space<hbm>>
      tpu.enqueue_dma source(%dma_start3A_211 : memref<32x128xf32, #tpu.memory_space<hbm>>) target(%dma_start3A_209 : memref<32x128xf32, #tpu.memory_space<vmem>>) target_semaphore(%arg12 : memref<!tpu.dma_semaphore, #tpu.memory_space<semaphore_mem>>)
      %slice3A_212 = vector.extract_strided_slice %scan3A_156 {offsets = [5], sizes = [1], strides = [1]} : vector<16xi32> to vector<1xi32>
      %squeeze3A_213 = vector.extract %slice3A_212[0] : i32 from vector<1xi32>
      %and3A_214 = arith.constant -128 : i32
      %and3A_215 = arith.andi %squeeze3A_213, %and3A_214 : i32
      %multiple_of3A_216 = tpu.assume_multiple %and3A_215, 128 : i32
      %dma_start3A_217 = arith.constant 5 : i32
      %dma_start3A_218 = arith.constant 0 : i32
      %dma_start3A_219 = arith.constant 0 : i32
      %dma_start3A_220 = tpu.memref_slice %arg9[%dma_start3A_217, %dma_start3A_218, %dma_start3A_219] : memref<8x32x128xf32, #tpu.memory_space<vmem>> -> memref<1x32x128xf32, #tpu.memory_space<vmem>>
      %dma_start3A_221 = tpu.memref_squeeze %dma_start3A_220 : memref<1x32x128xf32, #tpu.memory_space<vmem>> -> memref<32x128xf32, #tpu.memory_space<vmem>>
      %dma_start3A_222 = arith.constant 0 : i32
      %dma_start3A_223 = tpu.memref_slice %arg2[%dma_start3A_222, %multiple_of3A_216] : memref<32x1000000xf32, #tpu.memory_space<hbm>> -> memref<32x128xf32, #tpu.memory_space<hbm>>
      %dma_start3A_224 = arith.constant 0 : i32
      %dma_start3A_225 = arith.constant 0 : i32
      %dma_start3A_226 = tpu.memref_slice %arg9[%dma_start3A_217, %dma_start3A_224, %dma_start3A_225] : memref<8x32x128xf32, #tpu.memory_space<vmem>> -> memref<1x32x128xf32, #tpu.memory_space<vmem>>
      %dma_start3A_227 = tpu.memref_squeeze %dma_start3A_226 : memref<1x32x128xf32, #tpu.memory_space<vmem>> -> memref<32x128xf32, #tpu.memory_space<vmem>>
      %dma_start3A_228 = arith.constant 0 : i32
      %dma_start3A_229 = tpu.memref_slice %arg2[%dma_start3A_228, %multiple_of3A_216] : memref<32x1000000xf32, #tpu.memory_space<hbm>> -> memref<32x128xf32, #tpu.memory_space<hbm>>
      tpu.enqueue_dma source(%dma_start3A_229 : memref<32x128xf32, #tpu.memory_space<hbm>>) target(%dma_start3A_227 : memref<32x128xf32, #tpu.memory_space<vmem>>) target_semaphore(%arg12 : memref<!tpu.dma_semaphore, #tpu.memory_space<semaphore_mem>>)
      %slice3A_230 = vector.extract_strided_slice %scan3A_157 {offsets = [5], sizes = [1], strides = [1]} : vector<16xi32> to vector<1xi32>
      %squeeze3A_231 = vector.extract %slice3A_230[0] : i32 from vector<1xi32>
      %and3A_232 = arith.constant -128 : i32
      %and3A_233 = arith.andi %squeeze3A_231, %and3A_232 : i32
      %multiple_of3A_234 = tpu.assume_multiple %and3A_233, 128 : i32
      %dma_start3A_235 = arith.constant 5 : i32
      %dma_start3A_236 = arith.constant 0 : i32
      %dma_start3A_237 = arith.constant 0 : i32
      %dma_start3A_238 = tpu.memref_slice %arg10[%dma_start3A_235, %dma_start3A_236, %dma_start3A_237] : memref<8x32x128xf32, #tpu.memory_space<vmem>> -> memref<1x32x128xf32, #tpu.memory_space<vmem>>
      %dma_start3A_239 = tpu.memref_squeeze %dma_start3A_238 : memref<1x32x128xf32, #tpu.memory_space<vmem>> -> memref<32x128xf32, #tpu.memory_space<vmem>>
      %dma_start3A_240 = arith.constant 0 : i32
      %dma_start3A_241 = tpu.memref_slice %arg3[%dma_start3A_240, %multiple_of3A_234] : memref<32x1000000xf32, #tpu.memory_space<hbm>> -> memref<32x128xf32, #tpu.memory_space<hbm>>
      %dma_start3A_242 = arith.constant 0 : i32
      %dma_start3A_243 = arith.constant 0 : i32
      %dma_start3A_244 = tpu.memref_slice %arg10[%dma_start3A_235, %dma_start3A_242, %dma_start3A_243] : memref<8x32x128xf32, #tpu.memory_space<vmem>> -> memref<1x32x128xf32, #tpu.memory_space<vmem>>
      %dma_start3A_245 = tpu.memref_squeeze %dma_start3A_244 : memref<1x32x128xf32, #tpu.memory_space<vmem>> -> memref<32x128xf32, #tpu.memory_space<vmem>>
      %dma_start3A_246 = arith.constant 0 : i32
      %dma_start3A_247 = tpu.memref_slice %arg3[%dma_start3A_246, %multiple_of3A_234] : memref<32x1000000xf32, #tpu.memory_space<hbm>> -> memref<32x128xf32, #tpu.memory_space<hbm>>
      tpu.enqueue_dma source(%dma_start3A_247 : memref<32x128xf32, #tpu.memory_space<hbm>>) target(%dma_start3A_245 : memref<32x128xf32, #tpu.memory_space<vmem>>) target_semaphore(%arg12 : memref<!tpu.dma_semaphore, #tpu.memory_space<semaphore_mem>>)
      %slice3A_248 = vector.extract_strided_slice %scan3A_156 {offsets = [6], sizes = [1], strides = [1]} : vector<16xi32> to vector<1xi32>
      %squeeze3A_249 = vector.extract %slice3A_248[0] : i32 from vector<1xi32>
      %and3A_250 = arith.constant -128 : i32
      %and3A_251 = arith.andi %squeeze3A_249, %and3A_250 : i32
      %multiple_of3A_252 = tpu.assume_multiple %and3A_251, 128 : i32
      %dma_start3A_253 = arith.constant 6 : i32
      %dma_start3A_254 = arith.constant 0 : i32
      %dma_start3A_255 = arith.constant 0 : i32
      %dma_start3A_256 = tpu.memref_slice %arg9[%dma_start3A_253, %dma_start3A_254, %dma_start3A_255] : memref<8x32x128xf32, #tpu.memory_space<vmem>> -> memref<1x32x128xf32, #tpu.memory_space<vmem>>
      %dma_start3A_257 = tpu.memref_squeeze %dma_start3A_256 : memref<1x32x128xf32, #tpu.memory_space<vmem>> -> memref<32x128xf32, #tpu.memory_space<vmem>>
      %dma_start3A_258 = arith.constant 0 : i32
      %dma_start3A_259 = tpu.memref_slice %arg2[%dma_start3A_258, %multiple_of3A_252] : memref<32x1000000xf32, #tpu.memory_space<hbm>> -> memref<32x128xf32, #tpu.memory_space<hbm>>
      %dma_start3A_260 = arith.constant 0 : i32
      %dma_start3A_261 = arith.constant 0 : i32
      %dma_start3A_262 = tpu.memref_slice %arg9[%dma_start3A_253, %dma_start3A_260, %dma_start3A_261] : memref<8x32x128xf32, #tpu.memory_space<vmem>> -> memref<1x32x128xf32, #tpu.memory_space<vmem>>
      %dma_start3A_263 = tpu.memref_squeeze %dma_start3A_262 : memref<1x32x128xf32, #tpu.memory_space<vmem>> -> memref<32x128xf32, #tpu.memory_space<vmem>>
      %dma_start3A_264 = arith.constant 0 : i32
      %dma_start3A_265 = tpu.memref_slice %arg2[%dma_start3A_264, %multiple_of3A_252] : memref<32x1000000xf32, #tpu.memory_space<hbm>> -> memref<32x128xf32, #tpu.memory_space<hbm>>
      tpu.enqueue_dma source(%dma_start3A_265 : memref<32x128xf32, #tpu.memory_space<hbm>>) target(%dma_start3A_263 : memref<32x128xf32, #tpu.memory_space<vmem>>) target_semaphore(%arg12 : memref<!tpu.dma_semaphore, #tpu.memory_space<semaphore_mem>>)
      %slice3A_266 = vector.extract_strided_slice %scan3A_157 {offsets = [6], sizes = [1], strides = [1]} : vector<16xi32> to vector<1xi32>
      %squeeze3A_267 = vector.extract %slice3A_266[0] : i32 from vector<1xi32>
      %and3A_268 = arith.constant -128 : i32
      %and3A_269 = arith.andi %squeeze3A_267, %and3A_268 : i32
      %multiple_of3A_270 = tpu.assume_multiple %and3A_269, 128 : i32
      %dma_start3A_271 = arith.constant 6 : i32
      %dma_start3A_272 = arith.constant 0 : i32
      %dma_start3A_273 = arith.constant 0 : i32
      %dma_start3A_274 = tpu.memref_slice %arg10[%dma_start3A_271, %dma_start3A_272, %dma_start3A_273] : memref<8x32x128xf32, #tpu.memory_space<vmem>> -> memref<1x32x128xf32, #tpu.memory_space<vmem>>
      %dma_start3A_275 = tpu.memref_squeeze %dma_start3A_274 : memref<1x32x128xf32, #tpu.memory_space<vmem>> -> memref<32x128xf32, #tpu.memory_space<vmem>>
      %dma_start3A_276 = arith.constant 0 : i32
      %dma_start3A_277 = tpu.memref_slice %arg3[%dma_start3A_276, %multiple_of3A_270] : memref<32x1000000xf32, #tpu.memory_space<hbm>> -> memref<32x128xf32, #tpu.memory_space<hbm>>
      %dma_start3A_278 = arith.constant 0 : i32
      %dma_start3A_279 = arith.constant 0 : i32
      %dma_start3A_280 = tpu.memref_slice %arg10[%dma_start3A_271, %dma_start3A_278, %dma_start3A_279] : memref<8x32x128xf32, #tpu.memory_space<vmem>> -> memref<1x32x128xf32, #tpu.memory_space<vmem>>
      %dma_start3A_281 = tpu.memref_squeeze %dma_start3A_280 : memref<1x32x128xf32, #tpu.memory_space<vmem>> -> memref<32x128xf32, #tpu.memory_space<vmem>>
      %dma_start3A_282 = arith.constant 0 : i32
      %dma_start3A_283 = tpu.memref_slice %arg3[%dma_start3A_282, %multiple_of3A_270] : memref<32x1000000xf32, #tpu.memory_space<hbm>> -> memref<32x128xf32, #tpu.memory_space<hbm>>
      tpu.enqueue_dma source(%dma_start3A_283 : memref<32x128xf32, #tpu.memory_space<hbm>>) target(%dma_start3A_281 : memref<32x128xf32, #tpu.memory_space<vmem>>) target_semaphore(%arg12 : memref<!tpu.dma_semaphore, #tpu.memory_space<semaphore_mem>>)
      %slice3A_284 = vector.extract_strided_slice %scan3A_156 {offsets = [7], sizes = [1], strides = [1]} : vector<16xi32> to vector<1xi32>
      %squeeze3A_285 = vector.extract %slice3A_284[0] : i32 from vector<1xi32>
      %and3A_286 = arith.constant -128 : i32
      %and3A_287 = arith.andi %squeeze3A_285, %and3A_286 : i32
      %multiple_of3A_288 = tpu.assume_multiple %and3A_287, 128 : i32
      %dma_start3A_289 = arith.constant 7 : i32
      %dma_start3A_290 = arith.constant 0 : i32
      %dma_start3A_291 = arith.constant 0 : i32
      %dma_start3A_292 = tpu.memref_slice %arg9[%dma_start3A_289, %dma_start3A_290, %dma_start3A_291] : memref<8x32x128xf32, #tpu.memory_space<vmem>> -> memref<1x32x128xf32, #tpu.memory_space<vmem>>
      %dma_start3A_293 = tpu.memref_squeeze %dma_start3A_292 : memref<1x32x128xf32, #tpu.memory_space<vmem>> -> memref<32x128xf32, #tpu.memory_space<vmem>>
      %dma_start3A_294 = arith.constant 0 : i32
      %dma_start3A_295 = tpu.memref_slice %arg2[%dma_start3A_294, %multiple_of3A_288] : memref<32x1000000xf32, #tpu.memory_space<hbm>> -> memref<32x128xf32, #tpu.memory_space<hbm>>
      %dma_start3A_296 = arith.constant 0 : i32
      %dma_start3A_297 = arith.constant 0 : i32
      %dma_start3A_298 = tpu.memref_slice %arg9[%dma_start3A_289, %dma_start3A_296, %dma_start3A_297] : memref<8x32x128xf32, #tpu.memory_space<vmem>> -> memref<1x32x128xf32, #tpu.memory_space<vmem>>
      %dma_start3A_299 = tpu.memref_squeeze %dma_start3A_298 : memref<1x32x128xf32, #tpu.memory_space<vmem>> -> memref<32x128xf32, #tpu.memory_space<vmem>>
      %dma_start3A_300 = arith.constant 0 : i32
      %dma_start3A_301 = tpu.memref_slice %arg2[%dma_start3A_300, %multiple_of3A_288] : memref<32x1000000xf32, #tpu.memory_space<hbm>> -> memref<32x128xf32, #tpu.memory_space<hbm>>
      tpu.enqueue_dma source(%dma_start3A_301 : memref<32x128xf32, #tpu.memory_space<hbm>>) target(%dma_start3A_299 : memref<32x128xf32, #tpu.memory_space<vmem>>) target_semaphore(%arg12 : memref<!tpu.dma_semaphore, #tpu.memory_space<semaphore_mem>>)
      %slice3A_302 = vector.extract_strided_slice %scan3A_157 {offsets = [7], sizes = [1], strides = [1]} : vector<16xi32> to vector<1xi32>
      %squeeze3A_303 = vector.extract %slice3A_302[0] : i32 from vector<1xi32>
      %and3A_304 = arith.constant -128 : i32
      %and3A_305 = arith.andi %squeeze3A_303, %and3A_304 : i32
      %multiple_of3A_306 = tpu.assume_multiple %and3A_305, 128 : i32
      %dma_start3A_307 = arith.constant 7 : i32
      %dma_start3A_308 = arith.constant 0 : i32
      %dma_start3A_309 = arith.constant 0 : i32
      %dma_start3A_310 = tpu.memref_slice %arg10[%dma_start3A_307, %dma_start3A_308, %dma_start3A_309] : memref<8x32x128xf32, #tpu.memory_space<vmem>> -> memref<1x32x128xf32, #tpu.memory_space<vmem>>
      %dma_start3A_311 = tpu.memref_squeeze %dma_start3A_310 : memref<1x32x128xf32, #tpu.memory_space<vmem>> -> memref<32x128xf32, #tpu.memory_space<vmem>>
      %dma_start3A_312 = arith.constant 0 : i32
      %dma_start3A_313 = tpu.memref_slice %arg3[%dma_start3A_312, %multiple_of3A_306] : memref<32x1000000xf32, #tpu.memory_space<hbm>> -> memref<32x128xf32, #tpu.memory_space<hbm>>
      %dma_start3A_314 = arith.constant 0 : i32
      %dma_start3A_315 = arith.constant 0 : i32
      %dma_start3A_316 = tpu.memref_slice %arg10[%dma_start3A_307, %dma_start3A_314, %dma_start3A_315] : memref<8x32x128xf32, #tpu.memory_space<vmem>> -> memref<1x32x128xf32, #tpu.memory_space<vmem>>
      %dma_start3A_317 = tpu.memref_squeeze %dma_start3A_316 : memref<1x32x128xf32, #tpu.memory_space<vmem>> -> memref<32x128xf32, #tpu.memory_space<vmem>>
      %dma_start3A_318 = arith.constant 0 : i32
      %dma_start3A_319 = tpu.memref_slice %arg3[%dma_start3A_318, %multiple_of3A_306] : memref<32x1000000xf32, #tpu.memory_space<hbm>> -> memref<32x128xf32, #tpu.memory_space<hbm>>
      tpu.enqueue_dma source(%dma_start3A_319 : memref<32x128xf32, #tpu.memory_space<hbm>>) target(%dma_start3A_317 : memref<32x128xf32, #tpu.memory_space<vmem>>) target_semaphore(%arg12 : memref<!tpu.dma_semaphore, #tpu.memory_space<semaphore_mem>>)
      %dma_wait3A = arith.constant 0 : i32
      %dma_wait3A_320 = arith.constant 0 : i32
      %dma_wait3A_321 = arith.constant 0 : i32
      %dma_wait3A_322 = tpu.memref_slice %arg9[%dma_wait3A, %dma_wait3A_320, %dma_wait3A_321] : memref<8x32x128xf32, #tpu.memory_space<vmem>> -> memref<1x32x128xf32, #tpu.memory_space<vmem>>
      %dma_wait3A_323 = tpu.memref_squeeze %dma_wait3A_322 : memref<1x32x128xf32, #tpu.memory_space<vmem>> -> memref<32x128xf32, #tpu.memory_space<vmem>>
      %dma_wait3A_324 = arith.constant 0 : i32
      %dma_wait3A_325 = arith.constant 0 : i32
      %dma_wait3A_326 = tpu.memref_slice %arg2[%dma_wait3A_324, %dma_wait3A_325] : memref<32x1000000xf32, #tpu.memory_space<hbm>> -> memref<32x128xf32, #tpu.memory_space<hbm>>
      %dma_wait3A_327 = arith.constant 0 : i32
      %dma_wait3A_328 = arith.constant 0 : i32
      %dma_wait3A_329 = tpu.memref_slice %arg9[%dma_wait3A, %dma_wait3A_327, %dma_wait3A_328] : memref<8x32x128xf32, #tpu.memory_space<vmem>> -> memref<1x32x128xf32, #tpu.memory_space<vmem>>
      %dma_wait3A_330 = tpu.memref_squeeze %dma_wait3A_329 : memref<1x32x128xf32, #tpu.memory_space<vmem>> -> memref<32x128xf32, #tpu.memory_space<vmem>>
      %dma_wait3A_331 = arith.constant 0 : i32
      %dma_wait3A_332 = arith.constant 0 : i32
      %dma_wait3A_333 = tpu.memref_slice %arg2[%dma_wait3A_331, %dma_wait3A_332] : memref<32x1000000xf32, #tpu.memory_space<hbm>> -> memref<32x128xf32, #tpu.memory_space<hbm>>
      tpu.wait_dma2 semaphore(%arg12 : memref<!tpu.dma_semaphore, #tpu.memory_space<semaphore_mem>>) src(%dma_wait3A_333 : memref<32x128xf32, #tpu.memory_space<hbm>>) dst(%dma_wait3A_330 : memref<32x128xf32, #tpu.memory_space<vmem>>)
      %dma_wait3A_334 = arith.constant 0 : i32
      %dma_wait3A_335 = arith.constant 0 : i32
      %dma_wait3A_336 = arith.constant 0 : i32
      %dma_wait3A_337 = tpu.memref_slice %arg10[%dma_wait3A_334, %dma_wait3A_335, %dma_wait3A_336] : memref<8x32x128xf32, #tpu.memory_space<vmem>> -> memref<1x32x128xf32, #tpu.memory_space<vmem>>
      %dma_wait3A_338 = tpu.memref_squeeze %dma_wait3A_337 : memref<1x32x128xf32, #tpu.memory_space<vmem>> -> memref<32x128xf32, #tpu.memory_space<vmem>>
      %dma_wait3A_339 = arith.constant 0 : i32
      %dma_wait3A_340 = arith.constant 0 : i32
      %dma_wait3A_341 = tpu.memref_slice %arg3[%dma_wait3A_339, %dma_wait3A_340] : memref<32x1000000xf32, #tpu.memory_space<hbm>> -> memref<32x128xf32, #tpu.memory_space<hbm>>
      %dma_wait3A_342 = arith.constant 0 : i32
      %dma_wait3A_343 = arith.constant 0 : i32
      %dma_wait3A_344 = tpu.memref_slice %arg10[%dma_wait3A_334, %dma_wait3A_342, %dma_wait3A_343] : memref<8x32x128xf32, #tpu.memory_space<vmem>> -> memref<1x32x128xf32, #tpu.memory_space<vmem>>
      %dma_wait3A_345 = tpu.memref_squeeze %dma_wait3A_344 : memref<1x32x128xf32, #tpu.memory_space<vmem>> -> memref<32x128xf32, #tpu.memory_space<vmem>>
      %dma_wait3A_346 = arith.constant 0 : i32
      %dma_wait3A_347 = arith.constant 0 : i32
      %dma_wait3A_348 = tpu.memref_slice %arg3[%dma_wait3A_346, %dma_wait3A_347] : memref<32x1000000xf32, #tpu.memory_space<hbm>> -> memref<32x128xf32, #tpu.memory_space<hbm>>
      tpu.wait_dma2 semaphore(%arg12 : memref<!tpu.dma_semaphore, #tpu.memory_space<semaphore_mem>>) src(%dma_wait3A_348 : memref<32x128xf32, #tpu.memory_space<hbm>>) dst(%dma_wait3A_345 : memref<32x128xf32, #tpu.memory_space<vmem>>)
      %dma_wait3A_349 = arith.constant 1 : i32
      %dma_wait3A_350 = arith.constant 0 : i32
      %dma_wait3A_351 = arith.constant 0 : i32
      %dma_wait3A_352 = tpu.memref_slice %arg9[%dma_wait3A_349, %dma_wait3A_350, %dma_wait3A_351] : memref<8x32x128xf32, #tpu.memory_space<vmem>> -> memref<1x32x128xf32, #tpu.memory_space<vmem>>
      %dma_wait3A_353 = tpu.memref_squeeze %dma_wait3A_352 : memref<1x32x128xf32, #tpu.memory_space<vmem>> -> memref<32x128xf32, #tpu.memory_space<vmem>>
      %dma_wait3A_354 = arith.constant 0 : i32
      %dma_wait3A_355 = arith.constant 0 : i32
      %dma_wait3A_356 = tpu.memref_slice %arg2[%dma_wait3A_354, %dma_wait3A_355] : memref<32x1000000xf32, #tpu.memory_space<hbm>> -> memref<32x128xf32, #tpu.memory_space<hbm>>
      %dma_wait3A_357 = arith.constant 0 : i32
      %dma_wait3A_358 = arith.constant 0 : i32
      %dma_wait3A_359 = tpu.memref_slice %arg9[%dma_wait3A_349, %dma_wait3A_357, %dma_wait3A_358] : memref<8x32x128xf32, #tpu.memory_space<vmem>> -> memref<1x32x128xf32, #tpu.memory_space<vmem>>
      %dma_wait3A_360 = tpu.memref_squeeze %dma_wait3A_359 : memref<1x32x128xf32, #tpu.memory_space<vmem>> -> memref<32x128xf32, #tpu.memory_space<vmem>>
      %dma_wait3A_361 = arith.constant 0 : i32
      %dma_wait3A_362 = arith.constant 0 : i32
      %dma_wait3A_363 = tpu.memref_slice %arg2[%dma_wait3A_361, %dma_wait3A_362] : memref<32x1000000xf32, #tpu.memory_space<hbm>> -> memref<32x128xf32, #tpu.memory_space<hbm>>
      tpu.wait_dma2 semaphore(%arg12 : memref<!tpu.dma_semaphore, #tpu.memory_space<semaphore_mem>>) src(%dma_wait3A_363 : memref<32x128xf32, #tpu.memory_space<hbm>>) dst(%dma_wait3A_360 : memref<32x128xf32, #tpu.memory_space<vmem>>)
      %dma_wait3A_364 = arith.constant 1 : i32
      %dma_wait3A_365 = arith.constant 0 : i32
      %dma_wait3A_366 = arith.constant 0 : i32
      %dma_wait3A_367 = tpu.memref_slice %arg10[%dma_wait3A_364, %dma_wait3A_365, %dma_wait3A_366] : memref<8x32x128xf32, #tpu.memory_space<vmem>> -> memref<1x32x128xf32, #tpu.memory_space<vmem>>
      %dma_wait3A_368 = tpu.memref_squeeze %dma_wait3A_367 : memref<1x32x128xf32, #tpu.memory_space<vmem>> -> memref<32x128xf32, #tpu.memory_space<vmem>>
      %dma_wait3A_369 = arith.constant 0 : i32
      %dma_wait3A_370 = arith.constant 0 : i32
      %dma_wait3A_371 = tpu.memref_slice %arg3[%dma_wait3A_369, %dma_wait3A_370] : memref<32x1000000xf32, #tpu.memory_space<hbm>> -> memref<32x128xf32, #tpu.memory_space<hbm>>
      %dma_wait3A_372 = arith.constant 0 : i32
      %dma_wait3A_373 = arith.constant 0 : i32
      %dma_wait3A_374 = tpu.memref_slice %arg10[%dma_wait3A_364, %dma_wait3A_372, %dma_wait3A_373] : memref<8x32x128xf32, #tpu.memory_space<vmem>> -> memref<1x32x128xf32, #tpu.memory_space<vmem>>
      %dma_wait3A_375 = tpu.memref_squeeze %dma_wait3A_374 : memref<1x32x128xf32, #tpu.memory_space<vmem>> -> memref<32x128xf32, #tpu.memory_space<vmem>>
      %dma_wait3A_376 = arith.constant 0 : i32
      %dma_wait3A_377 = arith.constant 0 : i32
      %dma_wait3A_378 = tpu.memref_slice %arg3[%dma_wait3A_376, %dma_wait3A_377] : memref<32x1000000xf32, #tpu.memory_space<hbm>> -> memref<32x128xf32, #tpu.memory_space<hbm>>
      tpu.wait_dma2 semaphore(%arg12 : memref<!tpu.dma_semaphore, #tpu.memory_space<semaphore_mem>>) src(%dma_wait3A_378 : memref<32x128xf32, #tpu.memory_space<hbm>>) dst(%dma_wait3A_375 : memref<32x128xf32, #tpu.memory_space<vmem>>)
      %dma_wait3A_379 = arith.constant 2 : i32
      %dma_wait3A_380 = arith.constant 0 : i32
      %dma_wait3A_381 = arith.constant 0 : i32
      %dma_wait3A_382 = tpu.memref_slice %arg9[%dma_wait3A_379, %dma_wait3A_380, %dma_wait3A_381] : memref<8x32x128xf32, #tpu.memory_space<vmem>> -> memref<1x32x128xf32, #tpu.memory_space<vmem>>
      %dma_wait3A_383 = tpu.memref_squeeze %dma_wait3A_382 : memref<1x32x128xf32, #tpu.memory_space<vmem>> -> memref<32x128xf32, #tpu.memory_space<vmem>>
      %dma_wait3A_384 = arith.constant 0 : i32
      %dma_wait3A_385 = arith.constant 0 : i32
      %dma_wait3A_386 = tpu.memref_slice %arg2[%dma_wait3A_384, %dma_wait3A_385] : memref<32x1000000xf32, #tpu.memory_space<hbm>> -> memref<32x128xf32, #tpu.memory_space<hbm>>
      %dma_wait3A_387 = arith.constant 0 : i32
      %dma_wait3A_388 = arith.constant 0 : i32
      %dma_wait3A_389 = tpu.memref_slice %arg9[%dma_wait3A_379, %dma_wait3A_387, %dma_wait3A_388] : memref<8x32x128xf32, #tpu.memory_space<vmem>> -> memref<1x32x128xf32, #tpu.memory_space<vmem>>
      %dma_wait3A_390 = tpu.memref_squeeze %dma_wait3A_389 : memref<1x32x128xf32, #tpu.memory_space<vmem>> -> memref<32x128xf32, #tpu.memory_space<vmem>>
      %dma_wait3A_391 = arith.constant 0 : i32
      %dma_wait3A_392 = arith.constant 0 : i32
      %dma_wait3A_393 = tpu.memref_slice %arg2[%dma_wait3A_391, %dma_wait3A_392] : memref<32x1000000xf32, #tpu.memory_space<hbm>> -> memref<32x128xf32, #tpu.memory_space<hbm>>
      tpu.wait_dma2 semaphore(%arg12 : memref<!tpu.dma_semaphore, #tpu.memory_space<semaphore_mem>>) src(%dma_wait3A_393 : memref<32x128xf32, #tpu.memory_space<hbm>>) dst(%dma_wait3A_390 : memref<32x128xf32, #tpu.memory_space<vmem>>)
      %dma_wait3A_394 = arith.constant 2 : i32
      %dma_wait3A_395 = arith.constant 0 : i32
      %dma_wait3A_396 = arith.constant 0 : i32
      %dma_wait3A_397 = tpu.memref_slice %arg10[%dma_wait3A_394, %dma_wait3A_395, %dma_wait3A_396] : memref<8x32x128xf32, #tpu.memory_space<vmem>> -> memref<1x32x128xf32, #tpu.memory_space<vmem>>
      %dma_wait3A_398 = tpu.memref_squeeze %dma_wait3A_397 : memref<1x32x128xf32, #tpu.memory_space<vmem>> -> memref<32x128xf32, #tpu.memory_space<vmem>>
      %dma_wait3A_399 = arith.constant 0 : i32
      %dma_wait3A_400 = arith.constant 0 : i32
      %dma_wait3A_401 = tpu.memref_slice %arg3[%dma_wait3A_399, %dma_wait3A_400] : memref<32x1000000xf32, #tpu.memory_space<hbm>> -> memref<32x128xf32, #tpu.memory_space<hbm>>
      %dma_wait3A_402 = arith.constant 0 : i32
      %dma_wait3A_403 = arith.constant 0 : i32
      %dma_wait3A_404 = tpu.memref_slice %arg10[%dma_wait3A_394, %dma_wait3A_402, %dma_wait3A_403] : memref<8x32x128xf32, #tpu.memory_space<vmem>> -> memref<1x32x128xf32, #tpu.memory_space<vmem>>
      %dma_wait3A_405 = tpu.memref_squeeze %dma_wait3A_404 : memref<1x32x128xf32, #tpu.memory_space<vmem>> -> memref<32x128xf32, #tpu.memory_space<vmem>>
      %dma_wait3A_406 = arith.constant 0 : i32
      %dma_wait3A_407 = arith.constant 0 : i32
      %dma_wait3A_408 = tpu.memref_slice %arg3[%dma_wait3A_406, %dma_wait3A_407] : memref<32x1000000xf32, #tpu.memory_space<hbm>> -> memref<32x128xf32, #tpu.memory_space<hbm>>
      tpu.wait_dma2 semaphore(%arg12 : memref<!tpu.dma_semaphore, #tpu.memory_space<semaphore_mem>>) src(%dma_wait3A_408 : memref<32x128xf32, #tpu.memory_space<hbm>>) dst(%dma_wait3A_405 : memref<32x128xf32, #tpu.memory_space<vmem>>)
      %dma_wait3A_409 = arith.constant 3 : i32
      %dma_wait3A_410 = arith.constant 0 : i32
      %dma_wait3A_411 = arith.constant 0 : i32
      %dma_wait3A_412 = tpu.memref_slice %arg9[%dma_wait3A_409, %dma_wait3A_410, %dma_wait3A_411] : memref<8x32x128xf32, #tpu.memory_space<vmem>> -> memref<1x32x128xf32, #tpu.memory_space<vmem>>
      %dma_wait3A_413 = tpu.memref_squeeze %dma_wait3A_412 : memref<1x32x128xf32, #tpu.memory_space<vmem>> -> memref<32x128xf32, #tpu.memory_space<vmem>>
      %dma_wait3A_414 = arith.constant 0 : i32
      %dma_wait3A_415 = arith.constant 0 : i32
      %dma_wait3A_416 = tpu.memref_slice %arg2[%dma_wait3A_414, %dma_wait3A_415] : memref<32x1000000xf32, #tpu.memory_space<hbm>> -> memref<32x128xf32, #tpu.memory_space<hbm>>
      %dma_wait3A_417 = arith.constant 0 : i32
      %dma_wait3A_418 = arith.constant 0 : i32
      %dma_wait3A_419 = tpu.memref_slice %arg9[%dma_wait3A_409, %dma_wait3A_417, %dma_wait3A_418] : memref<8x32x128xf32, #tpu.memory_space<vmem>> -> memref<1x32x128xf32, #tpu.memory_space<vmem>>
      %dma_wait3A_420 = tpu.memref_squeeze %dma_wait3A_419 : memref<1x32x128xf32, #tpu.memory_space<vmem>> -> memref<32x128xf32, #tpu.memory_space<vmem>>
      %dma_wait3A_421 = arith.constant 0 : i32
      %dma_wait3A_422 = arith.constant 0 : i32
      %dma_wait3A_423 = tpu.memref_slice %arg2[%dma_wait3A_421, %dma_wait3A_422] : memref<32x1000000xf32, #tpu.memory_space<hbm>> -> memref<32x128xf32, #tpu.memory_space<hbm>>
      tpu.wait_dma2 semaphore(%arg12 : memref<!tpu.dma_semaphore, #tpu.memory_space<semaphore_mem>>) src(%dma_wait3A_423 : memref<32x128xf32, #tpu.memory_space<hbm>>) dst(%dma_wait3A_420 : memref<32x128xf32, #tpu.memory_space<vmem>>)
      %dma_wait3A_424 = arith.constant 3 : i32
      %dma_wait3A_425 = arith.constant 0 : i32
      %dma_wait3A_426 = arith.constant 0 : i32
      %dma_wait3A_427 = tpu.memref_slice %arg10[%dma_wait3A_424, %dma_wait3A_425, %dma_wait3A_426] : memref<8x32x128xf32, #tpu.memory_space<vmem>> -> memref<1x32x128xf32, #tpu.memory_space<vmem>>
      %dma_wait3A_428 = tpu.memref_squeeze %dma_wait3A_427 : memref<1x32x128xf32, #tpu.memory_space<vmem>> -> memref<32x128xf32, #tpu.memory_space<vmem>>
      %dma_wait3A_429 = arith.constant 0 : i32
      %dma_wait3A_430 = arith.constant 0 : i32
      %dma_wait3A_431 = tpu.memref_slice %arg3[%dma_wait3A_429, %dma_wait3A_430] : memref<32x1000000xf32, #tpu.memory_space<hbm>> -> memref<32x128xf32, #tpu.memory_space<hbm>>
      %dma_wait3A_432 = arith.constant 0 : i32
      %dma_wait3A_433 = arith.constant 0 : i32
      %dma_wait3A_434 = tpu.memref_slice %arg10[%dma_wait3A_424, %dma_wait3A_432, %dma_wait3A_433] : memref<8x32x128xf32, #tpu.memory_space<vmem>> -> memref<1x32x128xf32, #tpu.memory_space<vmem>>
      %dma_wait3A_435 = tpu.memref_squeeze %dma_wait3A_434 : memref<1x32x128xf32, #tpu.memory_space<vmem>> -> memref<32x128xf32, #tpu.memory_space<vmem>>
      %dma_wait3A_436 = arith.constant 0 : i32
      %dma_wait3A_437 = arith.constant 0 : i32
      %dma_wait3A_438 = tpu.memref_slice %arg3[%dma_wait3A_436, %dma_wait3A_437] : memref<32x1000000xf32, #tpu.memory_space<hbm>> -> memref<32x128xf32, #tpu.memory_space<hbm>>
      tpu.wait_dma2 semaphore(%arg12 : memref<!tpu.dma_semaphore, #tpu.memory_space<semaphore_mem>>) src(%dma_wait3A_438 : memref<32x128xf32, #tpu.memory_space<hbm>>) dst(%dma_wait3A_435 : memref<32x128xf32, #tpu.memory_space<vmem>>)
      %add3A_439 = arith.constant 0 : i32
      %add3A_440 = vector.broadcast %add3A_439 : i32 to vector<16xi32>
      %add3A_441 = arith.addi %add3A_440, %and3A_4 : vector<16xi32>
      %add3A_442 = arith.constant 0 : i32
      %add3A_443 = vector.broadcast %add3A_442 : i32 to vector<16xi32>
      %add3A_444 = arith.addi %add3A_443, %and3A_4 : vector<16xi32>
      %lt3A = arith.constant 0 : i32
      %lt3A_445 = vector.broadcast %lt3A : i32 to vector<16xi32>
      %lt3A_446 = arith.cmpi slt, %add3A_444, %lt3A_445 : vector<16xi32>
      %add3A_447 = arith.constant 16 : i32
      %add3A_448 = vector.broadcast %add3A_447 : i32 to vector<16xi32>
      %add3A_449 = arith.addi %add3A_444, %add3A_448 : vector<16xi32>
      %select_n3A = arith.select %lt3A_446, %add3A_449, %add3A_444 : vector<16xi1>, vector<16xi32>
      %broadcast_in_dim3A_450 = vector.shape_cast %select_n3A : vector<16xi32> to vector<16x1xi32>
      %gather3A = vector.shape_cast %broadcast_in_dim3A_450 : vector<16x1xi32> to vector<16xi32>
      %gather3A_451 = tpu.dynamic_gather %and3A_160[%gather3A] in [0] : vector<16xi32>, vector<16xi32> -> vector<16xi32>
      %add3A_452 = arith.constant 0 : i32
      %add3A_453 = vector.broadcast %add3A_452 : i32 to vector<16xi32>
      %add3A_454 = arith.addi %add3A_453, %and3A_4 : vector<16xi32>
      %lt3A_455 = arith.constant 0 : i32
      %lt3A_456 = vector.broadcast %lt3A_455 : i32 to vector<16xi32>
      %lt3A_457 = arith.cmpi slt, %add3A_454, %lt3A_456 : vector<16xi32>
      %add3A_458 = arith.constant 16 : i32
      %add3A_459 = vector.broadcast %add3A_458 : i32 to vector<16xi32>
      %add3A_460 = arith.addi %add3A_454, %add3A_459 : vector<16xi32>
      %select_n3A_461 = arith.select %lt3A_457, %add3A_460, %add3A_454 : vector<16xi1>, vector<16xi32>
      %broadcast_in_dim3A_462 = vector.shape_cast %select_n3A_461 : vector<16xi32> to vector<16x1xi32>
      %gather3A_463 = vector.shape_cast %broadcast_in_dim3A_462 : vector<16x1xi32> to vector<16xi32>
      %gather3A_464 = tpu.dynamic_gather %and3A_163[%gather3A_463] in [0] : vector<16xi32>, vector<16xi32> -> vector<16xi32>
      %broadcast_in_dim3A_465 = arith.constant 0.000000e+00 : f32
      %broadcast_in_dim3A_466 = vector.broadcast %broadcast_in_dim3A_465 : f32 to vector<16xf32>
      %add3A_467 = arith.constant 0 : i32
      %add3A_468 = vector.broadcast %add3A_467 : i32 to vector<16xi32>
      %add3A_469 = arith.addi %add3A_468, %shift_right_arithmetic3A_6 : vector<16xi32>
      %gather3A_470 = tpu.vector_load_idx %arg9[%add3A_441, %add3A_469, %gather3A_451] : memref<8x32x128xf32, #tpu.memory_space<vmem>>[vector<16xi32>, vector<16xi32>, vector<16xi32>], vector<16xf32>,
      %gather3A_471 = tpu.vector_load_idx %arg10[%add3A_441, %add3A_469, %gather3A_464] : memref<8x32x128xf32, #tpu.memory_space<vmem>>[vector<16xi32>, vector<16xi32>, vector<16xi32>], vector<16xf32>,
      %mul3A_472 = arith.mulf %gather3A_470, %gather3A_471 : vector<16xf32>
      %add3A_473 = arith.addf %broadcast_in_dim3A_466, %mul3A_472 : vector<16xf32>
      %add3A_474 = arith.constant 4 : i32
      %add3A_475 = vector.broadcast %add3A_474 : i32 to vector<16xi32>
      %add3A_476 = arith.addi %add3A_475, %shift_right_arithmetic3A_6 : vector<16xi32>
      %gather3A_477 = tpu.vector_load_idx %arg9[%add3A_441, %add3A_476, %gather3A_451] : memref<8x32x128xf32, #tpu.memory_space<vmem>>[vector<16xi32>, vector<16xi32>, vector<16xi32>], vector<16xf32>,
      %gather3A_478 = tpu.vector_load_idx %arg10[%add3A_441, %add3A_476, %gather3A_464] : memref<8x32x128xf32, #tpu.memory_space<vmem>>[vector<16xi32>, vector<16xi32>, vector<16xi32>], vector<16xf32>,
      %mul3A_479 = arith.mulf %gather3A_477, %gather3A_478 : vector<16xf32>
      %add3A_480 = arith.addf %add3A_473, %mul3A_479 : vector<16xf32>
      %add3A_481 = arith.constant 8 : i32
      %add3A_482 = vector.broadcast %add3A_481 : i32 to vector<16xi32>
      %add3A_483 = arith.addi %add3A_482, %shift_right_arithmetic3A_6 : vector<16xi32>
      %gather3A_484 = tpu.vector_load_idx %arg9[%add3A_441, %add3A_483, %gather3A_451] : memref<8x32x128xf32, #tpu.memory_space<vmem>>[vector<16xi32>, vector<16xi32>, vector<16xi32>], vector<16xf32>,
      %gather3A_485 = tpu.vector_load_idx %arg10[%add3A_441, %add3A_483, %gather3A_464] : memref<8x32x128xf32, #tpu.memory_space<vmem>>[vector<16xi32>, vector<16xi32>, vector<16xi32>], vector<16xf32>,
      %mul3A_486 = arith.mulf %gather3A_484, %gather3A_485 : vector<16xf32>
      %add3A_487 = arith.addf %add3A_480, %mul3A_486 : vector<16xf32>
      %add3A_488 = arith.constant 12 : i32
      %add3A_489 = vector.broadcast %add3A_488 : i32 to vector<16xi32>
      %add3A_490 = arith.addi %add3A_489, %shift_right_arithmetic3A_6 : vector<16xi32>
      %gather3A_491 = tpu.vector_load_idx %arg9[%add3A_441, %add3A_490, %gather3A_451] : memref<8x32x128xf32, #tpu.memory_space<vmem>>[vector<16xi32>, vector<16xi32>, vector<16xi32>], vector<16xf32>,
      %gather3A_492 = tpu.vector_load_idx %arg10[%add3A_441, %add3A_490, %gather3A_464] : memref<8x32x128xf32, #tpu.memory_space<vmem>>[vector<16xi32>, vector<16xi32>, vector<16xi32>], vector<16xf32>,
      %mul3A_493 = arith.mulf %gather3A_491, %gather3A_492 : vector<16xf32>
      %add3A_494 = arith.addf %add3A_487, %mul3A_493 : vector<16xf32>
      %add3A_495 = arith.constant 16 : i32
      %add3A_496 = vector.broadcast %add3A_495 : i32 to vector<16xi32>
      %add3A_497 = arith.addi %add3A_496, %shift_right_arithmetic3A_6 : vector<16xi32>
      %gather3A_498 = tpu.vector_load_idx %arg9[%add3A_441, %add3A_497, %gather3A_451] : memref<8x32x128xf32, #tpu.memory_space<vmem>>[vector<16xi32>, vector<16xi32>, vector<16xi32>], vector<16xf32>,
      %gather3A_499 = tpu.vector_load_idx %arg10[%add3A_441, %add3A_497, %gather3A_464] : memref<8x32x128xf32, #tpu.memory_space<vmem>>[vector<16xi32>, vector<16xi32>, vector<16xi32>], vector<16xf32>,
      %mul3A_500 = arith.mulf %gather3A_498, %gather3A_499 : vector<16xf32>
      %add3A_501 = arith.addf %add3A_494, %mul3A_500 : vector<16xf32>
      %add3A_502 = arith.constant 20 : i32
      %add3A_503 = vector.broadcast %add3A_502 : i32 to vector<16xi32>
      %add3A_504 = arith.addi %add3A_503, %shift_right_arithmetic3A_6 : vector<16xi32>
      %gather3A_505 = tpu.vector_load_idx %arg9[%add3A_441, %add3A_504, %gather3A_451] : memref<8x32x128xf32, #tpu.memory_space<vmem>>[vector<16xi32>, vector<16xi32>, vector<16xi32>], vector<16xf32>,
      %gather3A_506 = tpu.vector_load_idx %arg10[%add3A_441, %add3A_504, %gather3A_464] : memref<8x32x128xf32, #tpu.memory_space<vmem>>[vector<16xi32>, vector<16xi32>, vector<16xi32>], vector<16xf32>,
      %mul3A_507 = arith.mulf %gather3A_505, %gather3A_506 : vector<16xf32>
      %add3A_508 = arith.addf %add3A_501, %mul3A_507 : vector<16xf32>
      %add3A_509 = arith.constant 24 : i32
      %add3A_510 = vector.broadcast %add3A_509 : i32 to vector<16xi32>
      %add3A_511 = arith.addi %add3A_510, %shift_right_arithmetic3A_6 : vector<16xi32>
      %gather3A_512 = tpu.vector_load_idx %arg9[%add3A_441, %add3A_511, %gather3A_451] : memref<8x32x128xf32, #tpu.memory_space<vmem>>[vector<16xi32>, vector<16xi32>, vector<16xi32>], vector<16xf32>,
      %gather3A_513 = tpu.vector_load_idx %arg10[%add3A_441, %add3A_511, %gather3A_464] : memref<8x32x128xf32, #tpu.memory_space<vmem>>[vector<16xi32>, vector<16xi32>, vector<16xi32>], vector<16xf32>,
      %mul3A_514 = arith.mulf %gather3A_512, %gather3A_513 : vector<16xf32>
      %add3A_515 = arith.addf %add3A_508, %mul3A_514 : vector<16xf32>
      %add3A_516 = arith.constant 28 : i32
      %add3A_517 = vector.broadcast %add3A_516 : i32 to vector<16xi32>
      %add3A_518 = arith.addi %add3A_517, %shift_right_arithmetic3A_6 : vector<16xi32>
      %gather3A_519 = tpu.vector_load_idx %arg9[%add3A_441, %add3A_518, %gather3A_451] : memref<8x32x128xf32, #tpu.memory_space<vmem>>[vector<16xi32>, vector<16xi32>, vector<16xi32>], vector<16xf32>,
      %gather3A_520 = tpu.vector_load_idx %arg10[%add3A_441, %add3A_518, %gather3A_464] : memref<8x32x128xf32, #tpu.memory_space<vmem>>[vector<16xi32>, vector<16xi32>, vector<16xi32>], vector<16xf32>,
      %mul3A_521 = arith.mulf %gather3A_519, %gather3A_520 : vector<16xf32>
      %add3A_522 = arith.addf %add3A_515, %mul3A_521 : vector<16xf32>
      %add3A_523 = arith.constant 8 : i32
      %add3A_524 = vector.broadcast %add3A_523 : i32 to vector<16xi32>
      %add3A_525 = arith.addi %iota3A, %add3A_524 : vector<16xi32>
      %and3A_526 = arith.constant 15 : i32
      %and3A_527 = vector.broadcast %and3A_526 : i32 to vector<16xi32>
      %and3A_528 = arith.andi %add3A_525, %and3A_527 : vector<16xi32>
      %lt3A_529 = arith.constant 0 : i32
      %lt3A_530 = vector.broadcast %lt3A_529 : i32 to vector<16xi32>
      %lt3A_531 = arith.cmpi slt, %and3A_528, %lt3A_530 : vector<16xi32>
      %add3A_532 = arith.constant 16 : i32
      %add3A_533 = vector.broadcast %add3A_532 : i32 to vector<16xi32>
      %add3A_534 = arith.addi %and3A_528, %add3A_533 : vector<16xi32>
      %select_n3A_535 = arith.select %lt3A_531, %add3A_534, %and3A_528 : vector<16xi1>, vector<16xi32>
      %broadcast_in_dim3A_536 = vector.shape_cast %select_n3A_535 : vector<16xi32> to vector<16x1xi32>
      %gather3A_537 = vector.shape_cast %broadcast_in_dim3A_536 : vector<16x1xi32> to vector<16xi32>
      %gather3A_538 = tpu.dynamic_gather %add3A_522[%gather3A_537] in [0] : vector<16xf32>, vector<16xi32> -> vector<16xf32>
      %add3A_539 = arith.addf %add3A_522, %gather3A_538 : vector<16xf32>
      %add3A_540 = arith.constant 4 : i32
      %add3A_541 = vector.broadcast %add3A_540 : i32 to vector<16xi32>
      %add3A_542 = arith.addi %iota3A, %add3A_541 : vector<16xi32>
      %and3A_543 = arith.constant 15 : i32
      %and3A_544 = vector.broadcast %and3A_543 : i32 to vector<16xi32>
      %and3A_545 = arith.andi %add3A_542, %and3A_544 : vector<16xi32>
      %lt3A_546 = arith.constant 0 : i32
      %lt3A_547 = vector.broadcast %lt3A_546 : i32 to vector<16xi32>
      %lt3A_548 = arith.cmpi slt, %and3A_545, %lt3A_547 : vector<16xi32>
      %add3A_549 = arith.constant 16 : i32
      %add3A_550 = vector.broadcast %add3A_549 : i32 to vector<16xi32>
      %add3A_551 = arith.addi %and3A_545, %add3A_550 : vector<16xi32>
      %select_n3A_552 = arith.select %lt3A_548, %add3A_551, %and3A_545 : vector<16xi1>, vector<16xi32>
      %broadcast_in_dim3A_553 = vector.shape_cast %select_n3A_552 : vector<16xi32> to vector<16x1xi32>
      %gather3A_554 = vector.shape_cast %broadcast_in_dim3A_553 : vector<16x1xi32> to vector<16xi32>
      %gather3A_555 = tpu.dynamic_gather %add3A_539[%gather3A_554] in [0] : vector<16xf32>, vector<16xi32> -> vector<16xf32>
      %add3A_556 = arith.addf %add3A_539, %gather3A_555 : vector<16xf32>
      %sub3A = arith.constant 0 : i32
      %sub3A_557 = vector.broadcast %sub3A : i32 to vector<16xi32>
      %sub3A_558 = arith.subi %iota3A, %sub3A_557 : vector<16xi32>
      %and3A_559 = arith.constant 15 : i32
      %and3A_560 = vector.broadcast %and3A_559 : i32 to vector<16xi32>
      %and3A_561 = arith.andi %sub3A_558, %and3A_560 : vector<16xi32>
      %lt3A_562 = arith.constant 0 : i32
      %lt3A_563 = vector.broadcast %lt3A_562 : i32 to vector<16xi32>
      %lt3A_564 = arith.cmpi slt, %and3A_561, %lt3A_563 : vector<16xi32>
      %add3A_565 = arith.constant 16 : i32
      %add3A_566 = vector.broadcast %add3A_565 : i32 to vector<16xi32>
      %add3A_567 = arith.addi %and3A_561, %add3A_566 : vector<16xi32>
      %select_n3A_568 = arith.select %lt3A_564, %add3A_567, %and3A_561 : vector<16xi1>, vector<16xi32>
      %broadcast_in_dim3A_569 = vector.shape_cast %select_n3A_568 : vector<16xi32> to vector<16x1xi32>
      %gather3A_570 = vector.shape_cast %broadcast_in_dim3A_569 : vector<16x1xi32> to vector<16xi32>
      %gather3A_571 = tpu.dynamic_gather %add3A_556[%gather3A_570] in [0] : vector<16xf32>, vector<16xi32> -> vector<16xf32>
      %ge3A = arith.constant 0 : i32
      %ge3A_572 = vector.broadcast %ge3A : i32 to vector<16xi32>
      %ge3A_573 = arith.cmpi sge, %iota3A, %ge3A_572 : vector<16xi32>
      %lt3A_574 = arith.constant 4 : i32
      %lt3A_575 = vector.broadcast %lt3A_574 : i32 to vector<16xi32>
      %lt3A_576 = arith.cmpi slt, %iota3A, %lt3A_575 : vector<16xi32>
      %and3A_577 = arith.andi %ge3A_573, %lt3A_576 : vector<16xi1>
      %select_n3A_578 = arith.select %and3A_577, %gather3A_571, %broadcast_in_dim3A_175 : vector<16xi1>, vector<16xf32>
      %slice3A_579 = vector.extract_strided_slice %scan3A_156 {offsets = [8], sizes = [1], strides = [1]} : vector<16xi32> to vector<1xi32>
      %squeeze3A_580 = vector.extract %slice3A_579[0] : i32 from vector<1xi32>
      %and3A_581 = arith.constant -128 : i32
      %and3A_582 = arith.andi %squeeze3A_580, %and3A_581 : i32
      %multiple_of3A_583 = tpu.assume_multiple %and3A_582, 128 : i32
      %dma_start3A_584 = arith.constant 0 : i32
      %dma_start3A_585 = arith.constant 0 : i32
      %dma_start3A_586 = arith.constant 0 : i32
      %dma_start3A_587 = tpu.memref_slice %arg9[%dma_start3A_584, %dma_start3A_585, %dma_start3A_586] : memref<8x32x128xf32, #tpu.memory_space<vmem>> -> memref<1x32x128xf32, #tpu.memory_space<vmem>>
      %dma_start3A_588 = tpu.memref_squeeze %dma_start3A_587 : memref<1x32x128xf32, #tpu.memory_space<vmem>> -> memref<32x128xf32, #tpu.memory_space<vmem>>
      %dma_start3A_589 = arith.constant 0 : i32
      %dma_start3A_590 = tpu.memref_slice %arg2[%dma_start3A_589, %multiple_of3A_583] : memref<32x1000000xf32, #tpu.memory_space<hbm>> -> memref<32x128xf32, #tpu.memory_space<hbm>>
      %dma_start3A_591 = arith.constant 0 : i32
      %dma_start3A_592 = arith.constant 0 : i32
      %dma_start3A_593 = tpu.memref_slice %arg9[%dma_start3A_584, %dma_start3A_591, %dma_start3A_592] : memref<8x32x128xf32, #tpu.memory_space<vmem>> -> memref<1x32x128xf32, #tpu.memory_space<vmem>>
      %dma_start3A_594 = tpu.memref_squeeze %dma_start3A_593 : memref<1x32x128xf32, #tpu.memory_space<vmem>> -> memref<32x128xf32, #tpu.memory_space<vmem>>
      %dma_start3A_595 = arith.constant 0 : i32
      %dma_start3A_596 = tpu.memref_slice %arg2[%dma_start3A_595, %multiple_of3A_583] : memref<32x1000000xf32, #tpu.memory_space<hbm>> -> memref<32x128xf32, #tpu.memory_space<hbm>>
      tpu.enqueue_dma source(%dma_start3A_596 : memref<32x128xf32, #tpu.memory_space<hbm>>) target(%dma_start3A_594 : memref<32x128xf32, #tpu.memory_space<vmem>>) target_semaphore(%arg12 : memref<!tpu.dma_semaphore, #tpu.memory_space<semaphore_mem>>)
      %slice3A_597 = vector.extract_strided_slice %scan3A_157 {offsets = [8], sizes = [1], strides = [1]} : vector<16xi32> to vector<1xi32>
      %squeeze3A_598 = vector.extract %slice3A_597[0] : i32 from vector<1xi32>
      %and3A_599 = arith.constant -128 : i32
      %and3A_600 = arith.andi %squeeze3A_598, %and3A_599 : i32
      %multiple_of3A_601 = tpu.assume_multiple %and3A_600, 128 : i32
      %dma_start3A_602 = arith.constant 0 : i32
      %dma_start3A_603 = arith.constant 0 : i32
      %dma_start3A_604 = arith.constant 0 : i32
      %dma_start3A_605 = tpu.memref_slice %arg10[%dma_start3A_602, %dma_start3A_603, %dma_start3A_604] : memref<8x32x128xf32, #tpu.memory_space<vmem>> -> memref<1x32x128xf32, #tpu.memory_space<vmem>>
      %dma_start3A_606 = tpu.memref_squeeze %dma_start3A_605 : memref<1x32x128xf32, #tpu.memory_space<vmem>> -> memref<32x128xf32, #tpu.memory_space<vmem>>
      %dma_start3A_607 = arith.constant 0 : i32
      %dma_start3A_608 = tpu.memref_slice %arg3[%dma_start3A_607, %multiple_of3A_601] : memref<32x1000000xf32, #tpu.memory_space<hbm>> -> memref<32x128xf32, #tpu.memory_space<hbm>>
      %dma_start3A_609 = arith.constant 0 : i32
      %dma_start3A_610 = arith.constant 0 : i32
      %dma_start3A_611 = tpu.memref_slice %arg10[%dma_start3A_602, %dma_start3A_609, %dma_start3A_610] : memref<8x32x128xf32, #tpu.memory_space<vmem>> -> memref<1x32x128xf32, #tpu.memory_space<vmem>>
      %dma_start3A_612 = tpu.memref_squeeze %dma_start3A_611 : memref<1x32x128xf32, #tpu.memory_space<vmem>> -> memref<32x128xf32, #tpu.memory_space<vmem>>
      %dma_start3A_613 = arith.constant 0 : i32
      %dma_start3A_614 = tpu.memref_slice %arg3[%dma_start3A_613, %multiple_of3A_601] : memref<32x1000000xf32, #tpu.memory_space<hbm>> -> memref<32x128xf32, #tpu.memory_space<hbm>>
      tpu.enqueue_dma source(%dma_start3A_614 : memref<32x128xf32, #tpu.memory_space<hbm>>) target(%dma_start3A_612 : memref<32x128xf32, #tpu.memory_space<vmem>>) target_semaphore(%arg12 : memref<!tpu.dma_semaphore, #tpu.memory_space<semaphore_mem>>)
      %slice3A_615 = vector.extract_strided_slice %scan3A_156 {offsets = [9], sizes = [1], strides = [1]} : vector<16xi32> to vector<1xi32>
      %squeeze3A_616 = vector.extract %slice3A_615[0] : i32 from vector<1xi32>
      %and3A_617 = arith.constant -128 : i32
      %and3A_618 = arith.andi %squeeze3A_616, %and3A_617 : i32
      %multiple_of3A_619 = tpu.assume_multiple %and3A_618, 128 : i32
      %dma_start3A_620 = arith.constant 1 : i32
      %dma_start3A_621 = arith.constant 0 : i32
      %dma_start3A_622 = arith.constant 0 : i32
      %dma_start3A_623 = tpu.memref_slice %arg9[%dma_start3A_620, %dma_start3A_621, %dma_start3A_622] : memref<8x32x128xf32, #tpu.memory_space<vmem>> -> memref<1x32x128xf32, #tpu.memory_space<vmem>>
      %dma_start3A_624 = tpu.memref_squeeze %dma_start3A_623 : memref<1x32x128xf32, #tpu.memory_space<vmem>> -> memref<32x128xf32, #tpu.memory_space<vmem>>
      %dma_start3A_625 = arith.constant 0 : i32
      %dma_start3A_626 = tpu.memref_slice %arg2[%dma_start3A_625, %multiple_of3A_619] : memref<32x1000000xf32, #tpu.memory_space<hbm>> -> memref<32x128xf32, #tpu.memory_space<hbm>>
      %dma_start3A_627 = arith.constant 0 : i32
      %dma_start3A_628 = arith.constant 0 : i32
      %dma_start3A_629 = tpu.memref_slice %arg9[%dma_start3A_620, %dma_start3A_627, %dma_start3A_628] : memref<8x32x128xf32, #tpu.memory_space<vmem>> -> memref<1x32x128xf32, #tpu.memory_space<vmem>>
      %dma_start3A_630 = tpu.memref_squeeze %dma_start3A_629 : memref<1x32x128xf32, #tpu.memory_space<vmem>> -> memref<32x128xf32, #tpu.memory_space<vmem>>
      %dma_start3A_631 = arith.constant 0 : i32
      %dma_start3A_632 = tpu.memref_slice %arg2[%dma_start3A_631, %multiple_of3A_619] : memref<32x1000000xf32, #tpu.memory_space<hbm>> -> memref<32x128xf32, #tpu.memory_space<hbm>>
      tpu.enqueue_dma source(%dma_start3A_632 : memref<32x128xf32, #tpu.memory_space<hbm>>) target(%dma_start3A_630 : memref<32x128xf32, #tpu.memory_space<vmem>>) target_semaphore(%arg12 : memref<!tpu.dma_semaphore, #tpu.memory_space<semaphore_mem>>)
      %slice3A_633 = vector.extract_strided_slice %scan3A_157 {offsets = [9], sizes = [1], strides = [1]} : vector<16xi32> to vector<1xi32>
      %squeeze3A_634 = vector.extract %slice3A_633[0] : i32 from vector<1xi32>
      %and3A_635 = arith.constant -128 : i32
      %and3A_636 = arith.andi %squeeze3A_634, %and3A_635 : i32
      %multiple_of3A_637 = tpu.assume_multiple %and3A_636, 128 : i32
      %dma_start3A_638 = arith.constant 1 : i32
      %dma_start3A_639 = arith.constant 0 : i32
      %dma_start3A_640 = arith.constant 0 : i32
      %dma_start3A_641 = tpu.memref_slice %arg10[%dma_start3A_638, %dma_start3A_639, %dma_start3A_640] : memref<8x32x128xf32, #tpu.memory_space<vmem>> -> memref<1x32x128xf32, #tpu.memory_space<vmem>>
      %dma_start3A_642 = tpu.memref_squeeze %dma_start3A_641 : memref<1x32x128xf32, #tpu.memory_space<vmem>> -> memref<32x128xf32, #tpu.memory_space<vmem>>
      %dma_start3A_643 = arith.constant 0 : i32
      %dma_start3A_644 = tpu.memref_slice %arg3[%dma_start3A_643, %multiple_of3A_637] : memref<32x1000000xf32, #tpu.memory_space<hbm>> -> memref<32x128xf32, #tpu.memory_space<hbm>>
      %dma_start3A_645 = arith.constant 0 : i32
      %dma_start3A_646 = arith.constant 0 : i32
      %dma_start3A_647 = tpu.memref_slice %arg10[%dma_start3A_638, %dma_start3A_645, %dma_start3A_646] : memref<8x32x128xf32, #tpu.memory_space<vmem>> -> memref<1x32x128xf32, #tpu.memory_space<vmem>>
      %dma_start3A_648 = tpu.memref_squeeze %dma_start3A_647 : memref<1x32x128xf32, #tpu.memory_space<vmem>> -> memref<32x128xf32, #tpu.memory_space<vmem>>
      %dma_start3A_649 = arith.constant 0 : i32
      %dma_start3A_650 = tpu.memref_slice %arg3[%dma_start3A_649, %multiple_of3A_637] : memref<32x1000000xf32, #tpu.memory_space<hbm>> -> memref<32x128xf32, #tpu.memory_space<hbm>>
      tpu.enqueue_dma source(%dma_start3A_650 : memref<32x128xf32, #tpu.memory_space<hbm>>) target(%dma_start3A_648 : memref<32x128xf32, #tpu.memory_space<vmem>>) target_semaphore(%arg12 : memref<!tpu.dma_semaphore, #tpu.memory_space<semaphore_mem>>)
      %slice3A_651 = vector.extract_strided_slice %scan3A_156 {offsets = [10], sizes = [1], strides = [1]} : vector<16xi32> to vector<1xi32>
      %squeeze3A_652 = vector.extract %slice3A_651[0] : i32 from vector<1xi32>
      %and3A_653 = arith.constant -128 : i32
      %and3A_654 = arith.andi %squeeze3A_652, %and3A_653 : i32
      %multiple_of3A_655 = tpu.assume_multiple %and3A_654, 128 : i32
      %dma_start3A_656 = arith.constant 2 : i32
      %dma_start3A_657 = arith.constant 0 : i32
      %dma_start3A_658 = arith.constant 0 : i32
      %dma_start3A_659 = tpu.memref_slice %arg9[%dma_start3A_656, %dma_start3A_657, %dma_start3A_658] : memref<8x32x128xf32, #tpu.memory_space<vmem>> -> memref<1x32x128xf32, #tpu.memory_space<vmem>>
      %dma_start3A_660 = tpu.memref_squeeze %dma_start3A_659 : memref<1x32x128xf32, #tpu.memory_space<vmem>> -> memref<32x128xf32, #tpu.memory_space<vmem>>
      %dma_start3A_661 = arith.constant 0 : i32
      %dma_start3A_662 = tpu.memref_slice %arg2[%dma_start3A_661, %multiple_of3A_655] : memref<32x1000000xf32, #tpu.memory_space<hbm>> -> memref<32x128xf32, #tpu.memory_space<hbm>>
      %dma_start3A_663 = arith.constant 0 : i32
      %dma_start3A_664 = arith.constant 0 : i32
      %dma_start3A_665 = tpu.memref_slice %arg9[%dma_start3A_656, %dma_start3A_663, %dma_start3A_664] : memref<8x32x128xf32, #tpu.memory_space<vmem>> -> memref<1x32x128xf32, #tpu.memory_space<vmem>>
      %dma_start3A_666 = tpu.memref_squeeze %dma_start3A_665 : memref<1x32x128xf32, #tpu.memory_space<vmem>> -> memref<32x128xf32, #tpu.memory_space<vmem>>
      %dma_start3A_667 = arith.constant 0 : i32
      %dma_start3A_668 = tpu.memref_slice %arg2[%dma_start3A_667, %multiple_of3A_655] : memref<32x1000000xf32, #tpu.memory_space<hbm>> -> memref<32x128xf32, #tpu.memory_space<hbm>>
      tpu.enqueue_dma source(%dma_start3A_668 : memref<32x128xf32, #tpu.memory_space<hbm>>) target(%dma_start3A_666 : memref<32x128xf32, #tpu.memory_space<vmem>>) target_semaphore(%arg12 : memref<!tpu.dma_semaphore, #tpu.memory_space<semaphore_mem>>)
      %slice3A_669 = vector.extract_strided_slice %scan3A_157 {offsets = [10], sizes = [1], strides = [1]} : vector<16xi32> to vector<1xi32>
      %squeeze3A_670 = vector.extract %slice3A_669[0] : i32 from vector<1xi32>
      %and3A_671 = arith.constant -128 : i32
      %and3A_672 = arith.andi %squeeze3A_670, %and3A_671 : i32
      %multiple_of3A_673 = tpu.assume_multiple %and3A_672, 128 : i32
      %dma_start3A_674 = arith.constant 2 : i32
      %dma_start3A_675 = arith.constant 0 : i32
      %dma_start3A_676 = arith.constant 0 : i32
      %dma_start3A_677 = tpu.memref_slice %arg10[%dma_start3A_674, %dma_start3A_675, %dma_start3A_676] : memref<8x32x128xf32, #tpu.memory_space<vmem>> -> memref<1x32x128xf32, #tpu.memory_space<vmem>>
      %dma_start3A_678 = tpu.memref_squeeze %dma_start3A_677 : memref<1x32x128xf32, #tpu.memory_space<vmem>> -> memref<32x128xf32, #tpu.memory_space<vmem>>
      %dma_start3A_679 = arith.constant 0 : i32
      %dma_start3A_680 = tpu.memref_slice %arg3[%dma_start3A_679, %multiple_of3A_673] : memref<32x1000000xf32, #tpu.memory_space<hbm>> -> memref<32x128xf32, #tpu.memory_space<hbm>>
      %dma_start3A_681 = arith.constant 0 : i32
      %dma_start3A_682 = arith.constant 0 : i32
      %dma_start3A_683 = tpu.memref_slice %arg10[%dma_start3A_674, %dma_start3A_681, %dma_start3A_682] : memref<8x32x128xf32, #tpu.memory_space<vmem>> -> memref<1x32x128xf32, #tpu.memory_space<vmem>>
      %dma_start3A_684 = tpu.memref_squeeze %dma_start3A_683 : memref<1x32x128xf32, #tpu.memory_space<vmem>> -> memref<32x128xf32, #tpu.memory_space<vmem>>
      %dma_start3A_685 = arith.constant 0 : i32
      %dma_start3A_686 = tpu.memref_slice %arg3[%dma_start3A_685, %multiple_of3A_673] : memref<32x1000000xf32, #tpu.memory_space<hbm>> -> memref<32x128xf32, #tpu.memory_space<hbm>>
      tpu.enqueue_dma source(%dma_start3A_686 : memref<32x128xf32, #tpu.memory_space<hbm>>) target(%dma_start3A_684 : memref<32x128xf32, #tpu.memory_space<vmem>>) target_semaphore(%arg12 : memref<!tpu.dma_semaphore, #tpu.memory_space<semaphore_mem>>)
      %slice3A_687 = vector.extract_strided_slice %scan3A_156 {offsets = [11], sizes = [1], strides = [1]} : vector<16xi32> to vector<1xi32>
      %squeeze3A_688 = vector.extract %slice3A_687[0] : i32 from vector<1xi32>
      %and3A_689 = arith.constant -128 : i32
      %and3A_690 = arith.andi %squeeze3A_688, %and3A_689 : i32
      %multiple_of3A_691 = tpu.assume_multiple %and3A_690, 128 : i32
      %dma_start3A_692 = arith.constant 3 : i32
      %dma_start3A_693 = arith.constant 0 : i32
      %dma_start3A_694 = arith.constant 0 : i32
      %dma_start3A_695 = tpu.memref_slice %arg9[%dma_start3A_692, %dma_start3A_693, %dma_start3A_694] : memref<8x32x128xf32, #tpu.memory_space<vmem>> -> memref<1x32x128xf32, #tpu.memory_space<vmem>>
      %dma_start3A_696 = tpu.memref_squeeze %dma_start3A_695 : memref<1x32x128xf32, #tpu.memory_space<vmem>> -> memref<32x128xf32, #tpu.memory_space<vmem>>
      %dma_start3A_697 = arith.constant 0 : i32
      %dma_start3A_698 = tpu.memref_slice %arg2[%dma_start3A_697, %multiple_of3A_691] : memref<32x1000000xf32, #tpu.memory_space<hbm>> -> memref<32x128xf32, #tpu.memory_space<hbm>>
      %dma_start3A_699 = arith.constant 0 : i32
      %dma_start3A_700 = arith.constant 0 : i32
      %dma_start3A_701 = tpu.memref_slice %arg9[%dma_start3A_692, %dma_start3A_699, %dma_start3A_700] : memref<8x32x128xf32, #tpu.memory_space<vmem>> -> memref<1x32x128xf32, #tpu.memory_space<vmem>>
      %dma_start3A_702 = tpu.memref_squeeze %dma_start3A_701 : memref<1x32x128xf32, #tpu.memory_space<vmem>> -> memref<32x128xf32, #tpu.memory_space<vmem>>
      %dma_start3A_703 = arith.constant 0 : i32
      %dma_start3A_704 = tpu.memref_slice %arg2[%dma_start3A_703, %multiple_of3A_691] : memref<32x1000000xf32, #tpu.memory_space<hbm>> -> memref<32x128xf32, #tpu.memory_space<hbm>>
      tpu.enqueue_dma source(%dma_start3A_704 : memref<32x128xf32, #tpu.memory_space<hbm>>) target(%dma_start3A_702 : memref<32x128xf32, #tpu.memory_space<vmem>>) target_semaphore(%arg12 : memref<!tpu.dma_semaphore, #tpu.memory_space<semaphore_mem>>)
      %slice3A_705 = vector.extract_strided_slice %scan3A_157 {offsets = [11], sizes = [1], strides = [1]} : vector<16xi32> to vector<1xi32>
      %squeeze3A_706 = vector.extract %slice3A_705[0] : i32 from vector<1xi32>
      %and3A_707 = arith.constant -128 : i32
      %and3A_708 = arith.andi %squeeze3A_706, %and3A_707 : i32
      %multiple_of3A_709 = tpu.assume_multiple %and3A_708, 128 : i32
      %dma_start3A_710 = arith.constant 3 : i32
      %dma_start3A_711 = arith.constant 0 : i32
      %dma_start3A_712 = arith.constant 0 : i32
      %dma_start3A_713 = tpu.memref_slice %arg10[%dma_start3A_710, %dma_start3A_711, %dma_start3A_712] : memref<8x32x128xf32, #tpu.memory_space<vmem>> -> memref<1x32x128xf32, #tpu.memory_space<vmem>>
      %dma_start3A_714 = tpu.memref_squeeze %dma_start3A_713 : memref<1x32x128xf32, #tpu.memory_space<vmem>> -> memref<32x128xf32, #tpu.memory_space<vmem>>
      %dma_start3A_715 = arith.constant 0 : i32
      %dma_start3A_716 = tpu.memref_slice %arg3[%dma_start3A_715, %multiple_of3A_709] : memref<32x1000000xf32, #tpu.memory_space<hbm>> -> memref<32x128xf32, #tpu.memory_space<hbm>>
      %dma_start3A_717 = arith.constant 0 : i32
      %dma_start3A_718 = arith.constant 0 : i32
      %dma_start3A_719 = tpu.memref_slice %arg10[%dma_start3A_710, %dma_start3A_717, %dma_start3A_718] : memref<8x32x128xf32, #tpu.memory_space<vmem>> -> memref<1x32x128xf32, #tpu.memory_space<vmem>>
      %dma_start3A_720 = tpu.memref_squeeze %dma_start3A_719 : memref<1x32x128xf32, #tpu.memory_space<vmem>> -> memref<32x128xf32, #tpu.memory_space<vmem>>
      %dma_start3A_721 = arith.constant 0 : i32
      %dma_start3A_722 = tpu.memref_slice %arg3[%dma_start3A_721, %multiple_of3A_709] : memref<32x1000000xf32, #tpu.memory_space<hbm>> -> memref<32x128xf32, #tpu.memory_space<hbm>>
      tpu.enqueue_dma source(%dma_start3A_722 : memref<32x128xf32, #tpu.memory_space<hbm>>) target(%dma_start3A_720 : memref<32x128xf32, #tpu.memory_space<vmem>>) target_semaphore(%arg12 : memref<!tpu.dma_semaphore, #tpu.memory_space<semaphore_mem>>)
      %dma_wait3A_723 = arith.constant 4 : i32
      %dma_wait3A_724 = arith.constant 0 : i32
      %dma_wait3A_725 = arith.constant 0 : i32
      %dma_wait3A_726 = tpu.memref_slice %arg9[%dma_wait3A_723, %dma_wait3A_724, %dma_wait3A_725] : memref<8x32x128xf32, #tpu.memory_space<vmem>> -> memref<1x32x128xf32, #tpu.memory_space<vmem>>
      %dma_wait3A_727 = tpu.memref_squeeze %dma_wait3A_726 : memref<1x32x128xf32, #tpu.memory_space<vmem>> -> memref<32x128xf32, #tpu.memory_space<vmem>>
      %dma_wait3A_728 = arith.constant 0 : i32
      %dma_wait3A_729 = arith.constant 0 : i32
      %dma_wait3A_730 = tpu.memref_slice %arg2[%dma_wait3A_728, %dma_wait3A_729] : memref<32x1000000xf32, #tpu.memory_space<hbm>> -> memref<32x128xf32, #tpu.memory_space<hbm>>
      %dma_wait3A_731 = arith.constant 0 : i32
      %dma_wait3A_732 = arith.constant 0 : i32
      %dma_wait3A_733 = tpu.memref_slice %arg9[%dma_wait3A_723, %dma_wait3A_731, %dma_wait3A_732] : memref<8x32x128xf32, #tpu.memory_space<vmem>> -> memref<1x32x128xf32, #tpu.memory_space<vmem>>
      %dma_wait3A_734 = tpu.memref_squeeze %dma_wait3A_733 : memref<1x32x128xf32, #tpu.memory_space<vmem>> -> memref<32x128xf32, #tpu.memory_space<vmem>>
      %dma_wait3A_735 = arith.constant 0 : i32
      %dma_wait3A_736 = arith.constant 0 : i32
      %dma_wait3A_737 = tpu.memref_slice %arg2[%dma_wait3A_735, %dma_wait3A_736] : memref<32x1000000xf32, #tpu.memory_space<hbm>> -> memref<32x128xf32, #tpu.memory_space<hbm>>
      tpu.wait_dma2 semaphore(%arg12 : memref<!tpu.dma_semaphore, #tpu.memory_space<semaphore_mem>>) src(%dma_wait3A_737 : memref<32x128xf32, #tpu.memory_space<hbm>>) dst(%dma_wait3A_734 : memref<32x128xf32, #tpu.memory_space<vmem>>)
      %dma_wait3A_738 = arith.constant 4 : i32
      %dma_wait3A_739 = arith.constant 0 : i32
      %dma_wait3A_740 = arith.constant 0 : i32
      %dma_wait3A_741 = tpu.memref_slice %arg10[%dma_wait3A_738, %dma_wait3A_739, %dma_wait3A_740] : memref<8x32x128xf32, #tpu.memory_space<vmem>> -> memref<1x32x128xf32, #tpu.memory_space<vmem>>
      %dma_wait3A_742 = tpu.memref_squeeze %dma_wait3A_741 : memref<1x32x128xf32, #tpu.memory_space<vmem>> -> memref<32x128xf32, #tpu.memory_space<vmem>>
      %dma_wait3A_743 = arith.constant 0 : i32
      %dma_wait3A_744 = arith.constant 0 : i32
      %dma_wait3A_745 = tpu.memref_slice %arg3[%dma_wait3A_743, %dma_wait3A_744] : memref<32x1000000xf32, #tpu.memory_space<hbm>> -> memref<32x128xf32, #tpu.memory_space<hbm>>
      %dma_wait3A_746 = arith.constant 0 : i32
      %dma_wait3A_747 = arith.constant 0 : i32
      %dma_wait3A_748 = tpu.memref_slice %arg10[%dma_wait3A_738, %dma_wait3A_746, %dma_wait3A_747] : memref<8x32x128xf32, #tpu.memory_space<vmem>> -> memref<1x32x128xf32, #tpu.memory_space<vmem>>
      %dma_wait3A_749 = tpu.memref_squeeze %dma_wait3A_748 : memref<1x32x128xf32, #tpu.memory_space<vmem>> -> memref<32x128xf32, #tpu.memory_space<vmem>>
      %dma_wait3A_750 = arith.constant 0 : i32
      %dma_wait3A_751 = arith.constant 0 : i32
      %dma_wait3A_752 = tpu.memref_slice %arg3[%dma_wait3A_750, %dma_wait3A_751] : memref<32x1000000xf32, #tpu.memory_space<hbm>> -> memref<32x128xf32, #tpu.memory_space<hbm>>
      tpu.wait_dma2 semaphore(%arg12 : memref<!tpu.dma_semaphore, #tpu.memory_space<semaphore_mem>>) src(%dma_wait3A_752 : memref<32x128xf32, #tpu.memory_space<hbm>>) dst(%dma_wait3A_749 : memref<32x128xf32, #tpu.memory_space<vmem>>)
      %dma_wait3A_753 = arith.constant 5 : i32
      %dma_wait3A_754 = arith.constant 0 : i32
      %dma_wait3A_755 = arith.constant 0 : i32
      %dma_wait3A_756 = tpu.memref_slice %arg9[%dma_wait3A_753, %dma_wait3A_754, %dma_wait3A_755] : memref<8x32x128xf32, #tpu.memory_space<vmem>> -> memref<1x32x128xf32, #tpu.memory_space<vmem>>
      %dma_wait3A_757 = tpu.memref_squeeze %dma_wait3A_756 : memref<1x32x128xf32, #tpu.memory_space<vmem>> -> memref<32x128xf32, #tpu.memory_space<vmem>>
      %dma_wait3A_758 = arith.constant 0 : i32
      %dma_wait3A_759 = arith.constant 0 : i32
      %dma_wait3A_760 = tpu.memref_slice %arg2[%dma_wait3A_758, %dma_wait3A_759] : memref<32x1000000xf32, #tpu.memory_space<hbm>> -> memref<32x128xf32, #tpu.memory_space<hbm>>
      %dma_wait3A_761 = arith.constant 0 : i32
      %dma_wait3A_762 = arith.constant 0 : i32
      %dma_wait3A_763 = tpu.memref_slice %arg9[%dma_wait3A_753, %dma_wait3A_761, %dma_wait3A_762] : memref<8x32x128xf32, #tpu.memory_space<vmem>> -> memref<1x32x128xf32, #tpu.memory_space<vmem>>
      %dma_wait3A_764 = tpu.memref_squeeze %dma_wait3A_763 : memref<1x32x128xf32, #tpu.memory_space<vmem>> -> memref<32x128xf32, #tpu.memory_space<vmem>>
      %dma_wait3A_765 = arith.constant 0 : i32
      %dma_wait3A_766 = arith.constant 0 : i32
      %dma_wait3A_767 = tpu.memref_slice %arg2[%dma_wait3A_765, %dma_wait3A_766] : memref<32x1000000xf32, #tpu.memory_space<hbm>> -> memref<32x128xf32, #tpu.memory_space<hbm>>
      tpu.wait_dma2 semaphore(%arg12 : memref<!tpu.dma_semaphore, #tpu.memory_space<semaphore_mem>>) src(%dma_wait3A_767 : memref<32x128xf32, #tpu.memory_space<hbm>>) dst(%dma_wait3A_764 : memref<32x128xf32, #tpu.memory_space<vmem>>)
      %dma_wait3A_768 = arith.constant 5 : i32
      %dma_wait3A_769 = arith.constant 0 : i32
      %dma_wait3A_770 = arith.constant 0 : i32
      %dma_wait3A_771 = tpu.memref_slice %arg10[%dma_wait3A_768, %dma_wait3A_769, %dma_wait3A_770] : memref<8x32x128xf32, #tpu.memory_space<vmem>> -> memref<1x32x128xf32, #tpu.memory_space<vmem>>
      %dma_wait3A_772 = tpu.memref_squeeze %dma_wait3A_771 : memref<1x32x128xf32, #tpu.memory_space<vmem>> -> memref<32x128xf32, #tpu.memory_space<vmem>>
      %dma_wait3A_773 = arith.constant 0 : i32
      %dma_wait3A_774 = arith.constant 0 : i32
      %dma_wait3A_775 = tpu.memref_slice %arg3[%dma_wait3A_773, %dma_wait3A_774] : memref<32x1000000xf32, #tpu.memory_space<hbm>> -> memref<32x128xf32, #tpu.memory_space<hbm>>
      %dma_wait3A_776 = arith.constant 0 : i32
      %dma_wait3A_777 = arith.constant 0 : i32
      %dma_wait3A_778 = tpu.memref_slice %arg10[%dma_wait3A_768, %dma_wait3A_776, %dma_wait3A_777] : memref<8x32x128xf32, #tpu.memory_space<vmem>> -> memref<1x32x128xf32, #tpu.memory_space<vmem>>
      %dma_wait3A_779 = tpu.memref_squeeze %dma_wait3A_778 : memref<1x32x128xf32, #tpu.memory_space<vmem>> -> memref<32x128xf32, #tpu.memory_space<vmem>>
      %dma_wait3A_780 = arith.constant 0 : i32
      %dma_wait3A_781 = arith.constant 0 : i32
      %dma_wait3A_782 = tpu.memref_slice %arg3[%dma_wait3A_780, %dma_wait3A_781] : memref<32x1000000xf32, #tpu.memory_space<hbm>> -> memref<32x128xf32, #tpu.memory_space<hbm>>
      tpu.wait_dma2 semaphore(%arg12 : memref<!tpu.dma_semaphore, #tpu.memory_space<semaphore_mem>>) src(%dma_wait3A_782 : memref<32x128xf32, #tpu.memory_space<hbm>>) dst(%dma_wait3A_779 : memref<32x128xf32, #tpu.memory_space<vmem>>)
      %dma_wait3A_783 = arith.constant 6 : i32
      %dma_wait3A_784 = arith.constant 0 : i32
      %dma_wait3A_785 = arith.constant 0 : i32
      %dma_wait3A_786 = tpu.memref_slice %arg9[%dma_wait3A_783, %dma_wait3A_784, %dma_wait3A_785] : memref<8x32x128xf32, #tpu.memory_space<vmem>> -> memref<1x32x128xf32, #tpu.memory_space<vmem>>
      %dma_wait3A_787 = tpu.memref_squeeze %dma_wait3A_786 : memref<1x32x128xf32, #tpu.memory_space<vmem>> -> memref<32x128xf32, #tpu.memory_space<vmem>>
      %dma_wait3A_788 = arith.constant 0 : i32
      %dma_wait3A_789 = arith.constant 0 : i32
      %dma_wait3A_790 = tpu.memref_slice %arg2[%dma_wait3A_788, %dma_wait3A_789] : memref<32x1000000xf32, #tpu.memory_space<hbm>> -> memref<32x128xf32, #tpu.memory_space<hbm>>
      %dma_wait3A_791 = arith.constant 0 : i32
      %dma_wait3A_792 = arith.constant 0 : i32
      %dma_wait3A_793 = tpu.memref_slice %arg9[%dma_wait3A_783, %dma_wait3A_791, %dma_wait3A_792] : memref<8x32x128xf32, #tpu.memory_space<vmem>> -> memref<1x32x128xf32, #tpu.memory_space<vmem>>
      %dma_wait3A_794 = tpu.memref_squeeze %dma_wait3A_793 : memref<1x32x128xf32, #tpu.memory_space<vmem>> -> memref<32x128xf32, #tpu.memory_space<vmem>>
      %dma_wait3A_795 = arith.constant 0 : i32
      %dma_wait3A_796 = arith.constant 0 : i32
      %dma_wait3A_797 = tpu.memref_slice %arg2[%dma_wait3A_795, %dma_wait3A_796] : memref<32x1000000xf32, #tpu.memory_space<hbm>> -> memref<32x128xf32, #tpu.memory_space<hbm>>
      tpu.wait_dma2 semaphore(%arg12 : memref<!tpu.dma_semaphore, #tpu.memory_space<semaphore_mem>>) src(%dma_wait3A_797 : memref<32x128xf32, #tpu.memory_space<hbm>>) dst(%dma_wait3A_794 : memref<32x128xf32, #tpu.memory_space<vmem>>)
      %dma_wait3A_798 = arith.constant 6 : i32
      %dma_wait3A_799 = arith.constant 0 : i32
      %dma_wait3A_800 = arith.constant 0 : i32
      %dma_wait3A_801 = tpu.memref_slice %arg10[%dma_wait3A_798, %dma_wait3A_799, %dma_wait3A_800] : memref<8x32x128xf32, #tpu.memory_space<vmem>> -> memref<1x32x128xf32, #tpu.memory_space<vmem>>
      %dma_wait3A_802 = tpu.memref_squeeze %dma_wait3A_801 : memref<1x32x128xf32, #tpu.memory_space<vmem>> -> memref<32x128xf32, #tpu.memory_space<vmem>>
      %dma_wait3A_803 = arith.constant 0 : i32
      %dma_wait3A_804 = arith.constant 0 : i32
      %dma_wait3A_805 = tpu.memref_slice %arg3[%dma_wait3A_803, %dma_wait3A_804] : memref<32x1000000xf32, #tpu.memory_space<hbm>> -> memref<32x128xf32, #tpu.memory_space<hbm>>
      %dma_wait3A_806 = arith.constant 0 : i32
      %dma_wait3A_807 = arith.constant 0 : i32
      %dma_wait3A_808 = tpu.memref_slice %arg10[%dma_wait3A_798, %dma_wait3A_806, %dma_wait3A_807] : memref<8x32x128xf32, #tpu.memory_space<vmem>> -> memref<1x32x128xf32, #tpu.memory_space<vmem>>
      %dma_wait3A_809 = tpu.memref_squeeze %dma_wait3A_808 : memref<1x32x128xf32, #tpu.memory_space<vmem>> -> memref<32x128xf32, #tpu.memory_space<vmem>>
      %dma_wait3A_810 = arith.constant 0 : i32
      %dma_wait3A_811 = arith.constant 0 : i32
      %dma_wait3A_812 = tpu.memref_slice %arg3[%dma_wait3A_810, %dma_wait3A_811] : memref<32x1000000xf32, #tpu.memory_space<hbm>> -> memref<32x128xf32, #tpu.memory_space<hbm>>
      tpu.wait_dma2 semaphore(%arg12 : memref<!tpu.dma_semaphore, #tpu.memory_space<semaphore_mem>>) src(%dma_wait3A_812 : memref<32x128xf32, #tpu.memory_space<hbm>>) dst(%dma_wait3A_809 : memref<32x128xf32, #tpu.memory_space<vmem>>)
      %dma_wait3A_813 = arith.constant 7 : i32
      %dma_wait3A_814 = arith.constant 0 : i32
      %dma_wait3A_815 = arith.constant 0 : i32
      %dma_wait3A_816 = tpu.memref_slice %arg9[%dma_wait3A_813, %dma_wait3A_814, %dma_wait3A_815] : memref<8x32x128xf32, #tpu.memory_space<vmem>> -> memref<1x32x128xf32, #tpu.memory_space<vmem>>
      %dma_wait3A_817 = tpu.memref_squeeze %dma_wait3A_816 : memref<1x32x128xf32, #tpu.memory_space<vmem>> -> memref<32x128xf32, #tpu.memory_space<vmem>>
      %dma_wait3A_818 = arith.constant 0 : i32
      %dma_wait3A_819 = arith.constant 0 : i32
      %dma_wait3A_820 = tpu.memref_slice %arg2[%dma_wait3A_818, %dma_wait3A_819] : memref<32x1000000xf32, #tpu.memory_space<hbm>> -> memref<32x128xf32, #tpu.memory_space<hbm>>
      %dma_wait3A_821 = arith.constant 0 : i32
      %dma_wait3A_822 = arith.constant 0 : i32
      %dma_wait3A_823 = tpu.memref_slice %arg9[%dma_wait3A_813, %dma_wait3A_821, %dma_wait3A_822] : memref<8x32x128xf32, #tpu.memory_space<vmem>> -> memref<1x32x128xf32, #tpu.memory_space<vmem>>
      %dma_wait3A_824 = tpu.memref_squeeze %dma_wait3A_823 : memref<1x32x128xf32, #tpu.memory_space<vmem>> -> memref<32x128xf32, #tpu.memory_space<vmem>>
      %dma_wait3A_825 = arith.constant 0 : i32
      %dma_wait3A_826 = arith.constant 0 : i32
      %dma_wait3A_827 = tpu.memref_slice %arg2[%dma_wait3A_825, %dma_wait3A_826] : memref<32x1000000xf32, #tpu.memory_space<hbm>> -> memref<32x128xf32, #tpu.memory_space<hbm>>
      tpu.wait_dma2 semaphore(%arg12 : memref<!tpu.dma_semaphore, #tpu.memory_space<semaphore_mem>>) src(%dma_wait3A_827 : memref<32x128xf32, #tpu.memory_space<hbm>>) dst(%dma_wait3A_824 : memref<32x128xf32, #tpu.memory_space<vmem>>)
      %dma_wait3A_828 = arith.constant 7 : i32
      %dma_wait3A_829 = arith.constant 0 : i32
      %dma_wait3A_830 = arith.constant 0 : i32
      %dma_wait3A_831 = tpu.memref_slice %arg10[%dma_wait3A_828, %dma_wait3A_829, %dma_wait3A_830] : memref<8x32x128xf32, #tpu.memory_space<vmem>> -> memref<1x32x128xf32, #tpu.memory_space<vmem>>
      %dma_wait3A_832 = tpu.memref_squeeze %dma_wait3A_831 : memref<1x32x128xf32, #tpu.memory_space<vmem>> -> memref<32x128xf32, #tpu.memory_space<vmem>>
      %dma_wait3A_833 = arith.constant 0 : i32
      %dma_wait3A_834 = arith.constant 0 : i32
      %dma_wait3A_835 = tpu.memref_slice %arg3[%dma_wait3A_833, %dma_wait3A_834] : memref<32x1000000xf32, #tpu.memory_space<hbm>> -> memref<32x128xf32, #tpu.memory_space<hbm>>
      %dma_wait3A_836 = arith.constant 0 : i32
      %dma_wait3A_837 = arith.constant 0 : i32
      %dma_wait3A_838 = tpu.memref_slice %arg10[%dma_wait3A_828, %dma_wait3A_836, %dma_wait3A_837] : memref<8x32x128xf32, #tpu.memory_space<vmem>> -> memref<1x32x128xf32, #tpu.memory_space<vmem>>
      %dma_wait3A_839 = tpu.memref_squeeze %dma_wait3A_838 : memref<1x32x128xf32, #tpu.memory_space<vmem>> -> memref<32x128xf32, #tpu.memory_space<vmem>>
      %dma_wait3A_840 = arith.constant 0 : i32
      %dma_wait3A_841 = arith.constant 0 : i32
      %dma_wait3A_842 = tpu.memref_slice %arg3[%dma_wait3A_840, %dma_wait3A_841] : memref<32x1000000xf32, #tpu.memory_space<hbm>> -> memref<32x128xf32, #tpu.memory_space<hbm>>
      tpu.wait_dma2 semaphore(%arg12 : memref<!tpu.dma_semaphore, #tpu.memory_space<semaphore_mem>>) src(%dma_wait3A_842 : memref<32x128xf32, #tpu.memory_space<hbm>>) dst(%dma_wait3A_839 : memref<32x128xf32, #tpu.memory_space<vmem>>)
      %add3A_843 = arith.constant 4 : i32
      %add3A_844 = vector.broadcast %add3A_843 : i32 to vector<16xi32>
      %add3A_845 = arith.addi %add3A_844, %and3A_4 : vector<16xi32>
      %add3A_846 = arith.constant 4 : i32
      %add3A_847 = vector.broadcast %add3A_846 : i32 to vector<16xi32>
      %add3A_848 = arith.addi %add3A_847, %and3A_4 : vector<16xi32>
      %lt3A_849 = arith.constant 0 : i32
      %lt3A_850 = vector.broadcast %lt3A_849 : i32 to vector<16xi32>
      %lt3A_851 = arith.cmpi slt, %add3A_848, %lt3A_850 : vector<16xi32>
      %add3A_852 = arith.constant 16 : i32
      %add3A_853 = vector.broadcast %add3A_852 : i32 to vector<16xi32>
      %add3A_854 = arith.addi %add3A_848, %add3A_853 : vector<16xi32>
      %select_n3A_855 = arith.select %lt3A_851, %add3A_854, %add3A_848 : vector<16xi1>, vector<16xi32>
      %broadcast_in_dim3A_856 = vector.shape_cast %select_n3A_855 : vector<16xi32> to vector<16x1xi32>
      %gather3A_857 = vector.shape_cast %broadcast_in_dim3A_856 : vector<16x1xi32> to vector<16xi32>
      %gather3A_858 = tpu.dynamic_gather %and3A_160[%gather3A_857] in [0] : vector<16xi32>, vector<16xi32> -> vector<16xi32>
      %add3A_859 = arith.constant 4 : i32
      %add3A_860 = vector.broadcast %add3A_859 : i32 to vector<16xi32>
      %add3A_861 = arith.addi %add3A_860, %and3A_4 : vector<16xi32>
      %lt3A_862 = arith.constant 0 : i32
      %lt3A_863 = vector.broadcast %lt3A_862 : i32 to vector<16xi32>
      %lt3A_864 = arith.cmpi slt, %add3A_861, %lt3A_863 : vector<16xi32>
      %add3A_865 = arith.constant 16 : i32
      %add3A_866 = vector.broadcast %add3A_865 : i32 to vector<16xi32>
      %add3A_867 = arith.addi %add3A_861, %add3A_866 : vector<16xi32>
      %select_n3A_868 = arith.select %lt3A_864, %add3A_867, %add3A_861 : vector<16xi1>, vector<16xi32>
      %broadcast_in_dim3A_869 = vector.shape_cast %select_n3A_868 : vector<16xi32> to vector<16x1xi32>
      %gather3A_870 = vector.shape_cast %broadcast_in_dim3A_869 : vector<16x1xi32> to vector<16xi32>
      %gather3A_871 = tpu.dynamic_gather %and3A_163[%gather3A_870] in [0] : vector<16xi32>, vector<16xi32> -> vector<16xi32>
      %broadcast_in_dim3A_872 = arith.constant 0.000000e+00 : f32
      %broadcast_in_dim3A_873 = vector.broadcast %broadcast_in_dim3A_872 : f32 to vector<16xf32>
      %add3A_874 = arith.constant 0 : i32
      %add3A_875 = vector.broadcast %add3A_874 : i32 to vector<16xi32>
      %add3A_876 = arith.addi %add3A_875, %shift_right_arithmetic3A_6 : vector<16xi32>
      %gather3A_877 = tpu.vector_load_idx %arg9[%add3A_845, %add3A_876, %gather3A_858] : memref<8x32x128xf32, #tpu.memory_space<vmem>>[vector<16xi32>, vector<16xi32>, vector<16xi32>], vector<16xf32>,
      %gather3A_878 = tpu.vector_load_idx %arg10[%add3A_845, %add3A_876, %gather3A_871] : memref<8x32x128xf32, #tpu.memory_space<vmem>>[vector<16xi32>, vector<16xi32>, vector<16xi32>], vector<16xf32>,
      %mul3A_879 = arith.mulf %gather3A_877, %gather3A_878 : vector<16xf32>
      %add3A_880 = arith.addf %broadcast_in_dim3A_873, %mul3A_879 : vector<16xf32>
      %add3A_881 = arith.constant 4 : i32
      %add3A_882 = vector.broadcast %add3A_881 : i32 to vector<16xi32>
      %add3A_883 = arith.addi %add3A_882, %shift_right_arithmetic3A_6 : vector<16xi32>
      %gather3A_884 = tpu.vector_load_idx %arg9[%add3A_845, %add3A_883, %gather3A_858] : memref<8x32x128xf32, #tpu.memory_space<vmem>>[vector<16xi32>, vector<16xi32>, vector<16xi32>], vector<16xf32>,
      %gather3A_885 = tpu.vector_load_idx %arg10[%add3A_845, %add3A_883, %gather3A_871] : memref<8x32x128xf32, #tpu.memory_space<vmem>>[vector<16xi32>, vector<16xi32>, vector<16xi32>], vector<16xf32>,
      %mul3A_886 = arith.mulf %gather3A_884, %gather3A_885 : vector<16xf32>
      %add3A_887 = arith.addf %add3A_880, %mul3A_886 : vector<16xf32>
      %add3A_888 = arith.constant 8 : i32
      %add3A_889 = vector.broadcast %add3A_888 : i32 to vector<16xi32>
      %add3A_890 = arith.addi %add3A_889, %shift_right_arithmetic3A_6 : vector<16xi32>
      %gather3A_891 = tpu.vector_load_idx %arg9[%add3A_845, %add3A_890, %gather3A_858] : memref<8x32x128xf32, #tpu.memory_space<vmem>>[vector<16xi32>, vector<16xi32>, vector<16xi32>], vector<16xf32>,
      %gather3A_892 = tpu.vector_load_idx %arg10[%add3A_845, %add3A_890, %gather3A_871] : memref<8x32x128xf32, #tpu.memory_space<vmem>>[vector<16xi32>, vector<16xi32>, vector<16xi32>], vector<16xf32>,
      %mul3A_893 = arith.mulf %gather3A_891, %gather3A_892 : vector<16xf32>
      %add3A_894 = arith.addf %add3A_887, %mul3A_893 : vector<16xf32>
      %add3A_895 = arith.constant 12 : i32
      %add3A_896 = vector.broadcast %add3A_895 : i32 to vector<16xi32>
      %add3A_897 = arith.addi %add3A_896, %shift_right_arithmetic3A_6 : vector<16xi32>
      %gather3A_898 = tpu.vector_load_idx %arg9[%add3A_845, %add3A_897, %gather3A_858] : memref<8x32x128xf32, #tpu.memory_space<vmem>>[vector<16xi32>, vector<16xi32>, vector<16xi32>], vector<16xf32>,
      %gather3A_899 = tpu.vector_load_idx %arg10[%add3A_845, %add3A_897, %gather3A_871] : memref<8x32x128xf32, #tpu.memory_space<vmem>>[vector<16xi32>, vector<16xi32>, vector<16xi32>], vector<16xf32>,
      %mul3A_900 = arith.mulf %gather3A_898, %gather3A_899 : vector<16xf32>
      %add3A_901 = arith.addf %add3A_894, %mul3A_900 : vector<16xf32>
      %add3A_902 = arith.constant 16 : i32
      %add3A_903 = vector.broadcast %add3A_902 : i32 to vector<16xi32>
      %add3A_904 = arith.addi %add3A_903, %shift_right_arithmetic3A_6 : vector<16xi32>
      %gather3A_905 = tpu.vector_load_idx %arg9[%add3A_845, %add3A_904, %gather3A_858] : memref<8x32x128xf32, #tpu.memory_space<vmem>>[vector<16xi32>, vector<16xi32>, vector<16xi32>], vector<16xf32>,
      %gather3A_906 = tpu.vector_load_idx %arg10[%add3A_845, %add3A_904, %gather3A_871] : memref<8x32x128xf32, #tpu.memory_space<vmem>>[vector<16xi32>, vector<16xi32>, vector<16xi32>], vector<16xf32>,
      %mul3A_907 = arith.mulf %gather3A_905, %gather3A_906 : vector<16xf32>
      %add3A_908 = arith.addf %add3A_901, %mul3A_907 : vector<16xf32>
      %add3A_909 = arith.constant 20 : i32
      %add3A_910 = vector.broadcast %add3A_909 : i32 to vector<16xi32>
      %add3A_911 = arith.addi %add3A_910, %shift_right_arithmetic3A_6 : vector<16xi32>
      %gather3A_912 = tpu.vector_load_idx %arg9[%add3A_845, %add3A_911, %gather3A_858] : memref<8x32x128xf32, #tpu.memory_space<vmem>>[vector<16xi32>, vector<16xi32>, vector<16xi32>], vector<16xf32>,
      %gather3A_913 = tpu.vector_load_idx %arg10[%add3A_845, %add3A_911, %gather3A_871] : memref<8x32x128xf32, #tpu.memory_space<vmem>>[vector<16xi32>, vector<16xi32>, vector<16xi32>], vector<16xf32>,
      %mul3A_914 = arith.mulf %gather3A_912, %gather3A_913 : vector<16xf32>
      %add3A_915 = arith.addf %add3A_908, %mul3A_914 : vector<16xf32>
      %add3A_916 = arith.constant 24 : i32
      %add3A_917 = vector.broadcast %add3A_916 : i32 to vector<16xi32>
      %add3A_918 = arith.addi %add3A_917, %shift_right_arithmetic3A_6 : vector<16xi32>
      %gather3A_919 = tpu.vector_load_idx %arg9[%add3A_845, %add3A_918, %gather3A_858] : memref<8x32x128xf32, #tpu.memory_space<vmem>>[vector<16xi32>, vector<16xi32>, vector<16xi32>], vector<16xf32>,
      %gather3A_920 = tpu.vector_load_idx %arg10[%add3A_845, %add3A_918, %gather3A_871] : memref<8x32x128xf32, #tpu.memory_space<vmem>>[vector<16xi32>, vector<16xi32>, vector<16xi32>], vector<16xf32>,
      %mul3A_921 = arith.mulf %gather3A_919, %gather3A_920 : vector<16xf32>
      %add3A_922 = arith.addf %add3A_915, %mul3A_921 : vector<16xf32>
      %add3A_923 = arith.constant 28 : i32
      %add3A_924 = vector.broadcast %add3A_923 : i32 to vector<16xi32>
      %add3A_925 = arith.addi %add3A_924, %shift_right_arithmetic3A_6 : vector<16xi32>
      %gather3A_926 = tpu.vector_load_idx %arg9[%add3A_845, %add3A_925, %gather3A_858] : memref<8x32x128xf32, #tpu.memory_space<vmem>>[vector<16xi32>, vector<16xi32>, vector<16xi32>], vector<16xf32>,
      %gather3A_927 = tpu.vector_load_idx %arg10[%add3A_845, %add3A_925, %gather3A_871] : memref<8x32x128xf32, #tpu.memory_space<vmem>>[vector<16xi32>, vector<16xi32>, vector<16xi32>], vector<16xf32>,
      %mul3A_928 = arith.mulf %gather3A_926, %gather3A_927 : vector<16xf32>
      %add3A_929 = arith.addf %add3A_922, %mul3A_928 : vector<16xf32>
      %add3A_930 = arith.constant 8 : i32
      %add3A_931 = vector.broadcast %add3A_930 : i32 to vector<16xi32>
      %add3A_932 = arith.addi %iota3A, %add3A_931 : vector<16xi32>
      %and3A_933 = arith.constant 15 : i32
      %and3A_934 = vector.broadcast %and3A_933 : i32 to vector<16xi32>
      %and3A_935 = arith.andi %add3A_932, %and3A_934 : vector<16xi32>
      %lt3A_936 = arith.constant 0 : i32
      %lt3A_937 = vector.broadcast %lt3A_936 : i32 to vector<16xi32>
      %lt3A_938 = arith.cmpi slt, %and3A_935, %lt3A_937 : vector<16xi32>
      %add3A_939 = arith.constant 16 : i32
      %add3A_940 = vector.broadcast %add3A_939 : i32 to vector<16xi32>
      %add3A_941 = arith.addi %and3A_935, %add3A_940 : vector<16xi32>
      %select_n3A_942 = arith.select %lt3A_938, %add3A_941, %and3A_935 : vector<16xi1>, vector<16xi32>
      %broadcast_in_dim3A_943 = vector.shape_cast %select_n3A_942 : vector<16xi32> to vector<16x1xi32>
      %gather3A_944 = vector.shape_cast %broadcast_in_dim3A_943 : vector<16x1xi32> to vector<16xi32>
      %gather3A_945 = tpu.dynamic_gather %add3A_929[%gather3A_944] in [0] : vector<16xf32>, vector<16xi32> -> vector<16xf32>
      %add3A_946 = arith.addf %add3A_929, %gather3A_945 : vector<16xf32>
      %add3A_947 = arith.constant 4 : i32
      %add3A_948 = vector.broadcast %add3A_947 : i32 to vector<16xi32>
      %add3A_949 = arith.addi %iota3A, %add3A_948 : vector<16xi32>
      %and3A_950 = arith.constant 15 : i32
      %and3A_951 = vector.broadcast %and3A_950 : i32 to vector<16xi32>
      %and3A_952 = arith.andi %add3A_949, %and3A_951 : vector<16xi32>
      %lt3A_953 = arith.constant 0 : i32
      %lt3A_954 = vector.broadcast %lt3A_953 : i32 to vector<16xi32>
      %lt3A_955 = arith.cmpi slt, %and3A_952, %lt3A_954 : vector<16xi32>
      %add3A_956 = arith.constant 16 : i32
      %add3A_957 = vector.broadcast %add3A_956 : i32 to vector<16xi32>
      %add3A_958 = arith.addi %and3A_952, %add3A_957 : vector<16xi32>
      %select_n3A_959 = arith.select %lt3A_955, %add3A_958, %and3A_952 : vector<16xi1>, vector<16xi32>
      %broadcast_in_dim3A_960 = vector.shape_cast %select_n3A_959 : vector<16xi32> to vector<16x1xi32>
      %gather3A_961 = vector.shape_cast %broadcast_in_dim3A_960 : vector<16x1xi32> to vector<16xi32>
      %gather3A_962 = tpu.dynamic_gather %add3A_946[%gather3A_961] in [0] : vector<16xf32>, vector<16xi32> -> vector<16xf32>
      %add3A_963 = arith.addf %add3A_946, %gather3A_962 : vector<16xf32>
      %sub3A_964 = arith.constant 4 : i32
      %sub3A_965 = vector.broadcast %sub3A_964 : i32 to vector<16xi32>
      %sub3A_966 = arith.subi %iota3A, %sub3A_965 : vector<16xi32>
      %and3A_967 = arith.constant 15 : i32
      %and3A_968 = vector.broadcast %and3A_967 : i32 to vector<16xi32>
      %and3A_969 = arith.andi %sub3A_966, %and3A_968 : vector<16xi32>
      %lt3A_970 = arith.constant 0 : i32
      %lt3A_971 = vector.broadcast %lt3A_970 : i32 to vector<16xi32>
      %lt3A_972 = arith.cmpi slt, %and3A_969, %lt3A_971 : vector<16xi32>
      %add3A_973 = arith.constant 16 : i32
      %add3A_974 = vector.broadcast %add3A_973 : i32 to vector<16xi32>
      %add3A_975 = arith.addi %and3A_969, %add3A_974 : vector<16xi32>
      %select_n3A_976 = arith.select %lt3A_972, %add3A_975, %and3A_969 : vector<16xi1>, vector<16xi32>
      %broadcast_in_dim3A_977 = vector.shape_cast %select_n3A_976 : vector<16xi32> to vector<16x1xi32>
      %gather3A_978 = vector.shape_cast %broadcast_in_dim3A_977 : vector<16x1xi32> to vector<16xi32>
      %gather3A_979 = tpu.dynamic_gather %add3A_963[%gather3A_978] in [0] : vector<16xf32>, vector<16xi32> -> vector<16xf32>
      %ge3A_980 = arith.constant 4 : i32
      %ge3A_981 = vector.broadcast %ge3A_980 : i32 to vector<16xi32>
      %ge3A_982 = arith.cmpi sge, %iota3A, %ge3A_981 : vector<16xi32>
      %lt3A_983 = arith.constant 8 : i32
      %lt3A_984 = vector.broadcast %lt3A_983 : i32 to vector<16xi32>
      %lt3A_985 = arith.cmpi slt, %iota3A, %lt3A_984 : vector<16xi32>
      %and3A_986 = arith.andi %ge3A_982, %lt3A_985 : vector<16xi1>
      %select_n3A_987 = arith.select %and3A_986, %gather3A_979, %select_n3A_578 : vector<16xi1>, vector<16xf32>
      %slice3A_988 = vector.extract_strided_slice %scan3A_156 {offsets = [12], sizes = [1], strides = [1]} : vector<16xi32> to vector<1xi32>
      %squeeze3A_989 = vector.extract %slice3A_988[0] : i32 from vector<1xi32>
      %and3A_990 = arith.constant -128 : i32
      %and3A_991 = arith.andi %squeeze3A_989, %and3A_990 : i32
      %multiple_of3A_992 = tpu.assume_multiple %and3A_991, 128 : i32
      %dma_start3A_993 = arith.constant 4 : i32
      %dma_start3A_994 = arith.constant 0 : i32
      %dma_start3A_995 = arith.constant 0 : i32
      %dma_start3A_996 = tpu.memref_slice %arg9[%dma_start3A_993, %dma_start3A_994, %dma_start3A_995] : memref<8x32x128xf32, #tpu.memory_space<vmem>> -> memref<1x32x128xf32, #tpu.memory_space<vmem>>
      %dma_start3A_997 = tpu.memref_squeeze %dma_start3A_996 : memref<1x32x128xf32, #tpu.memory_space<vmem>> -> memref<32x128xf32, #tpu.memory_space<vmem>>
      %dma_start3A_998 = arith.constant 0 : i32
      %dma_start3A_999 = tpu.memref_slice %arg2[%dma_start3A_998, %multiple_of3A_992] : memref<32x1000000xf32, #tpu.memory_space<hbm>> -> memref<32x128xf32, #tpu.memory_space<hbm>>
      %dma_start3A_1000 = arith.constant 0 : i32
      %dma_start3A_1001 = arith.constant 0 : i32
      %dma_start3A_1002 = tpu.memref_slice %arg9[%dma_start3A_993, %dma_start3A_1000, %dma_start3A_1001] : memref<8x32x128xf32, #tpu.memory_space<vmem>> -> memref<1x32x128xf32, #tpu.memory_space<vmem>>
      %dma_start3A_1003 = tpu.memref_squeeze %dma_start3A_1002 : memref<1x32x128xf32, #tpu.memory_space<vmem>> -> memref<32x128xf32, #tpu.memory_space<vmem>>
      %dma_start3A_1004 = arith.constant 0 : i32
      %dma_start3A_1005 = tpu.memref_slice %arg2[%dma_start3A_1004, %multiple_of3A_992] : memref<32x1000000xf32, #tpu.memory_space<hbm>> -> memref<32x128xf32, #tpu.memory_space<hbm>>
      tpu.enqueue_dma source(%dma_start3A_1005 : memref<32x128xf32, #tpu.memory_space<hbm>>) target(%dma_start3A_1003 : memref<32x128xf32, #tpu.memory_space<vmem>>) target_semaphore(%arg12 : memref<!tpu.dma_semaphore, #tpu.memory_space<semaphore_mem>>)
      %slice3A_1006 = vector.extract_strided_slice %scan3A_157 {offsets = [12], sizes = [1], strides = [1]} : vector<16xi32> to vector<1xi32>
      %squeeze3A_1007 = vector.extract %slice3A_1006[0] : i32 from vector<1xi32>
      %and3A_1008 = arith.constant -128 : i32
      %and3A_1009 = arith.andi %squeeze3A_1007, %and3A_1008 : i32
      %multiple_of3A_1010 = tpu.assume_multiple %and3A_1009, 128 : i32
      %dma_start3A_1011 = arith.constant 4 : i32
      %dma_start3A_1012 = arith.constant 0 : i32
      %dma_start3A_1013 = arith.constant 0 : i32
      %dma_start3A_1014 = tpu.memref_slice %arg10[%dma_start3A_1011, %dma_start3A_1012, %dma_start3A_1013] : memref<8x32x128xf32, #tpu.memory_space<vmem>> -> memref<1x32x128xf32, #tpu.memory_space<vmem>>
      %dma_start3A_1015 = tpu.memref_squeeze %dma_start3A_1014 : memref<1x32x128xf32, #tpu.memory_space<vmem>> -> memref<32x128xf32, #tpu.memory_space<vmem>>
      %dma_start3A_1016 = arith.constant 0 : i32
      %dma_start3A_1017 = tpu.memref_slice %arg3[%dma_start3A_1016, %multiple_of3A_1010] : memref<32x1000000xf32, #tpu.memory_space<hbm>> -> memref<32x128xf32, #tpu.memory_space<hbm>>
      %dma_start3A_1018 = arith.constant 0 : i32
      %dma_start3A_1019 = arith.constant 0 : i32
      %dma_start3A_1020 = tpu.memref_slice %arg10[%dma_start3A_1011, %dma_start3A_1018, %dma_start3A_1019] : memref<8x32x128xf32, #tpu.memory_space<vmem>> -> memref<1x32x128xf32, #tpu.memory_space<vmem>>
      %dma_start3A_1021 = tpu.memref_squeeze %dma_start3A_1020 : memref<1x32x128xf32, #tpu.memory_space<vmem>> -> memref<32x128xf32, #tpu.memory_space<vmem>>
      %dma_start3A_1022 = arith.constant 0 : i32
      %dma_start3A_1023 = tpu.memref_slice %arg3[%dma_start3A_1022, %multiple_of3A_1010] : memref<32x1000000xf32, #tpu.memory_space<hbm>> -> memref<32x128xf32, #tpu.memory_space<hbm>>
      tpu.enqueue_dma source(%dma_start3A_1023 : memref<32x128xf32, #tpu.memory_space<hbm>>) target(%dma_start3A_1021 : memref<32x128xf32, #tpu.memory_space<vmem>>) target_semaphore(%arg12 : memref<!tpu.dma_semaphore, #tpu.memory_space<semaphore_mem>>)
      %slice3A_1024 = vector.extract_strided_slice %scan3A_156 {offsets = [13], sizes = [1], strides = [1]} : vector<16xi32> to vector<1xi32>
      %squeeze3A_1025 = vector.extract %slice3A_1024[0] : i32 from vector<1xi32>
      %and3A_1026 = arith.constant -128 : i32
      %and3A_1027 = arith.andi %squeeze3A_1025, %and3A_1026 : i32
      %multiple_of3A_1028 = tpu.assume_multiple %and3A_1027, 128 : i32
      %dma_start3A_1029 = arith.constant 5 : i32
      %dma_start3A_1030 = arith.constant 0 : i32
      %dma_start3A_1031 = arith.constant 0 : i32
      %dma_start3A_1032 = tpu.memref_slice %arg9[%dma_start3A_1029, %dma_start3A_1030, %dma_start3A_1031] : memref<8x32x128xf32, #tpu.memory_space<vmem>> -> memref<1x32x128xf32, #tpu.memory_space<vmem>>
      %dma_start3A_1033 = tpu.memref_squeeze %dma_start3A_1032 : memref<1x32x128xf32, #tpu.memory_space<vmem>> -> memref<32x128xf32, #tpu.memory_space<vmem>>
      %dma_start3A_1034 = arith.constant 0 : i32
      %dma_start3A_1035 = tpu.memref_slice %arg2[%dma_start3A_1034, %multiple_of3A_1028] : memref<32x1000000xf32, #tpu.memory_space<hbm>> -> memref<32x128xf32, #tpu.memory_space<hbm>>
      %dma_start3A_1036 = arith.constant 0 : i32
      %dma_start3A_1037 = arith.constant 0 : i32
      %dma_start3A_1038 = tpu.memref_slice %arg9[%dma_start3A_1029, %dma_start3A_1036, %dma_start3A_1037] : memref<8x32x128xf32, #tpu.memory_space<vmem>> -> memref<1x32x128xf32, #tpu.memory_space<vmem>>
      %dma_start3A_1039 = tpu.memref_squeeze %dma_start3A_1038 : memref<1x32x128xf32, #tpu.memory_space<vmem>> -> memref<32x128xf32, #tpu.memory_space<vmem>>
      %dma_start3A_1040 = arith.constant 0 : i32
      %dma_start3A_1041 = tpu.memref_slice %arg2[%dma_start3A_1040, %multiple_of3A_1028] : memref<32x1000000xf32, #tpu.memory_space<hbm>> -> memref<32x128xf32, #tpu.memory_space<hbm>>
      tpu.enqueue_dma source(%dma_start3A_1041 : memref<32x128xf32, #tpu.memory_space<hbm>>) target(%dma_start3A_1039 : memref<32x128xf32, #tpu.memory_space<vmem>>) target_semaphore(%arg12 : memref<!tpu.dma_semaphore, #tpu.memory_space<semaphore_mem>>)
      %slice3A_1042 = vector.extract_strided_slice %scan3A_157 {offsets = [13], sizes = [1], strides = [1]} : vector<16xi32> to vector<1xi32>
      %squeeze3A_1043 = vector.extract %slice3A_1042[0] : i32 from vector<1xi32>
      %and3A_1044 = arith.constant -128 : i32
      %and3A_1045 = arith.andi %squeeze3A_1043, %and3A_1044 : i32
      %multiple_of3A_1046 = tpu.assume_multiple %and3A_1045, 128 : i32
      %dma_start3A_1047 = arith.constant 5 : i32
      %dma_start3A_1048 = arith.constant 0 : i32
      %dma_start3A_1049 = arith.constant 0 : i32
      %dma_start3A_1050 = tpu.memref_slice %arg10[%dma_start3A_1047, %dma_start3A_1048, %dma_start3A_1049] : memref<8x32x128xf32, #tpu.memory_space<vmem>> -> memref<1x32x128xf32, #tpu.memory_space<vmem>>
      %dma_start3A_1051 = tpu.memref_squeeze %dma_start3A_1050 : memref<1x32x128xf32, #tpu.memory_space<vmem>> -> memref<32x128xf32, #tpu.memory_space<vmem>>
      %dma_start3A_1052 = arith.constant 0 : i32
      %dma_start3A_1053 = tpu.memref_slice %arg3[%dma_start3A_1052, %multiple_of3A_1046] : memref<32x1000000xf32, #tpu.memory_space<hbm>> -> memref<32x128xf32, #tpu.memory_space<hbm>>
      %dma_start3A_1054 = arith.constant 0 : i32
      %dma_start3A_1055 = arith.constant 0 : i32
      %dma_start3A_1056 = tpu.memref_slice %arg10[%dma_start3A_1047, %dma_start3A_1054, %dma_start3A_1055] : memref<8x32x128xf32, #tpu.memory_space<vmem>> -> memref<1x32x128xf32, #tpu.memory_space<vmem>>
      %dma_start3A_1057 = tpu.memref_squeeze %dma_start3A_1056 : memref<1x32x128xf32, #tpu.memory_space<vmem>> -> memref<32x128xf32, #tpu.memory_space<vmem>>
      %dma_start3A_1058 = arith.constant 0 : i32
      %dma_start3A_1059 = tpu.memref_slice %arg3[%dma_start3A_1058, %multiple_of3A_1046] : memref<32x1000000xf32, #tpu.memory_space<hbm>> -> memref<32x128xf32, #tpu.memory_space<hbm>>
      tpu.enqueue_dma source(%dma_start3A_1059 : memref<32x128xf32, #tpu.memory_space<hbm>>) target(%dma_start3A_1057 : memref<32x128xf32, #tpu.memory_space<vmem>>) target_semaphore(%arg12 : memref<!tpu.dma_semaphore, #tpu.memory_space<semaphore_mem>>)
      %slice3A_1060 = vector.extract_strided_slice %scan3A_156 {offsets = [14], sizes = [1], strides = [1]} : vector<16xi32> to vector<1xi32>
      %squeeze3A_1061 = vector.extract %slice3A_1060[0] : i32 from vector<1xi32>
      %and3A_1062 = arith.constant -128 : i32
      %and3A_1063 = arith.andi %squeeze3A_1061, %and3A_1062 : i32
      %multiple_of3A_1064 = tpu.assume_multiple %and3A_1063, 128 : i32
      %dma_start3A_1065 = arith.constant 6 : i32
      %dma_start3A_1066 = arith.constant 0 : i32
      %dma_start3A_1067 = arith.constant 0 : i32
      %dma_start3A_1068 = tpu.memref_slice %arg9[%dma_start3A_1065, %dma_start3A_1066, %dma_start3A_1067] : memref<8x32x128xf32, #tpu.memory_space<vmem>> -> memref<1x32x128xf32, #tpu.memory_space<vmem>>
      %dma_start3A_1069 = tpu.memref_squeeze %dma_start3A_1068 : memref<1x32x128xf32, #tpu.memory_space<vmem>> -> memref<32x128xf32, #tpu.memory_space<vmem>>
      %dma_start3A_1070 = arith.constant 0 : i32
      %dma_start3A_1071 = tpu.memref_slice %arg2[%dma_start3A_1070, %multiple_of3A_1064] : memref<32x1000000xf32, #tpu.memory_space<hbm>> -> memref<32x128xf32, #tpu.memory_space<hbm>>
      %dma_start3A_1072 = arith.constant 0 : i32
      %dma_start3A_1073 = arith.constant 0 : i32
      %dma_start3A_1074 = tpu.memref_slice %arg9[%dma_start3A_1065, %dma_start3A_1072, %dma_start3A_1073] : memref<8x32x128xf32, #tpu.memory_space<vmem>> -> memref<1x32x128xf32, #tpu.memory_space<vmem>>
      %dma_start3A_1075 = tpu.memref_squeeze %dma_start3A_1074 : memref<1x32x128xf32, #tpu.memory_space<vmem>> -> memref<32x128xf32, #tpu.memory_space<vmem>>
      %dma_start3A_1076 = arith.constant 0 : i32
      %dma_start3A_1077 = tpu.memref_slice %arg2[%dma_start3A_1076, %multiple_of3A_1064] : memref<32x1000000xf32, #tpu.memory_space<hbm>> -> memref<32x128xf32, #tpu.memory_space<hbm>>
      tpu.enqueue_dma source(%dma_start3A_1077 : memref<32x128xf32, #tpu.memory_space<hbm>>) target(%dma_start3A_1075 : memref<32x128xf32, #tpu.memory_space<vmem>>) target_semaphore(%arg12 : memref<!tpu.dma_semaphore, #tpu.memory_space<semaphore_mem>>)
      %slice3A_1078 = vector.extract_strided_slice %scan3A_157 {offsets = [14], sizes = [1], strides = [1]} : vector<16xi32> to vector<1xi32>
      %squeeze3A_1079 = vector.extract %slice3A_1078[0] : i32 from vector<1xi32>
      %and3A_1080 = arith.constant -128 : i32
      %and3A_1081 = arith.andi %squeeze3A_1079, %and3A_1080 : i32
      %multiple_of3A_1082 = tpu.assume_multiple %and3A_1081, 128 : i32
      %dma_start3A_1083 = arith.constant 6 : i32
      %dma_start3A_1084 = arith.constant 0 : i32
      %dma_start3A_1085 = arith.constant 0 : i32
      %dma_start3A_1086 = tpu.memref_slice %arg10[%dma_start3A_1083, %dma_start3A_1084, %dma_start3A_1085] : memref<8x32x128xf32, #tpu.memory_space<vmem>> -> memref<1x32x128xf32, #tpu.memory_space<vmem>>
      %dma_start3A_1087 = tpu.memref_squeeze %dma_start3A_1086 : memref<1x32x128xf32, #tpu.memory_space<vmem>> -> memref<32x128xf32, #tpu.memory_space<vmem>>
      %dma_start3A_1088 = arith.constant 0 : i32
      %dma_start3A_1089 = tpu.memref_slice %arg3[%dma_start3A_1088, %multiple_of3A_1082] : memref<32x1000000xf32, #tpu.memory_space<hbm>> -> memref<32x128xf32, #tpu.memory_space<hbm>>
      %dma_start3A_1090 = arith.constant 0 : i32
      %dma_start3A_1091 = arith.constant 0 : i32
      %dma_start3A_1092 = tpu.memref_slice %arg10[%dma_start3A_1083, %dma_start3A_1090, %dma_start3A_1091] : memref<8x32x128xf32, #tpu.memory_space<vmem>> -> memref<1x32x128xf32, #tpu.memory_space<vmem>>
      %dma_start3A_1093 = tpu.memref_squeeze %dma_start3A_1092 : memref<1x32x128xf32, #tpu.memory_space<vmem>> -> memref<32x128xf32, #tpu.memory_space<vmem>>
      %dma_start3A_1094 = arith.constant 0 : i32
      %dma_start3A_1095 = tpu.memref_slice %arg3[%dma_start3A_1094, %multiple_of3A_1082] : memref<32x1000000xf32, #tpu.memory_space<hbm>> -> memref<32x128xf32, #tpu.memory_space<hbm>>
      tpu.enqueue_dma source(%dma_start3A_1095 : memref<32x128xf32, #tpu.memory_space<hbm>>) target(%dma_start3A_1093 : memref<32x128xf32, #tpu.memory_space<vmem>>) target_semaphore(%arg12 : memref<!tpu.dma_semaphore, #tpu.memory_space<semaphore_mem>>)
      %slice3A_1096 = vector.extract_strided_slice %scan3A_156 {offsets = [15], sizes = [1], strides = [1]} : vector<16xi32> to vector<1xi32>
      %squeeze3A_1097 = vector.extract %slice3A_1096[0] : i32 from vector<1xi32>
      %and3A_1098 = arith.constant -128 : i32
      %and3A_1099 = arith.andi %squeeze3A_1097, %and3A_1098 : i32
      %multiple_of3A_1100 = tpu.assume_multiple %and3A_1099, 128 : i32
      %dma_start3A_1101 = arith.constant 7 : i32
      %dma_start3A_1102 = arith.constant 0 : i32
      %dma_start3A_1103 = arith.constant 0 : i32
      %dma_start3A_1104 = tpu.memref_slice %arg9[%dma_start3A_1101, %dma_start3A_1102, %dma_start3A_1103] : memref<8x32x128xf32, #tpu.memory_space<vmem>> -> memref<1x32x128xf32, #tpu.memory_space<vmem>>
      %dma_start3A_1105 = tpu.memref_squeeze %dma_start3A_1104 : memref<1x32x128xf32, #tpu.memory_space<vmem>> -> memref<32x128xf32, #tpu.memory_space<vmem>>
      %dma_start3A_1106 = arith.constant 0 : i32
      %dma_start3A_1107 = tpu.memref_slice %arg2[%dma_start3A_1106, %multiple_of3A_1100] : memref<32x1000000xf32, #tpu.memory_space<hbm>> -> memref<32x128xf32, #tpu.memory_space<hbm>>
      %dma_start3A_1108 = arith.constant 0 : i32
      %dma_start3A_1109 = arith.constant 0 : i32
      %dma_start3A_1110 = tpu.memref_slice %arg9[%dma_start3A_1101, %dma_start3A_1108, %dma_start3A_1109] : memref<8x32x128xf32, #tpu.memory_space<vmem>> -> memref<1x32x128xf32, #tpu.memory_space<vmem>>
      %dma_start3A_1111 = tpu.memref_squeeze %dma_start3A_1110 : memref<1x32x128xf32, #tpu.memory_space<vmem>> -> memref<32x128xf32, #tpu.memory_space<vmem>>
      %dma_start3A_1112 = arith.constant 0 : i32
      %dma_start3A_1113 = tpu.memref_slice %arg2[%dma_start3A_1112, %multiple_of3A_1100] : memref<32x1000000xf32, #tpu.memory_space<hbm>> -> memref<32x128xf32, #tpu.memory_space<hbm>>
      tpu.enqueue_dma source(%dma_start3A_1113 : memref<32x128xf32, #tpu.memory_space<hbm>>) target(%dma_start3A_1111 : memref<32x128xf32, #tpu.memory_space<vmem>>) target_semaphore(%arg12 : memref<!tpu.dma_semaphore, #tpu.memory_space<semaphore_mem>>)
      %slice3A_1114 = vector.extract_strided_slice %scan3A_157 {offsets = [15], sizes = [1], strides = [1]} : vector<16xi32> to vector<1xi32>
      %squeeze3A_1115 = vector.extract %slice3A_1114[0] : i32 from vector<1xi32>
      %and3A_1116 = arith.constant -128 : i32
      %and3A_1117 = arith.andi %squeeze3A_1115, %and3A_1116 : i32
      %multiple_of3A_1118 = tpu.assume_multiple %and3A_1117, 128 : i32
      %dma_start3A_1119 = arith.constant 7 : i32
      %dma_start3A_1120 = arith.constant 0 : i32
      %dma_start3A_1121 = arith.constant 0 : i32
      %dma_start3A_1122 = tpu.memref_slice %arg10[%dma_start3A_1119, %dma_start3A_1120, %dma_start3A_1121] : memref<8x32x128xf32, #tpu.memory_space<vmem>> -> memref<1x32x128xf32, #tpu.memory_space<vmem>>
      %dma_start3A_1123 = tpu.memref_squeeze %dma_start3A_1122 : memref<1x32x128xf32, #tpu.memory_space<vmem>> -> memref<32x128xf32, #tpu.memory_space<vmem>>
      %dma_start3A_1124 = arith.constant 0 : i32
      %dma_start3A_1125 = tpu.memref_slice %arg3[%dma_start3A_1124, %multiple_of3A_1118] : memref<32x1000000xf32, #tpu.memory_space<hbm>> -> memref<32x128xf32, #tpu.memory_space<hbm>>
      %dma_start3A_1126 = arith.constant 0 : i32
      %dma_start3A_1127 = arith.constant 0 : i32
      %dma_start3A_1128 = tpu.memref_slice %arg10[%dma_start3A_1119, %dma_start3A_1126, %dma_start3A_1127] : memref<8x32x128xf32, #tpu.memory_space<vmem>> -> memref<1x32x128xf32, #tpu.memory_space<vmem>>
      %dma_start3A_1129 = tpu.memref_squeeze %dma_start3A_1128 : memref<1x32x128xf32, #tpu.memory_space<vmem>> -> memref<32x128xf32, #tpu.memory_space<vmem>>
      %dma_start3A_1130 = arith.constant 0 : i32
      %dma_start3A_1131 = tpu.memref_slice %arg3[%dma_start3A_1130, %multiple_of3A_1118] : memref<32x1000000xf32, #tpu.memory_space<hbm>> -> memref<32x128xf32, #tpu.memory_space<hbm>>
      tpu.enqueue_dma source(%dma_start3A_1131 : memref<32x128xf32, #tpu.memory_space<hbm>>) target(%dma_start3A_1129 : memref<32x128xf32, #tpu.memory_space<vmem>>) target_semaphore(%arg12 : memref<!tpu.dma_semaphore, #tpu.memory_space<semaphore_mem>>)
      %dma_wait3A_1132 = arith.constant 0 : i32
      %dma_wait3A_1133 = arith.constant 0 : i32
      %dma_wait3A_1134 = arith.constant 0 : i32
      %dma_wait3A_1135 = tpu.memref_slice %arg9[%dma_wait3A_1132, %dma_wait3A_1133, %dma_wait3A_1134] : memref<8x32x128xf32, #tpu.memory_space<vmem>> -> memref<1x32x128xf32, #tpu.memory_space<vmem>>
      %dma_wait3A_1136 = tpu.memref_squeeze %dma_wait3A_1135 : memref<1x32x128xf32, #tpu.memory_space<vmem>> -> memref<32x128xf32, #tpu.memory_space<vmem>>
      %dma_wait3A_1137 = arith.constant 0 : i32
      %dma_wait3A_1138 = arith.constant 0 : i32
      %dma_wait3A_1139 = tpu.memref_slice %arg2[%dma_wait3A_1137, %dma_wait3A_1138] : memref<32x1000000xf32, #tpu.memory_space<hbm>> -> memref<32x128xf32, #tpu.memory_space<hbm>>
      %dma_wait3A_1140 = arith.constant 0 : i32
      %dma_wait3A_1141 = arith.constant 0 : i32
      %dma_wait3A_1142 = tpu.memref_slice %arg9[%dma_wait3A_1132, %dma_wait3A_1140, %dma_wait3A_1141] : memref<8x32x128xf32, #tpu.memory_space<vmem>> -> memref<1x32x128xf32, #tpu.memory_space<vmem>>
      %dma_wait3A_1143 = tpu.memref_squeeze %dma_wait3A_1142 : memref<1x32x128xf32, #tpu.memory_space<vmem>> -> memref<32x128xf32, #tpu.memory_space<vmem>>
      %dma_wait3A_1144 = arith.constant 0 : i32
      %dma_wait3A_1145 = arith.constant 0 : i32
      %dma_wait3A_1146 = tpu.memref_slice %arg2[%dma_wait3A_1144, %dma_wait3A_1145] : memref<32x1000000xf32, #tpu.memory_space<hbm>> -> memref<32x128xf32, #tpu.memory_space<hbm>>
      tpu.wait_dma2 semaphore(%arg12 : memref<!tpu.dma_semaphore, #tpu.memory_space<semaphore_mem>>) src(%dma_wait3A_1146 : memref<32x128xf32, #tpu.memory_space<hbm>>) dst(%dma_wait3A_1143 : memref<32x128xf32, #tpu.memory_space<vmem>>)
      %dma_wait3A_1147 = arith.constant 0 : i32
      %dma_wait3A_1148 = arith.constant 0 : i32
      %dma_wait3A_1149 = arith.constant 0 : i32
      %dma_wait3A_1150 = tpu.memref_slice %arg10[%dma_wait3A_1147, %dma_wait3A_1148, %dma_wait3A_1149] : memref<8x32x128xf32, #tpu.memory_space<vmem>> -> memref<1x32x128xf32, #tpu.memory_space<vmem>>
      %dma_wait3A_1151 = tpu.memref_squeeze %dma_wait3A_1150 : memref<1x32x128xf32, #tpu.memory_space<vmem>> -> memref<32x128xf32, #tpu.memory_space<vmem>>
      %dma_wait3A_1152 = arith.constant 0 : i32
      %dma_wait3A_1153 = arith.constant 0 : i32
      %dma_wait3A_1154 = tpu.memref_slice %arg3[%dma_wait3A_1152, %dma_wait3A_1153] : memref<32x1000000xf32, #tpu.memory_space<hbm>> -> memref<32x128xf32, #tpu.memory_space<hbm>>
      %dma_wait3A_1155 = arith.constant 0 : i32
      %dma_wait3A_1156 = arith.constant 0 : i32
      %dma_wait3A_1157 = tpu.memref_slice %arg10[%dma_wait3A_1147, %dma_wait3A_1155, %dma_wait3A_1156] : memref<8x32x128xf32, #tpu.memory_space<vmem>> -> memref<1x32x128xf32, #tpu.memory_space<vmem>>
      %dma_wait3A_1158 = tpu.memref_squeeze %dma_wait3A_1157 : memref<1x32x128xf32, #tpu.memory_space<vmem>> -> memref<32x128xf32, #tpu.memory_space<vmem>>
      %dma_wait3A_1159 = arith.constant 0 : i32
      %dma_wait3A_1160 = arith.constant 0 : i32
      %dma_wait3A_1161 = tpu.memref_slice %arg3[%dma_wait3A_1159, %dma_wait3A_1160] : memref<32x1000000xf32, #tpu.memory_space<hbm>> -> memref<32x128xf32, #tpu.memory_space<hbm>>
      tpu.wait_dma2 semaphore(%arg12 : memref<!tpu.dma_semaphore, #tpu.memory_space<semaphore_mem>>) src(%dma_wait3A_1161 : memref<32x128xf32, #tpu.memory_space<hbm>>) dst(%dma_wait3A_1158 : memref<32x128xf32, #tpu.memory_space<vmem>>)
      %dma_wait3A_1162 = arith.constant 1 : i32
      %dma_wait3A_1163 = arith.constant 0 : i32
      %dma_wait3A_1164 = arith.constant 0 : i32
      %dma_wait3A_1165 = tpu.memref_slice %arg9[%dma_wait3A_1162, %dma_wait3A_1163, %dma_wait3A_1164] : memref<8x32x128xf32, #tpu.memory_space<vmem>> -> memref<1x32x128xf32, #tpu.memory_space<vmem>>
      %dma_wait3A_1166 = tpu.memref_squeeze %dma_wait3A_1165 : memref<1x32x128xf32, #tpu.memory_space<vmem>> -> memref<32x128xf32, #tpu.memory_space<vmem>>
      %dma_wait3A_1167 = arith.constant 0 : i32
      %dma_wait3A_1168 = arith.constant 0 : i32
      %dma_wait3A_1169 = tpu.memref_slice %arg2[%dma_wait3A_1167, %dma_wait3A_1168] : memref<32x1000000xf32, #tpu.memory_space<hbm>> -> memref<32x128xf32, #tpu.memory_space<hbm>>
      %dma_wait3A_1170 = arith.constant 0 : i32
      %dma_wait3A_1171 = arith.constant 0 : i32
      %dma_wait3A_1172 = tpu.memref_slice %arg9[%dma_wait3A_1162, %dma_wait3A_1170, %dma_wait3A_1171] : memref<8x32x128xf32, #tpu.memory_space<vmem>> -> memref<1x32x128xf32, #tpu.memory_space<vmem>>
      %dma_wait3A_1173 = tpu.memref_squeeze %dma_wait3A_1172 : memref<1x32x128xf32, #tpu.memory_space<vmem>> -> memref<32x128xf32, #tpu.memory_space<vmem>>
      %dma_wait3A_1174 = arith.constant 0 : i32
      %dma_wait3A_1175 = arith.constant 0 : i32
      %dma_wait3A_1176 = tpu.memref_slice %arg2[%dma_wait3A_1174, %dma_wait3A_1175] : memref<32x1000000xf32, #tpu.memory_space<hbm>> -> memref<32x128xf32, #tpu.memory_space<hbm>>
      tpu.wait_dma2 semaphore(%arg12 : memref<!tpu.dma_semaphore, #tpu.memory_space<semaphore_mem>>) src(%dma_wait3A_1176 : memref<32x128xf32, #tpu.memory_space<hbm>>) dst(%dma_wait3A_1173 : memref<32x128xf32, #tpu.memory_space<vmem>>)
      %dma_wait3A_1177 = arith.constant 1 : i32
      %dma_wait3A_1178 = arith.constant 0 : i32
      %dma_wait3A_1179 = arith.constant 0 : i32
      %dma_wait3A_1180 = tpu.memref_slice %arg10[%dma_wait3A_1177, %dma_wait3A_1178, %dma_wait3A_1179] : memref<8x32x128xf32, #tpu.memory_space<vmem>> -> memref<1x32x128xf32, #tpu.memory_space<vmem>>
      %dma_wait3A_1181 = tpu.memref_squeeze %dma_wait3A_1180 : memref<1x32x128xf32, #tpu.memory_space<vmem>> -> memref<32x128xf32, #tpu.memory_space<vmem>>
      %dma_wait3A_1182 = arith.constant 0 : i32
      %dma_wait3A_1183 = arith.constant 0 : i32
      %dma_wait3A_1184 = tpu.memref_slice %arg3[%dma_wait3A_1182, %dma_wait3A_1183] : memref<32x1000000xf32, #tpu.memory_space<hbm>> -> memref<32x128xf32, #tpu.memory_space<hbm>>
      %dma_wait3A_1185 = arith.constant 0 : i32
      %dma_wait3A_1186 = arith.constant 0 : i32
      %dma_wait3A_1187 = tpu.memref_slice %arg10[%dma_wait3A_1177, %dma_wait3A_1185, %dma_wait3A_1186] : memref<8x32x128xf32, #tpu.memory_space<vmem>> -> memref<1x32x128xf32, #tpu.memory_space<vmem>>
      %dma_wait3A_1188 = tpu.memref_squeeze %dma_wait3A_1187 : memref<1x32x128xf32, #tpu.memory_space<vmem>> -> memref<32x128xf32, #tpu.memory_space<vmem>>
      %dma_wait3A_1189 = arith.constant 0 : i32
      %dma_wait3A_1190 = arith.constant 0 : i32
      %dma_wait3A_1191 = tpu.memref_slice %arg3[%dma_wait3A_1189, %dma_wait3A_1190] : memref<32x1000000xf32, #tpu.memory_space<hbm>> -> memref<32x128xf32, #tpu.memory_space<hbm>>
      tpu.wait_dma2 semaphore(%arg12 : memref<!tpu.dma_semaphore, #tpu.memory_space<semaphore_mem>>) src(%dma_wait3A_1191 : memref<32x128xf32, #tpu.memory_space<hbm>>) dst(%dma_wait3A_1188 : memref<32x128xf32, #tpu.memory_space<vmem>>)
      %dma_wait3A_1192 = arith.constant 2 : i32
      %dma_wait3A_1193 = arith.constant 0 : i32
      %dma_wait3A_1194 = arith.constant 0 : i32
      %dma_wait3A_1195 = tpu.memref_slice %arg9[%dma_wait3A_1192, %dma_wait3A_1193, %dma_wait3A_1194] : memref<8x32x128xf32, #tpu.memory_space<vmem>> -> memref<1x32x128xf32, #tpu.memory_space<vmem>>
      %dma_wait3A_1196 = tpu.memref_squeeze %dma_wait3A_1195 : memref<1x32x128xf32, #tpu.memory_space<vmem>> -> memref<32x128xf32, #tpu.memory_space<vmem>>
      %dma_wait3A_1197 = arith.constant 0 : i32
      %dma_wait3A_1198 = arith.constant 0 : i32
      %dma_wait3A_1199 = tpu.memref_slice %arg2[%dma_wait3A_1197, %dma_wait3A_1198] : memref<32x1000000xf32, #tpu.memory_space<hbm>> -> memref<32x128xf32, #tpu.memory_space<hbm>>
      %dma_wait3A_1200 = arith.constant 0 : i32
      %dma_wait3A_1201 = arith.constant 0 : i32
      %dma_wait3A_1202 = tpu.memref_slice %arg9[%dma_wait3A_1192, %dma_wait3A_1200, %dma_wait3A_1201] : memref<8x32x128xf32, #tpu.memory_space<vmem>> -> memref<1x32x128xf32, #tpu.memory_space<vmem>>
      %dma_wait3A_1203 = tpu.memref_squeeze %dma_wait3A_1202 : memref<1x32x128xf32, #tpu.memory_space<vmem>> -> memref<32x128xf32, #tpu.memory_space<vmem>>
      %dma_wait3A_1204 = arith.constant 0 : i32
      %dma_wait3A_1205 = arith.constant 0 : i32
      %dma_wait3A_1206 = tpu.memref_slice %arg2[%dma_wait3A_1204, %dma_wait3A_1205] : memref<32x1000000xf32, #tpu.memory_space<hbm>> -> memref<32x128xf32, #tpu.memory_space<hbm>>
      tpu.wait_dma2 semaphore(%arg12 : memref<!tpu.dma_semaphore, #tpu.memory_space<semaphore_mem>>) src(%dma_wait3A_1206 : memref<32x128xf32, #tpu.memory_space<hbm>>) dst(%dma_wait3A_1203 : memref<32x128xf32, #tpu.memory_space<vmem>>)
      %dma_wait3A_1207 = arith.constant 2 : i32
      %dma_wait3A_1208 = arith.constant 0 : i32
      %dma_wait3A_1209 = arith.constant 0 : i32
      %dma_wait3A_1210 = tpu.memref_slice %arg10[%dma_wait3A_1207, %dma_wait3A_1208, %dma_wait3A_1209] : memref<8x32x128xf32, #tpu.memory_space<vmem>> -> memref<1x32x128xf32, #tpu.memory_space<vmem>>
      %dma_wait3A_1211 = tpu.memref_squeeze %dma_wait3A_1210 : memref<1x32x128xf32, #tpu.memory_space<vmem>> -> memref<32x128xf32, #tpu.memory_space<vmem>>
      %dma_wait3A_1212 = arith.constant 0 : i32
      %dma_wait3A_1213 = arith.constant 0 : i32
      %dma_wait3A_1214 = tpu.memref_slice %arg3[%dma_wait3A_1212, %dma_wait3A_1213] : memref<32x1000000xf32, #tpu.memory_space<hbm>> -> memref<32x128xf32, #tpu.memory_space<hbm>>
      %dma_wait3A_1215 = arith.constant 0 : i32
      %dma_wait3A_1216 = arith.constant 0 : i32
      %dma_wait3A_1217 = tpu.memref_slice %arg10[%dma_wait3A_1207, %dma_wait3A_1215, %dma_wait3A_1216] : memref<8x32x128xf32, #tpu.memory_space<vmem>> -> memref<1x32x128xf32, #tpu.memory_space<vmem>>
      %dma_wait3A_1218 = tpu.memref_squeeze %dma_wait3A_1217 : memref<1x32x128xf32, #tpu.memory_space<vmem>> -> memref<32x128xf32, #tpu.memory_space<vmem>>
      %dma_wait3A_1219 = arith.constant 0 : i32
      %dma_wait3A_1220 = arith.constant 0 : i32
      %dma_wait3A_1221 = tpu.memref_slice %arg3[%dma_wait3A_1219, %dma_wait3A_1220] : memref<32x1000000xf32, #tpu.memory_space<hbm>> -> memref<32x128xf32, #tpu.memory_space<hbm>>
      tpu.wait_dma2 semaphore(%arg12 : memref<!tpu.dma_semaphore, #tpu.memory_space<semaphore_mem>>) src(%dma_wait3A_1221 : memref<32x128xf32, #tpu.memory_space<hbm>>) dst(%dma_wait3A_1218 : memref<32x128xf32, #tpu.memory_space<vmem>>)
      %dma_wait3A_1222 = arith.constant 3 : i32
      %dma_wait3A_1223 = arith.constant 0 : i32
      %dma_wait3A_1224 = arith.constant 0 : i32
      %dma_wait3A_1225 = tpu.memref_slice %arg9[%dma_wait3A_1222, %dma_wait3A_1223, %dma_wait3A_1224] : memref<8x32x128xf32, #tpu.memory_space<vmem>> -> memref<1x32x128xf32, #tpu.memory_space<vmem>>
      %dma_wait3A_1226 = tpu.memref_squeeze %dma_wait3A_1225 : memref<1x32x128xf32, #tpu.memory_space<vmem>> -> memref<32x128xf32, #tpu.memory_space<vmem>>
      %dma_wait3A_1227 = arith.constant 0 : i32
      %dma_wait3A_1228 = arith.constant 0 : i32
      %dma_wait3A_1229 = tpu.memref_slice %arg2[%dma_wait3A_1227, %dma_wait3A_1228] : memref<32x1000000xf32, #tpu.memory_space<hbm>> -> memref<32x128xf32, #tpu.memory_space<hbm>>
      %dma_wait3A_1230 = arith.constant 0 : i32
      %dma_wait3A_1231 = arith.constant 0 : i32
      %dma_wait3A_1232 = tpu.memref_slice %arg9[%dma_wait3A_1222, %dma_wait3A_1230, %dma_wait3A_1231] : memref<8x32x128xf32, #tpu.memory_space<vmem>> -> memref<1x32x128xf32, #tpu.memory_space<vmem>>
      %dma_wait3A_1233 = tpu.memref_squeeze %dma_wait3A_1232 : memref<1x32x128xf32, #tpu.memory_space<vmem>> -> memref<32x128xf32, #tpu.memory_space<vmem>>
      %dma_wait3A_1234 = arith.constant 0 : i32
      %dma_wait3A_1235 = arith.constant 0 : i32
      %dma_wait3A_1236 = tpu.memref_slice %arg2[%dma_wait3A_1234, %dma_wait3A_1235] : memref<32x1000000xf32, #tpu.memory_space<hbm>> -> memref<32x128xf32, #tpu.memory_space<hbm>>
      tpu.wait_dma2 semaphore(%arg12 : memref<!tpu.dma_semaphore, #tpu.memory_space<semaphore_mem>>) src(%dma_wait3A_1236 : memref<32x128xf32, #tpu.memory_space<hbm>>) dst(%dma_wait3A_1233 : memref<32x128xf32, #tpu.memory_space<vmem>>)
      %dma_wait3A_1237 = arith.constant 3 : i32
      %dma_wait3A_1238 = arith.constant 0 : i32
      %dma_wait3A_1239 = arith.constant 0 : i32
      %dma_wait3A_1240 = tpu.memref_slice %arg10[%dma_wait3A_1237, %dma_wait3A_1238, %dma_wait3A_1239] : memref<8x32x128xf32, #tpu.memory_space<vmem>> -> memref<1x32x128xf32, #tpu.memory_space<vmem>>
      %dma_wait3A_1241 = tpu.memref_squeeze %dma_wait3A_1240 : memref<1x32x128xf32, #tpu.memory_space<vmem>> -> memref<32x128xf32, #tpu.memory_space<vmem>>
      %dma_wait3A_1242 = arith.constant 0 : i32
      %dma_wait3A_1243 = arith.constant 0 : i32
      %dma_wait3A_1244 = tpu.memref_slice %arg3[%dma_wait3A_1242, %dma_wait3A_1243] : memref<32x1000000xf32, #tpu.memory_space<hbm>> -> memref<32x128xf32, #tpu.memory_space<hbm>>
      %dma_wait3A_1245 = arith.constant 0 : i32
      %dma_wait3A_1246 = arith.constant 0 : i32
      %dma_wait3A_1247 = tpu.memref_slice %arg10[%dma_wait3A_1237, %dma_wait3A_1245, %dma_wait3A_1246] : memref<8x32x128xf32, #tpu.memory_space<vmem>> -> memref<1x32x128xf32, #tpu.memory_space<vmem>>
      %dma_wait3A_1248 = tpu.memref_squeeze %dma_wait3A_1247 : memref<1x32x128xf32, #tpu.memory_space<vmem>> -> memref<32x128xf32, #tpu.memory_space<vmem>>
      %dma_wait3A_1249 = arith.constant 0 : i32
      %dma_wait3A_1250 = arith.constant 0 : i32
      %dma_wait3A_1251 = tpu.memref_slice %arg3[%dma_wait3A_1249, %dma_wait3A_1250] : memref<32x1000000xf32, #tpu.memory_space<hbm>> -> memref<32x128xf32, #tpu.memory_space<hbm>>
      tpu.wait_dma2 semaphore(%arg12 : memref<!tpu.dma_semaphore, #tpu.memory_space<semaphore_mem>>) src(%dma_wait3A_1251 : memref<32x128xf32, #tpu.memory_space<hbm>>) dst(%dma_wait3A_1248 : memref<32x128xf32, #tpu.memory_space<vmem>>)
      %add3A_1252 = arith.constant 0 : i32
      %add3A_1253 = vector.broadcast %add3A_1252 : i32 to vector<16xi32>
      %add3A_1254 = arith.addi %add3A_1253, %and3A_4 : vector<16xi32>
      %add3A_1255 = arith.constant 8 : i32
      %add3A_1256 = vector.broadcast %add3A_1255 : i32 to vector<16xi32>
      %add3A_1257 = arith.addi %add3A_1256, %and3A_4 : vector<16xi32>
      %lt3A_1258 = arith.constant 0 : i32
      %lt3A_1259 = vector.broadcast %lt3A_1258 : i32 to vector<16xi32>
      %lt3A_1260 = arith.cmpi slt, %add3A_1257, %lt3A_1259 : vector<16xi32>
      %add3A_1261 = arith.constant 16 : i32
      %add3A_1262 = vector.broadcast %add3A_1261 : i32 to vector<16xi32>
      %add3A_1263 = arith.addi %add3A_1257, %add3A_1262 : vector<16xi32>
      %select_n3A_1264 = arith.select %lt3A_1260, %add3A_1263, %add3A_1257 : vector<16xi1>, vector<16xi32>
      %broadcast_in_dim3A_1265 = vector.shape_cast %select_n3A_1264 : vector<16xi32> to vector<16x1xi32>
      %gather3A_1266 = vector.shape_cast %broadcast_in_dim3A_1265 : vector<16x1xi32> to vector<16xi32>
      %gather3A_1267 = tpu.dynamic_gather %and3A_160[%gather3A_1266] in [0] : vector<16xi32>, vector<16xi32> -> vector<16xi32>
      %add3A_1268 = arith.constant 8 : i32
      %add3A_1269 = vector.broadcast %add3A_1268 : i32 to vector<16xi32>
      %add3A_1270 = arith.addi %add3A_1269, %and3A_4 : vector<16xi32>
      %lt3A_1271 = arith.constant 0 : i32
      %lt3A_1272 = vector.broadcast %lt3A_1271 : i32 to vector<16xi32>
      %lt3A_1273 = arith.cmpi slt, %add3A_1270, %lt3A_1272 : vector<16xi32>
      %add3A_1274 = arith.constant 16 : i32
      %add3A_1275 = vector.broadcast %add3A_1274 : i32 to vector<16xi32>
      %add3A_1276 = arith.addi %add3A_1270, %add3A_1275 : vector<16xi32>
      %select_n3A_1277 = arith.select %lt3A_1273, %add3A_1276, %add3A_1270 : vector<16xi1>, vector<16xi32>
      %broadcast_in_dim3A_1278 = vector.shape_cast %select_n3A_1277 : vector<16xi32> to vector<16x1xi32>
      %gather3A_1279 = vector.shape_cast %broadcast_in_dim3A_1278 : vector<16x1xi32> to vector<16xi32>
      %gather3A_1280 = tpu.dynamic_gather %and3A_163[%gather3A_1279] in [0] : vector<16xi32>, vector<16xi32> -> vector<16xi32>
      %broadcast_in_dim3A_1281 = arith.constant 0.000000e+00 : f32
      %broadcast_in_dim3A_1282 = vector.broadcast %broadcast_in_dim3A_1281 : f32 to vector<16xf32>
      %add3A_1283 = arith.constant 0 : i32
      %add3A_1284 = vector.broadcast %add3A_1283 : i32 to vector<16xi32>
      %add3A_1285 = arith.addi %add3A_1284, %shift_right_arithmetic3A_6 : vector<16xi32>
      %gather3A_1286 = tpu.vector_load_idx %arg9[%add3A_1254, %add3A_1285, %gather3A_1267] : memref<8x32x128xf32, #tpu.memory_space<vmem>>[vector<16xi32>, vector<16xi32>, vector<16xi32>], vector<16xf32>,
      %gather3A_1287 = tpu.vector_load_idx %arg10[%add3A_1254, %add3A_1285, %gather3A_1280] : memref<8x32x128xf32, #tpu.memory_space<vmem>>[vector<16xi32>, vector<16xi32>, vector<16xi32>], vector<16xf32>,
      %mul3A_1288 = arith.mulf %gather3A_1286, %gather3A_1287 : vector<16xf32>
      %add3A_1289 = arith.addf %broadcast_in_dim3A_1282, %mul3A_1288 : vector<16xf32>
      %add3A_1290 = arith.constant 4 : i32
      %add3A_1291 = vector.broadcast %add3A_1290 : i32 to vector<16xi32>
      %add3A_1292 = arith.addi %add3A_1291, %shift_right_arithmetic3A_6 : vector<16xi32>
      %gather3A_1293 = tpu.vector_load_idx %arg9[%add3A_1254, %add3A_1292, %gather3A_1267] : memref<8x32x128xf32, #tpu.memory_space<vmem>>[vector<16xi32>, vector<16xi32>, vector<16xi32>], vector<16xf32>,
      %gather3A_1294 = tpu.vector_load_idx %arg10[%add3A_1254, %add3A_1292, %gather3A_1280] : memref<8x32x128xf32, #tpu.memory_space<vmem>>[vector<16xi32>, vector<16xi32>, vector<16xi32>], vector<16xf32>,
      %mul3A_1295 = arith.mulf %gather3A_1293, %gather3A_1294 : vector<16xf32>
      %add3A_1296 = arith.addf %add3A_1289, %mul3A_1295 : vector<16xf32>
      %add3A_1297 = arith.constant 8 : i32
      %add3A_1298 = vector.broadcast %add3A_1297 : i32 to vector<16xi32>
      %add3A_1299 = arith.addi %add3A_1298, %shift_right_arithmetic3A_6 : vector<16xi32>
      %gather3A_1300 = tpu.vector_load_idx %arg9[%add3A_1254, %add3A_1299, %gather3A_1267] : memref<8x32x128xf32, #tpu.memory_space<vmem>>[vector<16xi32>, vector<16xi32>, vector<16xi32>], vector<16xf32>,
      %gather3A_1301 = tpu.vector_load_idx %arg10[%add3A_1254, %add3A_1299, %gather3A_1280] : memref<8x32x128xf32, #tpu.memory_space<vmem>>[vector<16xi32>, vector<16xi32>, vector<16xi32>], vector<16xf32>,
      %mul3A_1302 = arith.mulf %gather3A_1300, %gather3A_1301 : vector<16xf32>
      %add3A_1303 = arith.addf %add3A_1296, %mul3A_1302 : vector<16xf32>
      %add3A_1304 = arith.constant 12 : i32
      %add3A_1305 = vector.broadcast %add3A_1304 : i32 to vector<16xi32>
      %add3A_1306 = arith.addi %add3A_1305, %shift_right_arithmetic3A_6 : vector<16xi32>
      %gather3A_1307 = tpu.vector_load_idx %arg9[%add3A_1254, %add3A_1306, %gather3A_1267] : memref<8x32x128xf32, #tpu.memory_space<vmem>>[vector<16xi32>, vector<16xi32>, vector<16xi32>], vector<16xf32>,
      %gather3A_1308 = tpu.vector_load_idx %arg10[%add3A_1254, %add3A_1306, %gather3A_1280] : memref<8x32x128xf32, #tpu.memory_space<vmem>>[vector<16xi32>, vector<16xi32>, vector<16xi32>], vector<16xf32>,
      %mul3A_1309 = arith.mulf %gather3A_1307, %gather3A_1308 : vector<16xf32>
      %add3A_1310 = arith.addf %add3A_1303, %mul3A_1309 : vector<16xf32>
      %add3A_1311 = arith.constant 16 : i32
      %add3A_1312 = vector.broadcast %add3A_1311 : i32 to vector<16xi32>
      %add3A_1313 = arith.addi %add3A_1312, %shift_right_arithmetic3A_6 : vector<16xi32>
      %gather3A_1314 = tpu.vector_load_idx %arg9[%add3A_1254, %add3A_1313, %gather3A_1267] : memref<8x32x128xf32, #tpu.memory_space<vmem>>[vector<16xi32>, vector<16xi32>, vector<16xi32>], vector<16xf32>,
      %gather3A_1315 = tpu.vector_load_idx %arg10[%add3A_1254, %add3A_1313, %gather3A_1280] : memref<8x32x128xf32, #tpu.memory_space<vmem>>[vector<16xi32>, vector<16xi32>, vector<16xi32>], vector<16xf32>,
      %mul3A_1316 = arith.mulf %gather3A_1314, %gather3A_1315 : vector<16xf32>
      %add3A_1317 = arith.addf %add3A_1310, %mul3A_1316 : vector<16xf32>
      %add3A_1318 = arith.constant 20 : i32
      %add3A_1319 = vector.broadcast %add3A_1318 : i32 to vector<16xi32>
      %add3A_1320 = arith.addi %add3A_1319, %shift_right_arithmetic3A_6 : vector<16xi32>
      %gather3A_1321 = tpu.vector_load_idx %arg9[%add3A_1254, %add3A_1320, %gather3A_1267] : memref<8x32x128xf32, #tpu.memory_space<vmem>>[vector<16xi32>, vector<16xi32>, vector<16xi32>], vector<16xf32>,
      %gather3A_1322 = tpu.vector_load_idx %arg10[%add3A_1254, %add3A_1320, %gather3A_1280] : memref<8x32x128xf32, #tpu.memory_space<vmem>>[vector<16xi32>, vector<16xi32>, vector<16xi32>], vector<16xf32>,
      %mul3A_1323 = arith.mulf %gather3A_1321, %gather3A_1322 : vector<16xf32>
      %add3A_1324 = arith.addf %add3A_1317, %mul3A_1323 : vector<16xf32>
      %add3A_1325 = arith.constant 24 : i32
      %add3A_1326 = vector.broadcast %add3A_1325 : i32 to vector<16xi32>
      %add3A_1327 = arith.addi %add3A_1326, %shift_right_arithmetic3A_6 : vector<16xi32>
      %gather3A_1328 = tpu.vector_load_idx %arg9[%add3A_1254, %add3A_1327, %gather3A_1267] : memref<8x32x128xf32, #tpu.memory_space<vmem>>[vector<16xi32>, vector<16xi32>, vector<16xi32>], vector<16xf32>,
      %gather3A_1329 = tpu.vector_load_idx %arg10[%add3A_1254, %add3A_1327, %gather3A_1280] : memref<8x32x128xf32, #tpu.memory_space<vmem>>[vector<16xi32>, vector<16xi32>, vector<16xi32>], vector<16xf32>,
      %mul3A_1330 = arith.mulf %gather3A_1328, %gather3A_1329 : vector<16xf32>
      %add3A_1331 = arith.addf %add3A_1324, %mul3A_1330 : vector<16xf32>
      %add3A_1332 = arith.constant 28 : i32
      %add3A_1333 = vector.broadcast %add3A_1332 : i32 to vector<16xi32>
      %add3A_1334 = arith.addi %add3A_1333, %shift_right_arithmetic3A_6 : vector<16xi32>
      %gather3A_1335 = tpu.vector_load_idx %arg9[%add3A_1254, %add3A_1334, %gather3A_1267] : memref<8x32x128xf32, #tpu.memory_space<vmem>>[vector<16xi32>, vector<16xi32>, vector<16xi32>], vector<16xf32>,
      %gather3A_1336 = tpu.vector_load_idx %arg10[%add3A_1254, %add3A_1334, %gather3A_1280] : memref<8x32x128xf32, #tpu.memory_space<vmem>>[vector<16xi32>, vector<16xi32>, vector<16xi32>], vector<16xf32>,
      %mul3A_1337 = arith.mulf %gather3A_1335, %gather3A_1336 : vector<16xf32>
      %add3A_1338 = arith.addf %add3A_1331, %mul3A_1337 : vector<16xf32>
      %add3A_1339 = arith.constant 8 : i32
      %add3A_1340 = vector.broadcast %add3A_1339 : i32 to vector<16xi32>
      %add3A_1341 = arith.addi %iota3A, %add3A_1340 : vector<16xi32>
      %and3A_1342 = arith.constant 15 : i32
      %and3A_1343 = vector.broadcast %and3A_1342 : i32 to vector<16xi32>
      %and3A_1344 = arith.andi %add3A_1341, %and3A_1343 : vector<16xi32>
      %lt3A_1345 = arith.constant 0 : i32
      %lt3A_1346 = vector.broadcast %lt3A_1345 : i32 to vector<16xi32>
      %lt3A_1347 = arith.cmpi slt, %and3A_1344, %lt3A_1346 : vector<16xi32>
      %add3A_1348 = arith.constant 16 : i32
      %add3A_1349 = vector.broadcast %add3A_1348 : i32 to vector<16xi32>
      %add3A_1350 = arith.addi %and3A_1344, %add3A_1349 : vector<16xi32>
      %select_n3A_1351 = arith.select %lt3A_1347, %add3A_1350, %and3A_1344 : vector<16xi1>, vector<16xi32>
      %broadcast_in_dim3A_1352 = vector.shape_cast %select_n3A_1351 : vector<16xi32> to vector<16x1xi32>
      %gather3A_1353 = vector.shape_cast %broadcast_in_dim3A_1352 : vector<16x1xi32> to vector<16xi32>
      %gather3A_1354 = tpu.dynamic_gather %add3A_1338[%gather3A_1353] in [0] : vector<16xf32>, vector<16xi32> -> vector<16xf32>
      %add3A_1355 = arith.addf %add3A_1338, %gather3A_1354 : vector<16xf32>
      %add3A_1356 = arith.constant 4 : i32
      %add3A_1357 = vector.broadcast %add3A_1356 : i32 to vector<16xi32>
      %add3A_1358 = arith.addi %iota3A, %add3A_1357 : vector<16xi32>
      %and3A_1359 = arith.constant 15 : i32
      %and3A_1360 = vector.broadcast %and3A_1359 : i32 to vector<16xi32>
      %and3A_1361 = arith.andi %add3A_1358, %and3A_1360 : vector<16xi32>
      %lt3A_1362 = arith.constant 0 : i32
      %lt3A_1363 = vector.broadcast %lt3A_1362 : i32 to vector<16xi32>
      %lt3A_1364 = arith.cmpi slt, %and3A_1361, %lt3A_1363 : vector<16xi32>
      %add3A_1365 = arith.constant 16 : i32
      %add3A_1366 = vector.broadcast %add3A_1365 : i32 to vector<16xi32>
      %add3A_1367 = arith.addi %and3A_1361, %add3A_1366 : vector<16xi32>
      %select_n3A_1368 = arith.select %lt3A_1364, %add3A_1367, %and3A_1361 : vector<16xi1>, vector<16xi32>
      %broadcast_in_dim3A_1369 = vector.shape_cast %select_n3A_1368 : vector<16xi32> to vector<16x1xi32>
      %gather3A_1370 = vector.shape_cast %broadcast_in_dim3A_1369 : vector<16x1xi32> to vector<16xi32>
      %gather3A_1371 = tpu.dynamic_gather %add3A_1355[%gather3A_1370] in [0] : vector<16xf32>, vector<16xi32> -> vector<16xf32>
      %add3A_1372 = arith.addf %add3A_1355, %gather3A_1371 : vector<16xf32>
      %sub3A_1373 = arith.constant 8 : i32
      %sub3A_1374 = vector.broadcast %sub3A_1373 : i32 to vector<16xi32>
      %sub3A_1375 = arith.subi %iota3A, %sub3A_1374 : vector<16xi32>
      %and3A_1376 = arith.constant 15 : i32
      %and3A_1377 = vector.broadcast %and3A_1376 : i32 to vector<16xi32>
      %and3A_1378 = arith.andi %sub3A_1375, %and3A_1377 : vector<16xi32>
      %lt3A_1379 = arith.constant 0 : i32
      %lt3A_1380 = vector.broadcast %lt3A_1379 : i32 to vector<16xi32>
      %lt3A_1381 = arith.cmpi slt, %and3A_1378, %lt3A_1380 : vector<16xi32>
      %add3A_1382 = arith.constant 16 : i32
      %add3A_1383 = vector.broadcast %add3A_1382 : i32 to vector<16xi32>
      %add3A_1384 = arith.addi %and3A_1378, %add3A_1383 : vector<16xi32>
      %select_n3A_1385 = arith.select %lt3A_1381, %add3A_1384, %and3A_1378 : vector<16xi1>, vector<16xi32>
      %broadcast_in_dim3A_1386 = vector.shape_cast %select_n3A_1385 : vector<16xi32> to vector<16x1xi32>
      %gather3A_1387 = vector.shape_cast %broadcast_in_dim3A_1386 : vector<16x1xi32> to vector<16xi32>
      %gather3A_1388 = tpu.dynamic_gather %add3A_1372[%gather3A_1387] in [0] : vector<16xf32>, vector<16xi32> -> vector<16xf32>
      %ge3A_1389 = arith.constant 8 : i32
      %ge3A_1390 = vector.broadcast %ge3A_1389 : i32 to vector<16xi32>
      %ge3A_1391 = arith.cmpi sge, %iota3A, %ge3A_1390 : vector<16xi32>
      %lt3A_1392 = arith.constant 12 : i32
      %lt3A_1393 = vector.broadcast %lt3A_1392 : i32 to vector<16xi32>
      %lt3A_1394 = arith.cmpi slt, %iota3A, %lt3A_1393 : vector<16xi32>
      %and3A_1395 = arith.andi %ge3A_1391, %lt3A_1394 : vector<16xi1>
      %select_n3A_1396 = arith.select %and3A_1395, %gather3A_1388, %select_n3A_987 : vector<16xi1>, vector<16xf32>
      %lt3A_1397 = arith.constant 31 : i32
      %lt3A_1398 = arith.cmpi slt, %scan3A_155, %lt3A_1397 : i32
      %convert_element_type3A = arith.extui %lt3A_1398 : i1 to i32
      %cond3A = arith.constant 0 : i32
      %cond3A_1399 = arith.cmpi ne, %convert_element_type3A, %cond3A : i32
      scf.if %cond3A_1399 {
        %slice3A_1668 = vector.extract_strided_slice %get3A_170 {offsets = [0], sizes = [1], strides = [1]} : vector<16xi32> to vector<1xi32>
        %squeeze3A_1669 = vector.extract %slice3A_1668[0] : i32 from vector<1xi32>
        %and3A_1670 = arith.constant -128 : i32
        %and3A_1671 = arith.andi %squeeze3A_1669, %and3A_1670 : i32
        %multiple_of3A_1672 = tpu.assume_multiple %and3A_1671, 128 : i32
        %dma_start3A_1673 = arith.constant 0 : i32
        %dma_start3A_1674 = arith.constant 0 : i32
        %dma_start3A_1675 = arith.constant 0 : i32
        %dma_start3A_1676 = tpu.memref_slice %arg9[%dma_start3A_1673, %dma_start3A_1674, %dma_start3A_1675] : memref<8x32x128xf32, #tpu.memory_space<vmem>> -> memref<1x32x128xf32, #tpu.memory_space<vmem>>
        %dma_start3A_1677 = tpu.memref_squeeze %dma_start3A_1676 : memref<1x32x128xf32, #tpu.memory_space<vmem>> -> memref<32x128xf32, #tpu.memory_space<vmem>>
        %dma_start3A_1678 = arith.constant 0 : i32
        %dma_start3A_1679 = tpu.memref_slice %arg2[%dma_start3A_1678, %multiple_of3A_1672] : memref<32x1000000xf32, #tpu.memory_space<hbm>> -> memref<32x128xf32, #tpu.memory_space<hbm>>
        %dma_start3A_1680 = arith.constant 0 : i32
        %dma_start3A_1681 = arith.constant 0 : i32
        %dma_start3A_1682 = tpu.memref_slice %arg9[%dma_start3A_1673, %dma_start3A_1680, %dma_start3A_1681] : memref<8x32x128xf32, #tpu.memory_space<vmem>> -> memref<1x32x128xf32, #tpu.memory_space<vmem>>
        %dma_start3A_1683 = tpu.memref_squeeze %dma_start3A_1682 : memref<1x32x128xf32, #tpu.memory_space<vmem>> -> memref<32x128xf32, #tpu.memory_space<vmem>>
        %dma_start3A_1684 = arith.constant 0 : i32
        %dma_start3A_1685 = tpu.memref_slice %arg2[%dma_start3A_1684, %multiple_of3A_1672] : memref<32x1000000xf32, #tpu.memory_space<hbm>> -> memref<32x128xf32, #tpu.memory_space<hbm>>
        tpu.enqueue_dma source(%dma_start3A_1685 : memref<32x128xf32, #tpu.memory_space<hbm>>) target(%dma_start3A_1683 : memref<32x128xf32, #tpu.memory_space<vmem>>) target_semaphore(%arg12 : memref<!tpu.dma_semaphore, #tpu.memory_space<semaphore_mem>>)
        %slice3A_1686 = vector.extract_strided_slice %get3A_174 {offsets = [0], sizes = [1], strides = [1]} : vector<16xi32> to vector<1xi32>
        %squeeze3A_1687 = vector.extract %slice3A_1686[0] : i32 from vector<1xi32>
        %and3A_1688 = arith.constant -128 : i32
        %and3A_1689 = arith.andi %squeeze3A_1687, %and3A_1688 : i32
        %multiple_of3A_1690 = tpu.assume_multiple %and3A_1689, 128 : i32
        %dma_start3A_1691 = arith.constant 0 : i32
        %dma_start3A_1692 = arith.constant 0 : i32
        %dma_start3A_1693 = arith.constant 0 : i32
        %dma_start3A_1694 = tpu.memref_slice %arg10[%dma_start3A_1691, %dma_start3A_1692, %dma_start3A_1693] : memref<8x32x128xf32, #tpu.memory_space<vmem>> -> memref<1x32x128xf32, #tpu.memory_space<vmem>>
        %dma_start3A_1695 = tpu.memref_squeeze %dma_start3A_1694 : memref<1x32x128xf32, #tpu.memory_space<vmem>> -> memref<32x128xf32, #tpu.memory_space<vmem>>
        %dma_start3A_1696 = arith.constant 0 : i32
        %dma_start3A_1697 = tpu.memref_slice %arg3[%dma_start3A_1696, %multiple_of3A_1690] : memref<32x1000000xf32, #tpu.memory_space<hbm>> -> memref<32x128xf32, #tpu.memory_space<hbm>>
        %dma_start3A_1698 = arith.constant 0 : i32
        %dma_start3A_1699 = arith.constant 0 : i32
        %dma_start3A_1700 = tpu.memref_slice %arg10[%dma_start3A_1691, %dma_start3A_1698, %dma_start3A_1699] : memref<8x32x128xf32, #tpu.memory_space<vmem>> -> memref<1x32x128xf32, #tpu.memory_space<vmem>>
        %dma_start3A_1701 = tpu.memref_squeeze %dma_start3A_1700 : memref<1x32x128xf32, #tpu.memory_space<vmem>> -> memref<32x128xf32, #tpu.memory_space<vmem>>
        %dma_start3A_1702 = arith.constant 0 : i32
        %dma_start3A_1703 = tpu.memref_slice %arg3[%dma_start3A_1702, %multiple_of3A_1690] : memref<32x1000000xf32, #tpu.memory_space<hbm>> -> memref<32x128xf32, #tpu.memory_space<hbm>>
        tpu.enqueue_dma source(%dma_start3A_1703 : memref<32x128xf32, #tpu.memory_space<hbm>>) target(%dma_start3A_1701 : memref<32x128xf32, #tpu.memory_space<vmem>>) target_semaphore(%arg12 : memref<!tpu.dma_semaphore, #tpu.memory_space<semaphore_mem>>)
        %slice3A_1704 = vector.extract_strided_slice %get3A_170 {offsets = [1], sizes = [1], strides = [1]} : vector<16xi32> to vector<1xi32>
        %squeeze3A_1705 = vector.extract %slice3A_1704[0] : i32 from vector<1xi32>
        %and3A_1706 = arith.constant -128 : i32
        %and3A_1707 = arith.andi %squeeze3A_1705, %and3A_1706 : i32
        %multiple_of3A_1708 = tpu.assume_multiple %and3A_1707, 128 : i32
        %dma_start3A_1709 = arith.constant 1 : i32
        %dma_start3A_1710 = arith.constant 0 : i32
        %dma_start3A_1711 = arith.constant 0 : i32
        %dma_start3A_1712 = tpu.memref_slice %arg9[%dma_start3A_1709, %dma_start3A_1710, %dma_start3A_1711] : memref<8x32x128xf32, #tpu.memory_space<vmem>> -> memref<1x32x128xf32, #tpu.memory_space<vmem>>
        %dma_start3A_1713 = tpu.memref_squeeze %dma_start3A_1712 : memref<1x32x128xf32, #tpu.memory_space<vmem>> -> memref<32x128xf32, #tpu.memory_space<vmem>>
        %dma_start3A_1714 = arith.constant 0 : i32
        %dma_start3A_1715 = tpu.memref_slice %arg2[%dma_start3A_1714, %multiple_of3A_1708] : memref<32x1000000xf32, #tpu.memory_space<hbm>> -> memref<32x128xf32, #tpu.memory_space<hbm>>
        %dma_start3A_1716 = arith.constant 0 : i32
        %dma_start3A_1717 = arith.constant 0 : i32
        %dma_start3A_1718 = tpu.memref_slice %arg9[%dma_start3A_1709, %dma_start3A_1716, %dma_start3A_1717] : memref<8x32x128xf32, #tpu.memory_space<vmem>> -> memref<1x32x128xf32, #tpu.memory_space<vmem>>
        %dma_start3A_1719 = tpu.memref_squeeze %dma_start3A_1718 : memref<1x32x128xf32, #tpu.memory_space<vmem>> -> memref<32x128xf32, #tpu.memory_space<vmem>>
        %dma_start3A_1720 = arith.constant 0 : i32
        %dma_start3A_1721 = tpu.memref_slice %arg2[%dma_start3A_1720, %multiple_of3A_1708] : memref<32x1000000xf32, #tpu.memory_space<hbm>> -> memref<32x128xf32, #tpu.memory_space<hbm>>
        tpu.enqueue_dma source(%dma_start3A_1721 : memref<32x128xf32, #tpu.memory_space<hbm>>) target(%dma_start3A_1719 : memref<32x128xf32, #tpu.memory_space<vmem>>) target_semaphore(%arg12 : memref<!tpu.dma_semaphore, #tpu.memory_space<semaphore_mem>>)
        %slice3A_1722 = vector.extract_strided_slice %get3A_174 {offsets = [1], sizes = [1], strides = [1]} : vector<16xi32> to vector<1xi32>
        %squeeze3A_1723 = vector.extract %slice3A_1722[0] : i32 from vector<1xi32>
        %and3A_1724 = arith.constant -128 : i32
        %and3A_1725 = arith.andi %squeeze3A_1723, %and3A_1724 : i32
        %multiple_of3A_1726 = tpu.assume_multiple %and3A_1725, 128 : i32
        %dma_start3A_1727 = arith.constant 1 : i32
        %dma_start3A_1728 = arith.constant 0 : i32
        %dma_start3A_1729 = arith.constant 0 : i32
        %dma_start3A_1730 = tpu.memref_slice %arg10[%dma_start3A_1727, %dma_start3A_1728, %dma_start3A_1729] : memref<8x32x128xf32, #tpu.memory_space<vmem>> -> memref<1x32x128xf32, #tpu.memory_space<vmem>>
        %dma_start3A_1731 = tpu.memref_squeeze %dma_start3A_1730 : memref<1x32x128xf32, #tpu.memory_space<vmem>> -> memref<32x128xf32, #tpu.memory_space<vmem>>
        %dma_start3A_1732 = arith.constant 0 : i32
        %dma_start3A_1733 = tpu.memref_slice %arg3[%dma_start3A_1732, %multiple_of3A_1726] : memref<32x1000000xf32, #tpu.memory_space<hbm>> -> memref<32x128xf32, #tpu.memory_space<hbm>>
        %dma_start3A_1734 = arith.constant 0 : i32
        %dma_start3A_1735 = arith.constant 0 : i32
        %dma_start3A_1736 = tpu.memref_slice %arg10[%dma_start3A_1727, %dma_start3A_1734, %dma_start3A_1735] : memref<8x32x128xf32, #tpu.memory_space<vmem>> -> memref<1x32x128xf32, #tpu.memory_space<vmem>>
        %dma_start3A_1737 = tpu.memref_squeeze %dma_start3A_1736 : memref<1x32x128xf32, #tpu.memory_space<vmem>> -> memref<32x128xf32, #tpu.memory_space<vmem>>
        %dma_start3A_1738 = arith.constant 0 : i32
        %dma_start3A_1739 = tpu.memref_slice %arg3[%dma_start3A_1738, %multiple_of3A_1726] : memref<32x1000000xf32, #tpu.memory_space<hbm>> -> memref<32x128xf32, #tpu.memory_space<hbm>>
        tpu.enqueue_dma source(%dma_start3A_1739 : memref<32x128xf32, #tpu.memory_space<hbm>>) target(%dma_start3A_1737 : memref<32x128xf32, #tpu.memory_space<vmem>>) target_semaphore(%arg12 : memref<!tpu.dma_semaphore, #tpu.memory_space<semaphore_mem>>)
        %slice3A_1740 = vector.extract_strided_slice %get3A_170 {offsets = [2], sizes = [1], strides = [1]} : vector<16xi32> to vector<1xi32>
        %squeeze3A_1741 = vector.extract %slice3A_1740[0] : i32 from vector<1xi32>
        %and3A_1742 = arith.constant -128 : i32
        %and3A_1743 = arith.andi %squeeze3A_1741, %and3A_1742 : i32
        %multiple_of3A_1744 = tpu.assume_multiple %and3A_1743, 128 : i32
        %dma_start3A_1745 = arith.constant 2 : i32
        %dma_start3A_1746 = arith.constant 0 : i32
        %dma_start3A_1747 = arith.constant 0 : i32
        %dma_start3A_1748 = tpu.memref_slice %arg9[%dma_start3A_1745, %dma_start3A_1746, %dma_start3A_1747] : memref<8x32x128xf32, #tpu.memory_space<vmem>> -> memref<1x32x128xf32, #tpu.memory_space<vmem>>
        %dma_start3A_1749 = tpu.memref_squeeze %dma_start3A_1748 : memref<1x32x128xf32, #tpu.memory_space<vmem>> -> memref<32x128xf32, #tpu.memory_space<vmem>>
        %dma_start3A_1750 = arith.constant 0 : i32
        %dma_start3A_1751 = tpu.memref_slice %arg2[%dma_start3A_1750, %multiple_of3A_1744] : memref<32x1000000xf32, #tpu.memory_space<hbm>> -> memref<32x128xf32, #tpu.memory_space<hbm>>
        %dma_start3A_1752 = arith.constant 0 : i32
        %dma_start3A_1753 = arith.constant 0 : i32
        %dma_start3A_1754 = tpu.memref_slice %arg9[%dma_start3A_1745, %dma_start3A_1752, %dma_start3A_1753] : memref<8x32x128xf32, #tpu.memory_space<vmem>> -> memref<1x32x128xf32, #tpu.memory_space<vmem>>
        %dma_start3A_1755 = tpu.memref_squeeze %dma_start3A_1754 : memref<1x32x128xf32, #tpu.memory_space<vmem>> -> memref<32x128xf32, #tpu.memory_space<vmem>>
        %dma_start3A_1756 = arith.constant 0 : i32
        %dma_start3A_1757 = tpu.memref_slice %arg2[%dma_start3A_1756, %multiple_of3A_1744] : memref<32x1000000xf32, #tpu.memory_space<hbm>> -> memref<32x128xf32, #tpu.memory_space<hbm>>
        tpu.enqueue_dma source(%dma_start3A_1757 : memref<32x128xf32, #tpu.memory_space<hbm>>) target(%dma_start3A_1755 : memref<32x128xf32, #tpu.memory_space<vmem>>) target_semaphore(%arg12 : memref<!tpu.dma_semaphore, #tpu.memory_space<semaphore_mem>>)
        %slice3A_1758 = vector.extract_strided_slice %get3A_174 {offsets = [2], sizes = [1], strides = [1]} : vector<16xi32> to vector<1xi32>
        %squeeze3A_1759 = vector.extract %slice3A_1758[0] : i32 from vector<1xi32>
        %and3A_1760 = arith.constant -128 : i32
        %and3A_1761 = arith.andi %squeeze3A_1759, %and3A_1760 : i32
        %multiple_of3A_1762 = tpu.assume_multiple %and3A_1761, 128 : i32
        %dma_start3A_1763 = arith.constant 2 : i32
        %dma_start3A_1764 = arith.constant 0 : i32
        %dma_start3A_1765 = arith.constant 0 : i32
        %dma_start3A_1766 = tpu.memref_slice %arg10[%dma_start3A_1763, %dma_start3A_1764, %dma_start3A_1765] : memref<8x32x128xf32, #tpu.memory_space<vmem>> -> memref<1x32x128xf32, #tpu.memory_space<vmem>>
        %dma_start3A_1767 = tpu.memref_squeeze %dma_start3A_1766 : memref<1x32x128xf32, #tpu.memory_space<vmem>> -> memref<32x128xf32, #tpu.memory_space<vmem>>
        %dma_start3A_1768 = arith.constant 0 : i32
        %dma_start3A_1769 = tpu.memref_slice %arg3[%dma_start3A_1768, %multiple_of3A_1762] : memref<32x1000000xf32, #tpu.memory_space<hbm>> -> memref<32x128xf32, #tpu.memory_space<hbm>>
        %dma_start3A_1770 = arith.constant 0 : i32
        %dma_start3A_1771 = arith.constant 0 : i32
        %dma_start3A_1772 = tpu.memref_slice %arg10[%dma_start3A_1763, %dma_start3A_1770, %dma_start3A_1771] : memref<8x32x128xf32, #tpu.memory_space<vmem>> -> memref<1x32x128xf32, #tpu.memory_space<vmem>>
        %dma_start3A_1773 = tpu.memref_squeeze %dma_start3A_1772 : memref<1x32x128xf32, #tpu.memory_space<vmem>> -> memref<32x128xf32, #tpu.memory_space<vmem>>
        %dma_start3A_1774 = arith.constant 0 : i32
        %dma_start3A_1775 = tpu.memref_slice %arg3[%dma_start3A_1774, %multiple_of3A_1762] : memref<32x1000000xf32, #tpu.memory_space<hbm>> -> memref<32x128xf32, #tpu.memory_space<hbm>>
        tpu.enqueue_dma source(%dma_start3A_1775 : memref<32x128xf32, #tpu.memory_space<hbm>>) target(%dma_start3A_1773 : memref<32x128xf32, #tpu.memory_space<vmem>>) target_semaphore(%arg12 : memref<!tpu.dma_semaphore, #tpu.memory_space<semaphore_mem>>)
        %slice3A_1776 = vector.extract_strided_slice %get3A_170 {offsets = [3], sizes = [1], strides = [1]} : vector<16xi32> to vector<1xi32>
        %squeeze3A_1777 = vector.extract %slice3A_1776[0] : i32 from vector<1xi32>
        %and3A_1778 = arith.constant -128 : i32
        %and3A_1779 = arith.andi %squeeze3A_1777, %and3A_1778 : i32
        %multiple_of3A_1780 = tpu.assume_multiple %and3A_1779, 128 : i32
        %dma_start3A_1781 = arith.constant 3 : i32
        %dma_start3A_1782 = arith.constant 0 : i32
        %dma_start3A_1783 = arith.constant 0 : i32
        %dma_start3A_1784 = tpu.memref_slice %arg9[%dma_start3A_1781, %dma_start3A_1782, %dma_start3A_1783] : memref<8x32x128xf32, #tpu.memory_space<vmem>> -> memref<1x32x128xf32, #tpu.memory_space<vmem>>
        %dma_start3A_1785 = tpu.memref_squeeze %dma_start3A_1784 : memref<1x32x128xf32, #tpu.memory_space<vmem>> -> memref<32x128xf32, #tpu.memory_space<vmem>>
        %dma_start3A_1786 = arith.constant 0 : i32
        %dma_start3A_1787 = tpu.memref_slice %arg2[%dma_start3A_1786, %multiple_of3A_1780] : memref<32x1000000xf32, #tpu.memory_space<hbm>> -> memref<32x128xf32, #tpu.memory_space<hbm>>
        %dma_start3A_1788 = arith.constant 0 : i32
        %dma_start3A_1789 = arith.constant 0 : i32
        %dma_start3A_1790 = tpu.memref_slice %arg9[%dma_start3A_1781, %dma_start3A_1788, %dma_start3A_1789] : memref<8x32x128xf32, #tpu.memory_space<vmem>> -> memref<1x32x128xf32, #tpu.memory_space<vmem>>
        %dma_start3A_1791 = tpu.memref_squeeze %dma_start3A_1790 : memref<1x32x128xf32, #tpu.memory_space<vmem>> -> memref<32x128xf32, #tpu.memory_space<vmem>>
        %dma_start3A_1792 = arith.constant 0 : i32
        %dma_start3A_1793 = tpu.memref_slice %arg2[%dma_start3A_1792, %multiple_of3A_1780] : memref<32x1000000xf32, #tpu.memory_space<hbm>> -> memref<32x128xf32, #tpu.memory_space<hbm>>
        tpu.enqueue_dma source(%dma_start3A_1793 : memref<32x128xf32, #tpu.memory_space<hbm>>) target(%dma_start3A_1791 : memref<32x128xf32, #tpu.memory_space<vmem>>) target_semaphore(%arg12 : memref<!tpu.dma_semaphore, #tpu.memory_space<semaphore_mem>>)
        %slice3A_1794 = vector.extract_strided_slice %get3A_174 {offsets = [3], sizes = [1], strides = [1]} : vector<16xi32> to vector<1xi32>
        %squeeze3A_1795 = vector.extract %slice3A_1794[0] : i32 from vector<1xi32>
        %and3A_1796 = arith.constant -128 : i32
        %and3A_1797 = arith.andi %squeeze3A_1795, %and3A_1796 : i32
        %multiple_of3A_1798 = tpu.assume_multiple %and3A_1797, 128 : i32
        %dma_start3A_1799 = arith.constant 3 : i32
        %dma_start3A_1800 = arith.constant 0 : i32
        %dma_start3A_1801 = arith.constant 0 : i32
        %dma_start3A_1802 = tpu.memref_slice %arg10[%dma_start3A_1799, %dma_start3A_1800, %dma_start3A_1801] : memref<8x32x128xf32, #tpu.memory_space<vmem>> -> memref<1x32x128xf32, #tpu.memory_space<vmem>>
        %dma_start3A_1803 = tpu.memref_squeeze %dma_start3A_1802 : memref<1x32x128xf32, #tpu.memory_space<vmem>> -> memref<32x128xf32, #tpu.memory_space<vmem>>
        %dma_start3A_1804 = arith.constant 0 : i32
        %dma_start3A_1805 = tpu.memref_slice %arg3[%dma_start3A_1804, %multiple_of3A_1798] : memref<32x1000000xf32, #tpu.memory_space<hbm>> -> memref<32x128xf32, #tpu.memory_space<hbm>>
        %dma_start3A_1806 = arith.constant 0 : i32
        %dma_start3A_1807 = arith.constant 0 : i32
        %dma_start3A_1808 = tpu.memref_slice %arg10[%dma_start3A_1799, %dma_start3A_1806, %dma_start3A_1807] : memref<8x32x128xf32, #tpu.memory_space<vmem>> -> memref<1x32x128xf32, #tpu.memory_space<vmem>>
        %dma_start3A_1809 = tpu.memref_squeeze %dma_start3A_1808 : memref<1x32x128xf32, #tpu.memory_space<vmem>> -> memref<32x128xf32, #tpu.memory_space<vmem>>
        %dma_start3A_1810 = arith.constant 0 : i32
        %dma_start3A_1811 = tpu.memref_slice %arg3[%dma_start3A_1810, %multiple_of3A_1798] : memref<32x1000000xf32, #tpu.memory_space<hbm>> -> memref<32x128xf32, #tpu.memory_space<hbm>>
        tpu.enqueue_dma source(%dma_start3A_1811 : memref<32x128xf32, #tpu.memory_space<hbm>>) target(%dma_start3A_1809 : memref<32x128xf32, #tpu.memory_space<vmem>>) target_semaphore(%arg12 : memref<!tpu.dma_semaphore, #tpu.memory_space<semaphore_mem>>)
      } else {
      }
      %dma_wait3A_1400 = arith.constant 4 : i32
      %dma_wait3A_1401 = arith.constant 0 : i32
      %dma_wait3A_1402 = arith.constant 0 : i32
      %dma_wait3A_1403 = tpu.memref_slice %arg9[%dma_wait3A_1400, %dma_wait3A_1401, %dma_wait3A_1402] : memref<8x32x128xf32, #tpu.memory_space<vmem>> -> memref<1x32x128xf32, #tpu.memory_space<vmem>>
      %dma_wait3A_1404 = tpu.memref_squeeze %dma_wait3A_1403 : memref<1x32x128xf32, #tpu.memory_space<vmem>> -> memref<32x128xf32, #tpu.memory_space<vmem>>
      %dma_wait3A_1405 = arith.constant 0 : i32
      %dma_wait3A_1406 = arith.constant 0 : i32
      %dma_wait3A_1407 = tpu.memref_slice %arg2[%dma_wait3A_1405, %dma_wait3A_1406] : memref<32x1000000xf32, #tpu.memory_space<hbm>> -> memref<32x128xf32, #tpu.memory_space<hbm>>
      %dma_wait3A_1408 = arith.constant 0 : i32
      %dma_wait3A_1409 = arith.constant 0 : i32
      %dma_wait3A_1410 = tpu.memref_slice %arg9[%dma_wait3A_1400, %dma_wait3A_1408, %dma_wait3A_1409] : memref<8x32x128xf32, #tpu.memory_space<vmem>> -> memref<1x32x128xf32, #tpu.memory_space<vmem>>
      %dma_wait3A_1411 = tpu.memref_squeeze %dma_wait3A_1410 : memref<1x32x128xf32, #tpu.memory_space<vmem>> -> memref<32x128xf32, #tpu.memory_space<vmem>>
      %dma_wait3A_1412 = arith.constant 0 : i32
      %dma_wait3A_1413 = arith.constant 0 : i32
      %dma_wait3A_1414 = tpu.memref_slice %arg2[%dma_wait3A_1412, %dma_wait3A_1413] : memref<32x1000000xf32, #tpu.memory_space<hbm>> -> memref<32x128xf32, #tpu.memory_space<hbm>>
      tpu.wait_dma2 semaphore(%arg12 : memref<!tpu.dma_semaphore, #tpu.memory_space<semaphore_mem>>) src(%dma_wait3A_1414 : memref<32x128xf32, #tpu.memory_space<hbm>>) dst(%dma_wait3A_1411 : memref<32x128xf32, #tpu.memory_space<vmem>>)
      %dma_wait3A_1415 = arith.constant 4 : i32
      %dma_wait3A_1416 = arith.constant 0 : i32
      %dma_wait3A_1417 = arith.constant 0 : i32
      %dma_wait3A_1418 = tpu.memref_slice %arg10[%dma_wait3A_1415, %dma_wait3A_1416, %dma_wait3A_1417] : memref<8x32x128xf32, #tpu.memory_space<vmem>> -> memref<1x32x128xf32, #tpu.memory_space<vmem>>
      %dma_wait3A_1419 = tpu.memref_squeeze %dma_wait3A_1418 : memref<1x32x128xf32, #tpu.memory_space<vmem>> -> memref<32x128xf32, #tpu.memory_space<vmem>>
      %dma_wait3A_1420 = arith.constant 0 : i32
      %dma_wait3A_1421 = arith.constant 0 : i32
      %dma_wait3A_1422 = tpu.memref_slice %arg3[%dma_wait3A_1420, %dma_wait3A_1421] : memref<32x1000000xf32, #tpu.memory_space<hbm>> -> memref<32x128xf32, #tpu.memory_space<hbm>>
      %dma_wait3A_1423 = arith.constant 0 : i32
      %dma_wait3A_1424 = arith.constant 0 : i32
      %dma_wait3A_1425 = tpu.memref_slice %arg10[%dma_wait3A_1415, %dma_wait3A_1423, %dma_wait3A_1424] : memref<8x32x128xf32, #tpu.memory_space<vmem>> -> memref<1x32x128xf32, #tpu.memory_space<vmem>>
      %dma_wait3A_1426 = tpu.memref_squeeze %dma_wait3A_1425 : memref<1x32x128xf32, #tpu.memory_space<vmem>> -> memref<32x128xf32, #tpu.memory_space<vmem>>
      %dma_wait3A_1427 = arith.constant 0 : i32
      %dma_wait3A_1428 = arith.constant 0 : i32
      %dma_wait3A_1429 = tpu.memref_slice %arg3[%dma_wait3A_1427, %dma_wait3A_1428] : memref<32x1000000xf32, #tpu.memory_space<hbm>> -> memref<32x128xf32, #tpu.memory_space<hbm>>
      tpu.wait_dma2 semaphore(%arg12 : memref<!tpu.dma_semaphore, #tpu.memory_space<semaphore_mem>>) src(%dma_wait3A_1429 : memref<32x128xf32, #tpu.memory_space<hbm>>) dst(%dma_wait3A_1426 : memref<32x128xf32, #tpu.memory_space<vmem>>)
      %dma_wait3A_1430 = arith.constant 5 : i32
      %dma_wait3A_1431 = arith.constant 0 : i32
      %dma_wait3A_1432 = arith.constant 0 : i32
      %dma_wait3A_1433 = tpu.memref_slice %arg9[%dma_wait3A_1430, %dma_wait3A_1431, %dma_wait3A_1432] : memref<8x32x128xf32, #tpu.memory_space<vmem>> -> memref<1x32x128xf32, #tpu.memory_space<vmem>>
      %dma_wait3A_1434 = tpu.memref_squeeze %dma_wait3A_1433 : memref<1x32x128xf32, #tpu.memory_space<vmem>> -> memref<32x128xf32, #tpu.memory_space<vmem>>
      %dma_wait3A_1435 = arith.constant 0 : i32
      %dma_wait3A_1436 = arith.constant 0 : i32
      %dma_wait3A_1437 = tpu.memref_slice %arg2[%dma_wait3A_1435, %dma_wait3A_1436] : memref<32x1000000xf32, #tpu.memory_space<hbm>> -> memref<32x128xf32, #tpu.memory_space<hbm>>
      %dma_wait3A_1438 = arith.constant 0 : i32
      %dma_wait3A_1439 = arith.constant 0 : i32
      %dma_wait3A_1440 = tpu.memref_slice %arg9[%dma_wait3A_1430, %dma_wait3A_1438, %dma_wait3A_1439] : memref<8x32x128xf32, #tpu.memory_space<vmem>> -> memref<1x32x128xf32, #tpu.memory_space<vmem>>
      %dma_wait3A_1441 = tpu.memref_squeeze %dma_wait3A_1440 : memref<1x32x128xf32, #tpu.memory_space<vmem>> -> memref<32x128xf32, #tpu.memory_space<vmem>>
      %dma_wait3A_1442 = arith.constant 0 : i32
      %dma_wait3A_1443 = arith.constant 0 : i32
      %dma_wait3A_1444 = tpu.memref_slice %arg2[%dma_wait3A_1442, %dma_wait3A_1443] : memref<32x1000000xf32, #tpu.memory_space<hbm>> -> memref<32x128xf32, #tpu.memory_space<hbm>>
      tpu.wait_dma2 semaphore(%arg12 : memref<!tpu.dma_semaphore, #tpu.memory_space<semaphore_mem>>) src(%dma_wait3A_1444 : memref<32x128xf32, #tpu.memory_space<hbm>>) dst(%dma_wait3A_1441 : memref<32x128xf32, #tpu.memory_space<vmem>>)
      %dma_wait3A_1445 = arith.constant 5 : i32
      %dma_wait3A_1446 = arith.constant 0 : i32
      %dma_wait3A_1447 = arith.constant 0 : i32
      %dma_wait3A_1448 = tpu.memref_slice %arg10[%dma_wait3A_1445, %dma_wait3A_1446, %dma_wait3A_1447] : memref<8x32x128xf32, #tpu.memory_space<vmem>> -> memref<1x32x128xf32, #tpu.memory_space<vmem>>
      %dma_wait3A_1449 = tpu.memref_squeeze %dma_wait3A_1448 : memref<1x32x128xf32, #tpu.memory_space<vmem>> -> memref<32x128xf32, #tpu.memory_space<vmem>>
      %dma_wait3A_1450 = arith.constant 0 : i32
      %dma_wait3A_1451 = arith.constant 0 : i32
      %dma_wait3A_1452 = tpu.memref_slice %arg3[%dma_wait3A_1450, %dma_wait3A_1451] : memref<32x1000000xf32, #tpu.memory_space<hbm>> -> memref<32x128xf32, #tpu.memory_space<hbm>>
      %dma_wait3A_1453 = arith.constant 0 : i32
      %dma_wait3A_1454 = arith.constant 0 : i32
      %dma_wait3A_1455 = tpu.memref_slice %arg10[%dma_wait3A_1445, %dma_wait3A_1453, %dma_wait3A_1454] : memref<8x32x128xf32, #tpu.memory_space<vmem>> -> memref<1x32x128xf32, #tpu.memory_space<vmem>>
      %dma_wait3A_1456 = tpu.memref_squeeze %dma_wait3A_1455 : memref<1x32x128xf32, #tpu.memory_space<vmem>> -> memref<32x128xf32, #tpu.memory_space<vmem>>
      %dma_wait3A_1457 = arith.constant 0 : i32
      %dma_wait3A_1458 = arith.constant 0 : i32
      %dma_wait3A_1459 = tpu.memref_slice %arg3[%dma_wait3A_1457, %dma_wait3A_1458] : memref<32x1000000xf32, #tpu.memory_space<hbm>> -> memref<32x128xf32, #tpu.memory_space<hbm>>
      tpu.wait_dma2 semaphore(%arg12 : memref<!tpu.dma_semaphore, #tpu.memory_space<semaphore_mem>>) src(%dma_wait3A_1459 : memref<32x128xf32, #tpu.memory_space<hbm>>) dst(%dma_wait3A_1456 : memref<32x128xf32, #tpu.memory_space<vmem>>)
      %dma_wait3A_1460 = arith.constant 6 : i32
      %dma_wait3A_1461 = arith.constant 0 : i32
      %dma_wait3A_1462 = arith.constant 0 : i32
      %dma_wait3A_1463 = tpu.memref_slice %arg9[%dma_wait3A_1460, %dma_wait3A_1461, %dma_wait3A_1462] : memref<8x32x128xf32, #tpu.memory_space<vmem>> -> memref<1x32x128xf32, #tpu.memory_space<vmem>>
      %dma_wait3A_1464 = tpu.memref_squeeze %dma_wait3A_1463 : memref<1x32x128xf32, #tpu.memory_space<vmem>> -> memref<32x128xf32, #tpu.memory_space<vmem>>
      %dma_wait3A_1465 = arith.constant 0 : i32
      %dma_wait3A_1466 = arith.constant 0 : i32
      %dma_wait3A_1467 = tpu.memref_slice %arg2[%dma_wait3A_1465, %dma_wait3A_1466] : memref<32x1000000xf32, #tpu.memory_space<hbm>> -> memref<32x128xf32, #tpu.memory_space<hbm>>
      %dma_wait3A_1468 = arith.constant 0 : i32
      %dma_wait3A_1469 = arith.constant 0 : i32
      %dma_wait3A_1470 = tpu.memref_slice %arg9[%dma_wait3A_1460, %dma_wait3A_1468, %dma_wait3A_1469] : memref<8x32x128xf32, #tpu.memory_space<vmem>> -> memref<1x32x128xf32, #tpu.memory_space<vmem>>
      %dma_wait3A_1471 = tpu.memref_squeeze %dma_wait3A_1470 : memref<1x32x128xf32, #tpu.memory_space<vmem>> -> memref<32x128xf32, #tpu.memory_space<vmem>>
      %dma_wait3A_1472 = arith.constant 0 : i32
      %dma_wait3A_1473 = arith.constant 0 : i32
      %dma_wait3A_1474 = tpu.memref_slice %arg2[%dma_wait3A_1472, %dma_wait3A_1473] : memref<32x1000000xf32, #tpu.memory_space<hbm>> -> memref<32x128xf32, #tpu.memory_space<hbm>>
      tpu.wait_dma2 semaphore(%arg12 : memref<!tpu.dma_semaphore, #tpu.memory_space<semaphore_mem>>) src(%dma_wait3A_1474 : memref<32x128xf32, #tpu.memory_space<hbm>>) dst(%dma_wait3A_1471 : memref<32x128xf32, #tpu.memory_space<vmem>>)
      %dma_wait3A_1475 = arith.constant 6 : i32
      %dma_wait3A_1476 = arith.constant 0 : i32
      %dma_wait3A_1477 = arith.constant 0 : i32
      %dma_wait3A_1478 = tpu.memref_slice %arg10[%dma_wait3A_1475, %dma_wait3A_1476, %dma_wait3A_1477] : memref<8x32x128xf32, #tpu.memory_space<vmem>> -> memref<1x32x128xf32, #tpu.memory_space<vmem>>
      %dma_wait3A_1479 = tpu.memref_squeeze %dma_wait3A_1478 : memref<1x32x128xf32, #tpu.memory_space<vmem>> -> memref<32x128xf32, #tpu.memory_space<vmem>>
      %dma_wait3A_1480 = arith.constant 0 : i32
      %dma_wait3A_1481 = arith.constant 0 : i32
      %dma_wait3A_1482 = tpu.memref_slice %arg3[%dma_wait3A_1480, %dma_wait3A_1481] : memref<32x1000000xf32, #tpu.memory_space<hbm>> -> memref<32x128xf32, #tpu.memory_space<hbm>>
      %dma_wait3A_1483 = arith.constant 0 : i32
      %dma_wait3A_1484 = arith.constant 0 : i32
      %dma_wait3A_1485 = tpu.memref_slice %arg10[%dma_wait3A_1475, %dma_wait3A_1483, %dma_wait3A_1484] : memref<8x32x128xf32, #tpu.memory_space<vmem>> -> memref<1x32x128xf32, #tpu.memory_space<vmem>>
      %dma_wait3A_1486 = tpu.memref_squeeze %dma_wait3A_1485 : memref<1x32x128xf32, #tpu.memory_space<vmem>> -> memref<32x128xf32, #tpu.memory_space<vmem>>
      %dma_wait3A_1487 = arith.constant 0 : i32
      %dma_wait3A_1488 = arith.constant 0 : i32
      %dma_wait3A_1489 = tpu.memref_slice %arg3[%dma_wait3A_1487, %dma_wait3A_1488] : memref<32x1000000xf32, #tpu.memory_space<hbm>> -> memref<32x128xf32, #tpu.memory_space<hbm>>
      tpu.wait_dma2 semaphore(%arg12 : memref<!tpu.dma_semaphore, #tpu.memory_space<semaphore_mem>>) src(%dma_wait3A_1489 : memref<32x128xf32, #tpu.memory_space<hbm>>) dst(%dma_wait3A_1486 : memref<32x128xf32, #tpu.memory_space<vmem>>)
      %dma_wait3A_1490 = arith.constant 7 : i32
      %dma_wait3A_1491 = arith.constant 0 : i32
      %dma_wait3A_1492 = arith.constant 0 : i32
      %dma_wait3A_1493 = tpu.memref_slice %arg9[%dma_wait3A_1490, %dma_wait3A_1491, %dma_wait3A_1492] : memref<8x32x128xf32, #tpu.memory_space<vmem>> -> memref<1x32x128xf32, #tpu.memory_space<vmem>>
      %dma_wait3A_1494 = tpu.memref_squeeze %dma_wait3A_1493 : memref<1x32x128xf32, #tpu.memory_space<vmem>> -> memref<32x128xf32, #tpu.memory_space<vmem>>
      %dma_wait3A_1495 = arith.constant 0 : i32
      %dma_wait3A_1496 = arith.constant 0 : i32
      %dma_wait3A_1497 = tpu.memref_slice %arg2[%dma_wait3A_1495, %dma_wait3A_1496] : memref<32x1000000xf32, #tpu.memory_space<hbm>> -> memref<32x128xf32, #tpu.memory_space<hbm>>
      %dma_wait3A_1498 = arith.constant 0 : i32
      %dma_wait3A_1499 = arith.constant 0 : i32
      %dma_wait3A_1500 = tpu.memref_slice %arg9[%dma_wait3A_1490, %dma_wait3A_1498, %dma_wait3A_1499] : memref<8x32x128xf32, #tpu.memory_space<vmem>> -> memref<1x32x128xf32, #tpu.memory_space<vmem>>
      %dma_wait3A_1501 = tpu.memref_squeeze %dma_wait3A_1500 : memref<1x32x128xf32, #tpu.memory_space<vmem>> -> memref<32x128xf32, #tpu.memory_space<vmem>>
      %dma_wait3A_1502 = arith.constant 0 : i32
      %dma_wait3A_1503 = arith.constant 0 : i32
      %dma_wait3A_1504 = tpu.memref_slice %arg2[%dma_wait3A_1502, %dma_wait3A_1503] : memref<32x1000000xf32, #tpu.memory_space<hbm>> -> memref<32x128xf32, #tpu.memory_space<hbm>>
      tpu.wait_dma2 semaphore(%arg12 : memref<!tpu.dma_semaphore, #tpu.memory_space<semaphore_mem>>) src(%dma_wait3A_1504 : memref<32x128xf32, #tpu.memory_space<hbm>>) dst(%dma_wait3A_1501 : memref<32x128xf32, #tpu.memory_space<vmem>>)
      %dma_wait3A_1505 = arith.constant 7 : i32
      %dma_wait3A_1506 = arith.constant 0 : i32
      %dma_wait3A_1507 = arith.constant 0 : i32
      %dma_wait3A_1508 = tpu.memref_slice %arg10[%dma_wait3A_1505, %dma_wait3A_1506, %dma_wait3A_1507] : memref<8x32x128xf32, #tpu.memory_space<vmem>> -> memref<1x32x128xf32, #tpu.memory_space<vmem>>
      %dma_wait3A_1509 = tpu.memref_squeeze %dma_wait3A_1508 : memref<1x32x128xf32, #tpu.memory_space<vmem>> -> memref<32x128xf32, #tpu.memory_space<vmem>>
      %dma_wait3A_1510 = arith.constant 0 : i32
      %dma_wait3A_1511 = arith.constant 0 : i32
      %dma_wait3A_1512 = tpu.memref_slice %arg3[%dma_wait3A_1510, %dma_wait3A_1511] : memref<32x1000000xf32, #tpu.memory_space<hbm>> -> memref<32x128xf32, #tpu.memory_space<hbm>>
      %dma_wait3A_1513 = arith.constant 0 : i32
      %dma_wait3A_1514 = arith.constant 0 : i32
      %dma_wait3A_1515 = tpu.memref_slice %arg10[%dma_wait3A_1505, %dma_wait3A_1513, %dma_wait3A_1514] : memref<8x32x128xf32, #tpu.memory_space<vmem>> -> memref<1x32x128xf32, #tpu.memory_space<vmem>>
      %dma_wait3A_1516 = tpu.memref_squeeze %dma_wait3A_1515 : memref<1x32x128xf32, #tpu.memory_space<vmem>> -> memref<32x128xf32, #tpu.memory_space<vmem>>
      %dma_wait3A_1517 = arith.constant 0 : i32
      %dma_wait3A_1518 = arith.constant 0 : i32
      %dma_wait3A_1519 = tpu.memref_slice %arg3[%dma_wait3A_1517, %dma_wait3A_1518] : memref<32x1000000xf32, #tpu.memory_space<hbm>> -> memref<32x128xf32, #tpu.memory_space<hbm>>
      tpu.wait_dma2 semaphore(%arg12 : memref<!tpu.dma_semaphore, #tpu.memory_space<semaphore_mem>>) src(%dma_wait3A_1519 : memref<32x128xf32, #tpu.memory_space<hbm>>) dst(%dma_wait3A_1516 : memref<32x128xf32, #tpu.memory_space<vmem>>)
      %add3A_1520 = arith.constant 4 : i32
      %add3A_1521 = vector.broadcast %add3A_1520 : i32 to vector<16xi32>
      %add3A_1522 = arith.addi %add3A_1521, %and3A_4 : vector<16xi32>
      %add3A_1523 = arith.constant 12 : i32
      %add3A_1524 = vector.broadcast %add3A_1523 : i32 to vector<16xi32>
      %add3A_1525 = arith.addi %add3A_1524, %and3A_4 : vector<16xi32>
      %lt3A_1526 = arith.constant 0 : i32
      %lt3A_1527 = vector.broadcast %lt3A_1526 : i32 to vector<16xi32>
      %lt3A_1528 = arith.cmpi slt, %add3A_1525, %lt3A_1527 : vector<16xi32>
      %add3A_1529 = arith.constant 16 : i32
      %add3A_1530 = vector.broadcast %add3A_1529 : i32 to vector<16xi32>
      %add3A_1531 = arith.addi %add3A_1525, %add3A_1530 : vector<16xi32>
      %select_n3A_1532 = arith.select %lt3A_1528, %add3A_1531, %add3A_1525 : vector<16xi1>, vector<16xi32>
      %broadcast_in_dim3A_1533 = vector.shape_cast %select_n3A_1532 : vector<16xi32> to vector<16x1xi32>
      %gather3A_1534 = vector.shape_cast %broadcast_in_dim3A_1533 : vector<16x1xi32> to vector<16xi32>
      %gather3A_1535 = tpu.dynamic_gather %and3A_160[%gather3A_1534] in [0] : vector<16xi32>, vector<16xi32> -> vector<16xi32>
      %add3A_1536 = arith.constant 12 : i32
      %add3A_1537 = vector.broadcast %add3A_1536 : i32 to vector<16xi32>
      %add3A_1538 = arith.addi %add3A_1537, %and3A_4 : vector<16xi32>
      %lt3A_1539 = arith.constant 0 : i32
      %lt3A_1540 = vector.broadcast %lt3A_1539 : i32 to vector<16xi32>
      %lt3A_1541 = arith.cmpi slt, %add3A_1538, %lt3A_1540 : vector<16xi32>
      %add3A_1542 = arith.constant 16 : i32
      %add3A_1543 = vector.broadcast %add3A_1542 : i32 to vector<16xi32>
      %add3A_1544 = arith.addi %add3A_1538, %add3A_1543 : vector<16xi32>
      %select_n3A_1545 = arith.select %lt3A_1541, %add3A_1544, %add3A_1538 : vector<16xi1>, vector<16xi32>
      %broadcast_in_dim3A_1546 = vector.shape_cast %select_n3A_1545 : vector<16xi32> to vector<16x1xi32>
      %gather3A_1547 = vector.shape_cast %broadcast_in_dim3A_1546 : vector<16x1xi32> to vector<16xi32>
      %gather3A_1548 = tpu.dynamic_gather %and3A_163[%gather3A_1547] in [0] : vector<16xi32>, vector<16xi32> -> vector<16xi32>
      %broadcast_in_dim3A_1549 = arith.constant 0.000000e+00 : f32
      %broadcast_in_dim3A_1550 = vector.broadcast %broadcast_in_dim3A_1549 : f32 to vector<16xf32>
      %add3A_1551 = arith.constant 0 : i32
      %add3A_1552 = vector.broadcast %add3A_1551 : i32 to vector<16xi32>
      %add3A_1553 = arith.addi %add3A_1552, %shift_right_arithmetic3A_6 : vector<16xi32>
      %gather3A_1554 = tpu.vector_load_idx %arg9[%add3A_1522, %add3A_1553, %gather3A_1535] : memref<8x32x128xf32, #tpu.memory_space<vmem>>[vector<16xi32>, vector<16xi32>, vector<16xi32>], vector<16xf32>,
      %gather3A_1555 = tpu.vector_load_idx %arg10[%add3A_1522, %add3A_1553, %gather3A_1548] : memref<8x32x128xf32, #tpu.memory_space<vmem>>[vector<16xi32>, vector<16xi32>, vector<16xi32>], vector<16xf32>,
      %mul3A_1556 = arith.mulf %gather3A_1554, %gather3A_1555 : vector<16xf32>
      %add3A_1557 = arith.addf %broadcast_in_dim3A_1550, %mul3A_1556 : vector<16xf32>
      %add3A_1558 = arith.constant 4 : i32
      %add3A_1559 = vector.broadcast %add3A_1558 : i32 to vector<16xi32>
      %add3A_1560 = arith.addi %add3A_1559, %shift_right_arithmetic3A_6 : vector<16xi32>
      %gather3A_1561 = tpu.vector_load_idx %arg9[%add3A_1522, %add3A_1560, %gather3A_1535] : memref<8x32x128xf32, #tpu.memory_space<vmem>>[vector<16xi32>, vector<16xi32>, vector<16xi32>], vector<16xf32>,
      %gather3A_1562 = tpu.vector_load_idx %arg10[%add3A_1522, %add3A_1560, %gather3A_1548] : memref<8x32x128xf32, #tpu.memory_space<vmem>>[vector<16xi32>, vector<16xi32>, vector<16xi32>], vector<16xf32>,
      %mul3A_1563 = arith.mulf %gather3A_1561, %gather3A_1562 : vector<16xf32>
      %add3A_1564 = arith.addf %add3A_1557, %mul3A_1563 : vector<16xf32>
      %add3A_1565 = arith.constant 8 : i32
      %add3A_1566 = vector.broadcast %add3A_1565 : i32 to vector<16xi32>
      %add3A_1567 = arith.addi %add3A_1566, %shift_right_arithmetic3A_6 : vector<16xi32>
      %gather3A_1568 = tpu.vector_load_idx %arg9[%add3A_1522, %add3A_1567, %gather3A_1535] : memref<8x32x128xf32, #tpu.memory_space<vmem>>[vector<16xi32>, vector<16xi32>, vector<16xi32>], vector<16xf32>,
      %gather3A_1569 = tpu.vector_load_idx %arg10[%add3A_1522, %add3A_1567, %gather3A_1548] : memref<8x32x128xf32, #tpu.memory_space<vmem>>[vector<16xi32>, vector<16xi32>, vector<16xi32>], vector<16xf32>,
      %mul3A_1570 = arith.mulf %gather3A_1568, %gather3A_1569 : vector<16xf32>
      %add3A_1571 = arith.addf %add3A_1564, %mul3A_1570 : vector<16xf32>
      %add3A_1572 = arith.constant 12 : i32
      %add3A_1573 = vector.broadcast %add3A_1572 : i32 to vector<16xi32>
      %add3A_1574 = arith.addi %add3A_1573, %shift_right_arithmetic3A_6 : vector<16xi32>
      %gather3A_1575 = tpu.vector_load_idx %arg9[%add3A_1522, %add3A_1574, %gather3A_1535] : memref<8x32x128xf32, #tpu.memory_space<vmem>>[vector<16xi32>, vector<16xi32>, vector<16xi32>], vector<16xf32>,
      %gather3A_1576 = tpu.vector_load_idx %arg10[%add3A_1522, %add3A_1574, %gather3A_1548] : memref<8x32x128xf32, #tpu.memory_space<vmem>>[vector<16xi32>, vector<16xi32>, vector<16xi32>], vector<16xf32>,
      %mul3A_1577 = arith.mulf %gather3A_1575, %gather3A_1576 : vector<16xf32>
      %add3A_1578 = arith.addf %add3A_1571, %mul3A_1577 : vector<16xf32>
      %add3A_1579 = arith.constant 16 : i32
      %add3A_1580 = vector.broadcast %add3A_1579 : i32 to vector<16xi32>
      %add3A_1581 = arith.addi %add3A_1580, %shift_right_arithmetic3A_6 : vector<16xi32>
      %gather3A_1582 = tpu.vector_load_idx %arg9[%add3A_1522, %add3A_1581, %gather3A_1535] : memref<8x32x128xf32, #tpu.memory_space<vmem>>[vector<16xi32>, vector<16xi32>, vector<16xi32>], vector<16xf32>,
      %gather3A_1583 = tpu.vector_load_idx %arg10[%add3A_1522, %add3A_1581, %gather3A_1548] : memref<8x32x128xf32, #tpu.memory_space<vmem>>[vector<16xi32>, vector<16xi32>, vector<16xi32>], vector<16xf32>,
      %mul3A_1584 = arith.mulf %gather3A_1582, %gather3A_1583 : vector<16xf32>
      %add3A_1585 = arith.addf %add3A_1578, %mul3A_1584 : vector<16xf32>
      %add3A_1586 = arith.constant 20 : i32
      %add3A_1587 = vector.broadcast %add3A_1586 : i32 to vector<16xi32>
      %add3A_1588 = arith.addi %add3A_1587, %shift_right_arithmetic3A_6 : vector<16xi32>
      %gather3A_1589 = tpu.vector_load_idx %arg9[%add3A_1522, %add3A_1588, %gather3A_1535] : memref<8x32x128xf32, #tpu.memory_space<vmem>>[vector<16xi32>, vector<16xi32>, vector<16xi32>], vector<16xf32>,
      %gather3A_1590 = tpu.vector_load_idx %arg10[%add3A_1522, %add3A_1588, %gather3A_1548] : memref<8x32x128xf32, #tpu.memory_space<vmem>>[vector<16xi32>, vector<16xi32>, vector<16xi32>], vector<16xf32>,
      %mul3A_1591 = arith.mulf %gather3A_1589, %gather3A_1590 : vector<16xf32>
      %add3A_1592 = arith.addf %add3A_1585, %mul3A_1591 : vector<16xf32>
      %add3A_1593 = arith.constant 24 : i32
      %add3A_1594 = vector.broadcast %add3A_1593 : i32 to vector<16xi32>
      %add3A_1595 = arith.addi %add3A_1594, %shift_right_arithmetic3A_6 : vector<16xi32>
      %gather3A_1596 = tpu.vector_load_idx %arg9[%add3A_1522, %add3A_1595, %gather3A_1535] : memref<8x32x128xf32, #tpu.memory_space<vmem>>[vector<16xi32>, vector<16xi32>, vector<16xi32>], vector<16xf32>,
      %gather3A_1597 = tpu.vector_load_idx %arg10[%add3A_1522, %add3A_1595, %gather3A_1548] : memref<8x32x128xf32, #tpu.memory_space<vmem>>[vector<16xi32>, vector<16xi32>, vector<16xi32>], vector<16xf32>,
      %mul3A_1598 = arith.mulf %gather3A_1596, %gather3A_1597 : vector<16xf32>
      %add3A_1599 = arith.addf %add3A_1592, %mul3A_1598 : vector<16xf32>
      %add3A_1600 = arith.constant 28 : i32
      %add3A_1601 = vector.broadcast %add3A_1600 : i32 to vector<16xi32>
      %add3A_1602 = arith.addi %add3A_1601, %shift_right_arithmetic3A_6 : vector<16xi32>
      %gather3A_1603 = tpu.vector_load_idx %arg9[%add3A_1522, %add3A_1602, %gather3A_1535] : memref<8x32x128xf32, #tpu.memory_space<vmem>>[vector<16xi32>, vector<16xi32>, vector<16xi32>], vector<16xf32>,
      %gather3A_1604 = tpu.vector_load_idx %arg10[%add3A_1522, %add3A_1602, %gather3A_1548] : memref<8x32x128xf32, #tpu.memory_space<vmem>>[vector<16xi32>, vector<16xi32>, vector<16xi32>], vector<16xf32>,
      %mul3A_1605 = arith.mulf %gather3A_1603, %gather3A_1604 : vector<16xf32>
      %add3A_1606 = arith.addf %add3A_1599, %mul3A_1605 : vector<16xf32>
      %add3A_1607 = arith.constant 8 : i32
      %add3A_1608 = vector.broadcast %add3A_1607 : i32 to vector<16xi32>
      %add3A_1609 = arith.addi %iota3A, %add3A_1608 : vector<16xi32>
      %and3A_1610 = arith.constant 15 : i32
      %and3A_1611 = vector.broadcast %and3A_1610 : i32 to vector<16xi32>
      %and3A_1612 = arith.andi %add3A_1609, %and3A_1611 : vector<16xi32>
      %lt3A_1613 = arith.constant 0 : i32
      %lt3A_1614 = vector.broadcast %lt3A_1613 : i32 to vector<16xi32>
      %lt3A_1615 = arith.cmpi slt, %and3A_1612, %lt3A_1614 : vector<16xi32>
      %add3A_1616 = arith.constant 16 : i32
      %add3A_1617 = vector.broadcast %add3A_1616 : i32 to vector<16xi32>
      %add3A_1618 = arith.addi %and3A_1612, %add3A_1617 : vector<16xi32>
      %select_n3A_1619 = arith.select %lt3A_1615, %add3A_1618, %and3A_1612 : vector<16xi1>, vector<16xi32>
      %broadcast_in_dim3A_1620 = vector.shape_cast %select_n3A_1619 : vector<16xi32> to vector<16x1xi32>
      %gather3A_1621 = vector.shape_cast %broadcast_in_dim3A_1620 : vector<16x1xi32> to vector<16xi32>
      %gather3A_1622 = tpu.dynamic_gather %add3A_1606[%gather3A_1621] in [0] : vector<16xf32>, vector<16xi32> -> vector<16xf32>
      %add3A_1623 = arith.addf %add3A_1606, %gather3A_1622 : vector<16xf32>
      %add3A_1624 = arith.constant 4 : i32
      %add3A_1625 = vector.broadcast %add3A_1624 : i32 to vector<16xi32>
      %add3A_1626 = arith.addi %iota3A, %add3A_1625 : vector<16xi32>
      %and3A_1627 = arith.constant 15 : i32
      %and3A_1628 = vector.broadcast %and3A_1627 : i32 to vector<16xi32>
      %and3A_1629 = arith.andi %add3A_1626, %and3A_1628 : vector<16xi32>
      %lt3A_1630 = arith.constant 0 : i32
      %lt3A_1631 = vector.broadcast %lt3A_1630 : i32 to vector<16xi32>
      %lt3A_1632 = arith.cmpi slt, %and3A_1629, %lt3A_1631 : vector<16xi32>
      %add3A_1633 = arith.constant 16 : i32
      %add3A_1634 = vector.broadcast %add3A_1633 : i32 to vector<16xi32>
      %add3A_1635 = arith.addi %and3A_1629, %add3A_1634 : vector<16xi32>
      %select_n3A_1636 = arith.select %lt3A_1632, %add3A_1635, %and3A_1629 : vector<16xi1>, vector<16xi32>
      %broadcast_in_dim3A_1637 = vector.shape_cast %select_n3A_1636 : vector<16xi32> to vector<16x1xi32>
      %gather3A_1638 = vector.shape_cast %broadcast_in_dim3A_1637 : vector<16x1xi32> to vector<16xi32>
      %gather3A_1639 = tpu.dynamic_gather %add3A_1623[%gather3A_1638] in [0] : vector<16xf32>, vector<16xi32> -> vector<16xf32>
      %add3A_1640 = arith.addf %add3A_1623, %gather3A_1639 : vector<16xf32>
      %sub3A_1641 = arith.constant 12 : i32
      %sub3A_1642 = vector.broadcast %sub3A_1641 : i32 to vector<16xi32>
      %sub3A_1643 = arith.subi %iota3A, %sub3A_1642 : vector<16xi32>
      %and3A_1644 = arith.constant 15 : i32
      %and3A_1645 = vector.broadcast %and3A_1644 : i32 to vector<16xi32>
      %and3A_1646 = arith.andi %sub3A_1643, %and3A_1645 : vector<16xi32>
      %lt3A_1647 = arith.constant 0 : i32
      %lt3A_1648 = vector.broadcast %lt3A_1647 : i32 to vector<16xi32>
      %lt3A_1649 = arith.cmpi slt, %and3A_1646, %lt3A_1648 : vector<16xi32>
      %add3A_1650 = arith.constant 16 : i32
      %add3A_1651 = vector.broadcast %add3A_1650 : i32 to vector<16xi32>
      %add3A_1652 = arith.addi %and3A_1646, %add3A_1651 : vector<16xi32>
      %select_n3A_1653 = arith.select %lt3A_1649, %add3A_1652, %and3A_1646 : vector<16xi1>, vector<16xi32>
      %broadcast_in_dim3A_1654 = vector.shape_cast %select_n3A_1653 : vector<16xi32> to vector<16x1xi32>
      %gather3A_1655 = vector.shape_cast %broadcast_in_dim3A_1654 : vector<16x1xi32> to vector<16xi32>
      %gather3A_1656 = tpu.dynamic_gather %add3A_1640[%gather3A_1655] in [0] : vector<16xf32>, vector<16xi32> -> vector<16xf32>
      %ge3A_1657 = arith.constant 12 : i32
      %ge3A_1658 = vector.broadcast %ge3A_1657 : i32 to vector<16xi32>
      %ge3A_1659 = arith.cmpi sge, %iota3A, %ge3A_1658 : vector<16xi32>
      %lt3A_1660 = arith.constant 16 : i32
      %lt3A_1661 = vector.broadcast %lt3A_1660 : i32 to vector<16xi32>
      %lt3A_1662 = arith.cmpi slt, %iota3A, %lt3A_1661 : vector<16xi32>
      %and3A_1663 = arith.andi %ge3A_1659, %lt3A_1662 : vector<16xi1>
      %select_n3A_1664 = arith.select %and3A_1663, %gather3A_1656, %select_n3A_1396 : vector<16xi1>, vector<16xf32>
      %mul3A_1665 = arith.constant 16 : i32
      %mul3A_1666 = arith.muli %scan3A_155, %mul3A_1665 : i32
      %swap3A = arith.index_cast %mul3A_1666 : i32 to index
      %swap3A_1667 = tpu.vector_load %arg11[%swap3A] {strides = array<i32>} : memref<512xf32, #tpu.memory_space<vmem>>, vector<16xf32>,
      tpu.vector_store %arg11[%swap3A], %select_n3A_1664 {strides = array<i32>} : memref<512xf32, #tpu.memory_space<vmem>>, vector<16xf32>,
      scf.yield %get3A_170, %get3A_174 : vector<16xi32>, vector<16xi32>
    }
    %scan3A_154 = arith.constant 32 : i32
    "tpu.region"() ({
      %run_scoped3A = tpu.sem_alloc : memref<!tpu.dma_semaphore, #tpu.memory_space<semaphore_mem>>
      %dma_start3A_155 = tpu.memref_slice %arg6[%mul3A_2] : memref<16384xf32, #tpu.memory_space<hbm>> -> memref<512xf32, #tpu.memory_space<hbm>>
      %dma_start3A_156 = tpu.memref_slice %arg6[%mul3A_2] : memref<16384xf32, #tpu.memory_space<hbm>> -> memref<512xf32, #tpu.memory_space<hbm>>
      tpu.enqueue_dma source(%arg11 : memref<512xf32, #tpu.memory_space<vmem>>) target(%dma_start3A_156 : memref<512xf32, #tpu.memory_space<hbm>>) target_semaphore(%run_scoped3A : memref<!tpu.dma_semaphore, #tpu.memory_space<semaphore_mem>>)
      %dma_wait3A = tpu.memref_slice %arg6[%mul3A_2] : memref<16384xf32, #tpu.memory_space<hbm>> -> memref<512xf32, #tpu.memory_space<hbm>>
      %dma_wait3A_157 = tpu.memref_slice %arg6[%mul3A_2] : memref<16384xf32, #tpu.memory_space<hbm>> -> memref<512xf32, #tpu.memory_space<hbm>>
      tpu.wait_dma2 semaphore(%run_scoped3A : memref<!tpu.dma_semaphore, #tpu.memory_space<semaphore_mem>>) src(%arg11 : memref<512xf32, #tpu.memory_space<vmem>>) dst(%dma_wait3A_157 : memref<512xf32, #tpu.memory_space<hbm>>)
      tpu.yield
    }) : () -> ()
    return
  }
}

</mosaic_0001>

<sc_bundles>
// kernel: _cf.3.cloned.1.call-start
scs
__scs_entry_jumppad:
0x0: {  	(pc) =	sbr.rel $0x88, $3  }
0x1: {  	(tag) =	ssettag $0x0;
	lr =	simm.s32 $0x1  }
0x2: {  	[smem:$0x3F9D] =	sst lr;
	_ =	strace $0xD0000000  }
0x3: {  	_ = 	snop  }
0x4: {  	_ = 	snop  }
0x5: {  	_ = 	snop  }
0x6: {  	_ = 	snop  }
0x7: {  	_ = 	snop  }
__scs_overlays_trampoline_lowered:
0x8: {  	[smem:$0x3FAC] =	sst s0  }
0x9: {  	[smem:$0x3FAD] =	sst s1  }
0xa: {  	[smem:$0x3FAE] =	sst s2  }
0xb: {  	[smem:$0x3FAF] =	sst s3  }
0xc: {  	[smem:$0x3FB0] =	sst s4  }
0xd: {  	[smem:$0x3FB1] =	sst s5  }
0xe: {  	[smem:$0x3FB2] =	sst s6  }
0xf: {  	[smem:$0x3FB3] =	sst s7  }
0x10: {  	[smem:$0x3FB4] =	sst s8  }
0x11: {  	[smem:$0x3FB5] =	sst s9;
	s0 =	simm.s32 @!p0 $0x0  }
0x12: {  	s1 =	sld [smem:$0x3F9B];
	s0 =	simm.s32 @p0 $0x1  }
0x13: {  	[smem:$0x3FB6] =	sst s0;
	s0 =	simm.s32 @!p1 $0x0  }
0x14: {  	s2 =	sld [smem:$0x3F9A];
	s0 =	simm.s32 @p1 $0x1  }
0x15: {  	[smem:$0x3FB7] =	sst s0;
	s0 =	simm.s32 @!p2 $0x0  }
0x16: {  	s3 =	sld [smem:$0x3FDB];
	s0 =	simm.s32 @p2 $0x1  }
0x17: {  	s4 =	simm.s32 $0x1BF5;
	[smem:$0x3FB9] =	sst s0  }
0x18: {  	s0 =	sld [smem:$0x3F9C];
	_ =	swait.ge [sflag:s4], $0x0  }
0x19: {  	s7 =	sld [smem:$0x3F9D]  }
0x1a: {  	s8 =	sadd.s32 $0xFFFFE003, lr  }
0x1b: {  	s9 =	sadd.s32 $0xFFFFFEF7, lr;
	s5 =	simm.s32 $0xFFFFFFFF;
	p2 =	slt.u32 s8, $0xFFFFF086  }
0x1c: {  	p1 =	slt.u32 s9, $0xF7A;
	s5 =	simm.s32 @!p2 $0x0  }
0x1d: {  	s5 =	simm.s32 @p1 $0x1;
	p0 =	seq.s32 s7, s2  }
0x1e: {  	s7 =	smul.u32 @!p0 $0xF7A, s2;
	p2 =	seq.s32 @!p0 s5, $0x0  }
0x1f: {  	s9 =	smul.u32 $0xF7A, s1;
	s8 =	simm.s32 @!p0 $0x1BF5;
	p2 =	por !p2, p0  }
0x20: {  	[sflag:s8] =	ssyncset.s32 @!p0 $0xFFFFF086;
	s6 =	sadd.s32 @!p0 s3, s7;
	s7 =	simm.s32 @!p0 $0x108  }
0x21: {  	s3 =	sadd.s32 s3, s9;
	s6 =	sadd.s32 @!p0 $0x88, s6;
	s7 =	simm.s32 @p2 $0x1082  }
0x22: {  	[simem:s7], [sflag:s8] =	dma.local @!p0 [hbm:s6], $0xF7A  }
0x23: {  	s9 =	sor.u32 $0xD0000000, s2;
	s6 =	simm.s32 $0x108;
	_ =	swait.ge @!p0 [sflag:s8], $0x0  }
0x24: {  	s3 =	sadd.s32 $0x88, s3;
	s6 =	simm.s32 @!p1 $0x1082;
	[sflag:s4] =	ssyncset.s32 $0xFFFFF086  }
0x25: {  	[simem:s6], [sflag:s4] =	dma.local [hbm:s3], $0xF7A  }
0x26: {  	[smem:$0x3F9D] =	sst s1;
	(tag) =	ssettag s2;
	_ =	strace s9  }
0x27: {  	s1 =	sld [smem:$0x3FAD]  }
0x28: {  	s2 =	sld [smem:$0x3FAE]  }
0x29: {  	s4 =	sld [smem:$0x3FB0]  }
0x2a: {  	p0 =	seq.s32 s5, $0x0;
	s5 =	sld [smem:$0x3FB1]  }
0x2b: {  	s6 =	sld [smem:$0x3FB2]  }
0x2c: {  	s7 =	sld [smem:$0x3FB3]  }
0x2d: {  	s3 =	simm.s32 $0x108;
	s8 =	sld [smem:$0x3FB4]  }
0x2e: {  	s3 =	simm.s32 @!p0 $0x1082;
	s9 =	sld [smem:$0x3FB5]  }
0x2f: {  	lr =	sadd.s32 s0, s3;
	s0 =	sld [smem:$0x3FAC]  }
0x30: {  	s3 =	sld [smem:$0x3FAF]  }
0x31: {  	[smem:$0x3FB8] =	sst s10  }
0x32: {  	s10 =	sld [smem:$0x3FB6];
	_ =	sdelay $0x3  }
0x33: {  	p0 =	seq.s32 s10, $0x1;
	s10 =	sld [smem:$0x3FB8];
	_ =	sdelay $0x3  }
0x34: {  	[smem:$0x3FB8] =	sst s10  }
0x35: {  	s10 =	sld [smem:$0x3FB7];
	_ =	sdelay $0x3  }
0x36: {  	p1 =	seq.s32 s10, $0x1;
	s10 =	sld [smem:$0x3FB8];
	_ =	sdelay $0x3  }
0x37: {  	[smem:$0x3FB8] =	sst s10  }
0x38: {  	s10 =	sld [smem:$0x3FB9]  }
0x39: {  	_ = 	snop;
	(pc) =	sbr.ind lr, $3  }
0x3a: {  	_ = 	snop  }
0x3b: {  	_ = 	snop  }
0x3c: {  	p2 =	seq.s32 s10, $0x1;
	s10 =	sld [smem:$0x3FB8]  }
0x3d: {  	_ =	shalt  }
0x3e: {  	_ =	shalt  }
0x3f: {  	_ =	shalt  }
0x40: {  	_ =	shalt  }
0x41: {  	_ =	shalt  }
0x42: {  	_ =	shalt  }
0x43: {  	_ =	shalt  }
0x44: {  	_ =	shalt  }
0x45: {  	_ =	shalt  }
0x46: {  	_ =	shalt  }
0x47: {  	_ =	shalt  }
0x48: {  	_ =	shalt  }
0x49: {  	_ =	shalt  }
0x4a: {  	_ =	shalt  }
0x4b: {  	_ =	shalt  }
0x4c: {  	_ =	shalt  }
0x4d: {  	_ =	shalt  }
0x4e: {  	_ =	shalt  }
0x4f: {  	_ =	shalt  }
0x50: {  	_ =	shalt  }
0x51: {  	_ =	shalt  }
0x52: {  	_ =	shalt  }
0x53: {  	_ =	shalt  }
0x54: {  	_ =	shalt  }
0x55: {  	_ =	shalt  }
0x56: {  	_ =	shalt  }
0x57: {  	_ =	shalt  }
0x58: {  	_ =	shalt  }
0x59: {  	_ =	shalt  }
0x5a: {  	_ =	shalt  }
0x5b: {  	_ =	shalt  }
0x5c: {  	_ =	shalt  }
0x5d: {  	_ =	shalt  }
0x5e: {  	_ =	shalt  }
0x5f: {  	_ =	shalt  }
0x60: {  	_ =	shalt  }
0x61: {  	_ =	shalt  }
0x62: {  	_ =	shalt  }
0x63: {  	_ =	shalt  }
0x64: {  	_ =	shalt  }
0x65: {  	_ =	shalt  }
0x66: {  	_ =	shalt  }
0x67: {  	_ =	shalt  }
0x68: {  	_ =	shalt  }
0x69: {  	_ =	shalt  }
0x6a: {  	_ =	shalt  }
0x6b: {  	_ =	shalt  }
0x6c: {  	_ =	shalt  }
0x6d: {  	_ =	shalt  }
0x6e: {  	_ =	shalt  }
0x6f: {  	_ =	shalt  }
0x70: {  	_ =	shalt  }
0x71: {  	_ =	shalt  }
0x72: {  	_ =	shalt  }
0x73: {  	_ =	shalt  }
0x74: {  	_ =	shalt  }
0x75: {  	_ =	shalt  }
0x76: {  	_ =	shalt  }
0x77: {  	_ =	shalt  }
0x78: {  	_ =	shalt  }
0x79: {  	_ =	shalt  }
0x7a: {  	_ =	shalt  }
0x7b: {  	_ =	shalt  }
0x7c: {  	_ =	shalt  }
0x7d: {  	_ =	shalt  }
0x7e: {  	_ =	shalt  }
0x7f: {  	_ =	shalt  }
0x80: {  	_ =	shalt  }
0x81: {  	_ =	shalt  }
0x82: {  	_ =	shalt  }
0x83: {  	_ =	shalt  }
0x84: {  	_ =	shalt  }
0x85: {  	_ =	shalt  }
0x86: {  	_ =	shalt  }
0x87: {  	_ =	shalt  }
.Lfunc_end0:
.L_simem_size_0:
called_computation_lowered:
.L_overlay_start_0:
0x88: {  	s2 =	sld [smem:$0x3FD9]  }
0x89: {  	s3 =	sld [smem:$0x3FFE];
	_ =	sdelay $0x1  }
0x8a: {  	s1 =	srdreg.scid  }
0x8b: {  	s0 =	sand.u32 $0x1, s1  }
0x8c: {  	s18 =	sshll.u32 s0, $0xA;
	s2 =	sadd.s32 s3, s2  }
0x8d: {  	s2 =	sadd.s32 s2, s18  }
0x8e: {  	[smem:$0x3FC4] =	sst s2  }
0x8f: {  	_ = 	snop  }
0x90: {  	s2 =	sld [smem:$0x3FC9]  }
0x91: {  	s19 =	sld [smem:$0x3FC8]  }
0x92: {  	s4 =	sld [smem:$0x3FC7]  }
0x93: {  	s5 =	sld [smem:$0x3FC6]  }
0x94: {  	s6 =	sld [smem:$0x3FD0];
	(tm) =	ssettm $0x1  }
0x95: {  	s7 =	sld [smem:$0x3FFB];
	_ =	sdelay $0x3  }
0x96: {  	_ =	strace s7  }
0x97: {  	s7 =	sld [smem:$0x3FFC];
	_ =	sdelay $0x3  }
0x98: {  	_ =	strace s7  }
0x99: {  	s7 =	sld [smem:$0x3FFD];
	_ =	sdelay $0x3  }
0x9a: {  	_ =	strace s7  }
0x9b: {  	_ =	strace $0x8FFFFFFF  }
0x9c: {  	s20 =	sld [smem:$0x3FDB];
	_ =	sdelay $0x1  }
0x9d: {  	s8 =	simm.s32 $_scs_section_size  }
0x9e: {  	s9 =	simm.s32 $_size__tile_overlayer_lowered;
	s10 =	simm.s32 $_tile_overlayer_lowered  }
0x9f: {  	s23 =	simm.s32 $0x1BFF;
	s22 =	sshll.u32 s10, $0x1;
	s7 =	sadd.s32 s8, s20  }
0xa0: {  	s11 =	simm.s32 $0x0;
	s21 =	sshll.u32 s9, $0x1;
	s9 =	sadd.s32 s22, s7  }
0xa1: {  	[timem:s11], [sflag:s23] =	dma.local [hbm:s9], s21  }
0xa2: {  	_ =	swait.ge [sflag:s23], s21  }
0xa3: {  	s8 =	ssub.s32 $0x0, s21;
	[sflag:s23] =	ssyncset.done $0x0  }
0xa4: {  	[sflag:s23] =	ssyncadd.s32 s8;
	_ =	sdelay $0x1  }
0xa5: {  	s24 =	simm.s32 $0x1B8B  }
0xa6: {  	_ =	swait.ge [sflag:s24], $0x1  }
0xa7: {  	[sflag:s24] =	ssyncset.done $0x0  }
0xa8: {  	s25 =	simm.s32 $0x1B8E;
	[sflag:s24] =	ssyncadd.s32 $0xFFFFFFFF  }
0xa9: {  	s26 =	simm.s32 $execute0_lowered;
	[smem:$0x3FD2] =	sst s25  }
0xaa: {  	s8 =	sshll.u32 s26, $0x1;
	_ =	strace $0x80000046;
	[dreg:$0x1] =	wrdreg $0xFFFFFFFF  }
0xab: {  	s28 =	simm.s32 $_size_execute0_lowered;
	s7 =	sadd.s32 s7, s8;
	[dreg:$0x0] =	wrdreg $0x0  }
0xac: {  	s8 =	sshll.u32 s28, $0x1;
	[dreg:$0x2] =	wrdreg s7  }
0xad: {  	[dreg:$0x3] =	wrdreg s8  }
0xae: {  	[dreg:$0x4] =	wrdreg $0xC0  }
0xaf: {  	_ =	task [dreg:s11], $0x5FFFF  }
0xb0: {  	[dreg:$0x1] =	wrdreg $0xFFFFFFFF  }
0xb1: {  	[dreg:$0x0] =	wrdreg $0x60  }
0xb2: {  	[dreg:$0x2] =	wrdreg s4  }
0xb3: {  	[dreg:$0x3] =	wrdreg s5  }
0xb4: {  	[dreg:$0x4] =	wrdreg s2  }
0xb5: {  	[dreg:$0x5] =	wrdreg s19  }
0xb6: {  	[dreg:$0x6] =	wrdreg s6  }
0xb7: {  	[dreg:$0x7] =	wrdreg $0x9  }
0xb8: {  	_ =	task.clear_ibuf [dreg:s11], $0x8FFFF;
	_ =	strace $0x90000046  }
0xb9: {  	s29 =	simm.s32 $0x9;
	_ =	strace $0x80000048  }
0xba: {  	_ =	swait.ge [sflag:s29], $0x1  }
0xbb: {  	[sflag:s29] =	ssyncadd.s32 $0xFFFFFFFF  }
0xbc: {  	_ =	strace $0x90000048  }
0xbd: {  	_ =	sfence  }
0xbe: {  	s30 =	sld [smem:$0x0];
	_ =	sdelay $0x2  }
0xbf: {  	s31 =	sshll.u32 s1, $0xD;
	s1 =	sshrl.u32 s1, $0x2  }
0xc0: {  	s3 =	sand.u32 $0x4000, s31;
	s1 =	sadd.s32 s1, s30  }
0xc1: {  	s0 =	sor.u32 s3, s0;
	s1 =	sshll.u32 s1, $0x11  }
0xc2: {  	s0 =	sor.u32 s1, s0  }
0xc3: {  	s0 =	sadd.s32 $0x8F2B, s0  }
0xc4: {  	[sflag:s0] =	ssyncadd.remote.s32 $0x1  }
0xc5: {  	_ =	sfence.sel $0xFFFF  }
0xc6: {  	[dreg:$0x0] =	wrdreg $0xFFFFFFFF;
	(pc) =	sbr.abs _section_cstart, $3  }
0xc7: {  	[dreg:$0x1] =	wrdreg $0xFFFFFFFF  }
0xc8: {  	_ =	task.clear_ibuf [dreg:s11], $0x2FFFF;
	_ =	strace $0x9FFFFFFF  }
0xc9: {  	(tm) =	ssettm $0x7FFFFFFF  }
tec
execute0_lowered:
.L_overlay_start_1:
0x0: {  	(tag) =	ssettag $0x1  }
0x1: {  	v6 =	vlaneseq.u32;
	v0 =	vimm.s32 $0x3180  }
0x2: {  	vm14 =	vcmask $0x300;
	v1 =	vimm.s32 $0x3380;
	vm13 =	vcmask $0x704  }
0x3: {  	vm12 =	vcmask $0xB08;
	vm11 =	vcmask $0xF0C;
	vm10 =	vcmask $0x1310  }
0x4: {  	vm9 =	vcmask $0x1714;
	vm8 =	vcmask $0x1B18;
	vm7 =	vcmask $0x1F1C  }
0x5: {  	vm6 =	vcmask $0x2320;
	vm5 =	vcmask $0x2724;
	vm4 =	vcmask $0x2B28  }
0x6: {  	vm3 =	vcmask $0x2F2C;
	vm2 =	vcmask $0x3330;
	vm1 =	vcmask $0x3734  }
0x7: {  	vm0 =	vcmask $0x3B38;
	v59 =	vimm.s32 $0x3580;
	v60 =	vimm.s32 $0x3780  }
0x8: {  	v2 =	vimm.s32 $0x3980;
	v63 =	vimm.s32 $0x3B80;
	v30 =	vimm.s32 $0x3D80  }
0x9: {  	v31 =	vimm.s32 $0x3F80;
	v34 =	vimm.s32 $0x76543210;
	v35 =	vimm.s32 $0x7180  }
0xa: {  	v36 =	vimm.s32 $0x7380;
	v3 =	vimm.s32 $0xFEDCBA98;
	v40 =	vimm.s32 $0x3210FEDC  }
0xb: {  	v5 =	vimm.s32 $0xBA987654;
	v56 =	vimm.s32 $0x7580;
	v57 =	vimm.s32 $0x7780  }
0xc: {  	v58 =	vimm.s32 $0x7980;
	v7 =	vand.u32 $0x3, v6;
	v0 =	vsel vm14, $0x0, v0  }
0xd: {  	v1 =	vsel vm14, $0x200, v1;
	v2 =	vsel vm14, $0x800, v2;
	v3 =	vunpack.c.l.s4.s8 v3  }
0xe: {  	v5 =	vunpack.c.l.s4.s8 v5;
	v0 =	vsel vm13, $0x1000, v0;
	v1 =	vsel vm13, $0x1200, v1  }
0xf: {  	v2 =	vsel vm13, $0x1800, v2;
	v48 =	vor.u32 $0x4, v7;
	v0 =	vsel vm12, $0x2000, v0  }
0x10: {  	v19 =	vor.u32 $0x8, v7;
	v1 =	vsel vm12, $0x2200, v1;
	v0 =	vsel vm11, $0x3000, v0  }
0x11: {  	v2 =	vsel vm12, $0x2800, v2;
	v1 =	vsel vm11, $0x3200, v1;
	v0 =	vsel vm10, $0x80, v0  }
0x12: {  	v39 =	vunpack.c.0.s8.s32 v3;
	v1 =	vsel vm10, $0x280, v1;
	v0 =	vsel vm9, $0x1080, v0  }
0x13: {  	v3 =	vunpack.c.l.s4.s8 v40;
	v1 =	vsel vm9, $0x1280, v1;
	v0 =	vsel vm8, $0x2080, v0  }
0x14: {  	v42 =	vunpack.c.0.s8.s32 v5;
	v1 =	vsel vm8, $0x2280, v1;
	v0 =	vsel vm7, $0x3080, v0  }
0x15: {  	v2 =	vsel vm11, $0x3800, v2;
	v1 =	vsel vm7, $0x3280, v1;
	v0 =	vsel vm6, $0x100, v0  }
0x16: {  	v2 =	vsel vm10, $0x880, v2;
	v1 =	vsel vm6, $0x300, v1;
	v0 =	vsel vm5, $0x1100, v0  }
0x17: {  	v21 =	vunpack.c.0.s8.s32 v3;
	v1 =	vsel vm5, $0x1300, v1;
	v0 =	vsel vm4, $0x2100, v0  }
0x18: {  	v2 =	vsel vm9, $0x1880, v2;
	v1 =	vsel vm4, $0x2300, v1;
	v0 =	vsel vm3, $0x3100, v0  }
0x19: {  	v2 =	vsel vm8, $0x2880, v2;
	v1 =	vsel vm3, $0x3300, v1;
	v0 =	vsel vm2, $0x180, v0  }
0x1a: {  	v5 =	vcombine.low v42, v21;
	v1 =	vsel vm2, $0x380, v1;
	v0 =	vsel vm1, $0x1180, v0  }
0x1b: {  	v2 =	vsel vm7, $0x3880, v2;
	v1 =	vsel vm1, $0x1380, v1;
	v8 =	vsel vm0, $0x2180, v0  }
0x1c: {  	v27 =	vsel vm0, $0x2380, v1;
	v0 =	vsel vm14, $0x400, v59;
	v1 =	vsel vm14, $0x600, v60  }
0x1d: {  	v2 =	vsel vm6, $0x900, v2;
	v0 =	vsel vm13, $0x1400, v0;
	v1 =	vsel vm13, $0x1600, v1  }
0x1e: {  	v11 =	vand.u32 $0xF, v5;
	v0 =	vsel vm12, $0x2400, v0;
	v1 =	vsel vm12, $0x2600, v1  }
0x1f: {  	v5 =	vcombine.low v21, v42;
	v0 =	vsel vm11, $0x3400, v0;
	v1 =	vsel vm11, $0x3600, v1  }
0x20: {  	v2 =	vsel vm5, $0x1900, v2;
	v0 =	vsel vm10, $0x480, v0;
	v1 =	vsel vm10, $0x680, v1  }
0x21: {  	v2 =	vsel vm4, $0x2900, v2;
	v0 =	vsel vm9, $0x1480, v0;
	v1 =	vsel vm9, $0x1680, v1  }
0x22: {  	v2 =	vsel vm3, $0x3900, v2;
	v0 =	vsel vm8, $0x2480, v0;
	v1 =	vsel vm8, $0x2680, v1  }
0x23: {  	v2 =	vsel vm2, $0x980, v2;
	v0 =	vsel vm7, $0x3480, v0;
	v1 =	vsel vm7, $0x3680, v1  }
0x24: {  	v62 =	vsel vm1, $0x1980, v2;
	v0 =	vsel vm6, $0x500, v0;
	v1 =	vsel vm6, $0x700, v1  }
0x25: {  	v2 =	vsel vm14, $0xE00, v31;
	v0 =	vsel vm5, $0x1500, v0;
	v1 =	vsel vm5, $0x1700, v1  }
0x26: {  	v2 =	vsel vm13, $0x1E00, v2;
	v0 =	vsel vm4, $0x2500, v0;
	v1 =	vsel vm4, $0x2700, v1  }
0x27: {  	v2 =	vsel vm12, $0x2E00, v2;
	v0 =	vsel vm3, $0x3500, v0;
	v1 =	vsel vm3, $0x3700, v1  }
0x28: {  	v2 =	vsel vm11, $0x3E00, v2;
	v0 =	vsel vm2, $0x580, v0;
	v1 =	vsel vm2, $0x780, v1  }
0x29: {  	v2 =	vsel vm10, $0xE80, v2;
	v0 =	vsel vm1, $0x1580, v0;
	v61 =	vsel vm1, $0x1780, v1  }
0x2a: {  	v1 =	vsel vm14, $0xC00, v30;
	v47 =	vsel vm0, $0x2580, v0;
	v0 =	vsel vm14, $0xA00, v63  }
0x2b: {  	v2 =	vsel vm9, $0x1E80, v2;
	v1 =	vsel vm13, $0x1C00, v1;
	v0 =	vsel vm13, $0x1A00, v0  }
0x2c: {  	v2 =	vsel vm8, $0x2E80, v2;
	v1 =	vsel vm12, $0x2C00, v1;
	v0 =	vsel vm12, $0x2A00, v0  }
0x2d: {  	v2 =	vsel vm7, $0x3E80, v2;
	v1 =	vsel vm11, $0x3C00, v1;
	v0 =	vsel vm11, $0x3A00, v0  }
0x2e: {  	v2 =	vsel vm6, $0xF00, v2;
	v1 =	vsel vm10, $0xC80, v1;
	v0 =	vsel vm10, $0xA80, v0  }
0x2f: {  	v2 =	vsel vm5, $0x1F00, v2;
	v1 =	vsel vm9, $0x1C80, v1;
	v0 =	vsel vm9, $0x1A80, v0  }
0x30: {  	v2 =	vsel vm4, $0x2F00, v2;
	v1 =	vsel vm8, $0x2C80, v1;
	v0 =	vsel vm8, $0x2A80, v0  }
0x31: {  	v2 =	vsel vm3, $0x3F00, v2;
	v1 =	vsel vm7, $0x3C80, v1;
	v0 =	vsel vm7, $0x3A80, v0  }
0x32: {  	v2 =	vsel vm2, $0xF80, v2;
	v1 =	vsel vm6, $0xD00, v1;
	v0 =	vsel vm6, $0xB00, v0  }
0x33: {  	v33 =	vsel vm1, $0x1F80, v2;
	v1 =	vsel vm5, $0x1D00, v1;
	v0 =	vsel vm5, $0x1B00, v0  }
0x34: {  	v2 =	vsel vm14, $0x4200, v36;
	v1 =	vsel vm4, $0x2D00, v1;
	v0 =	vsel vm4, $0x2B00, v0  }
0x35: {  	v2 =	vsel vm13, $0x5200, v2;
	v1 =	vsel vm3, $0x3D00, v1;
	v0 =	vsel vm3, $0x3B00, v0  }
0x36: {  	v38 =	vsel vm12, $0x6200, v2;
	v1 =	vsel vm2, $0xD80, v1;
	v0 =	vsel vm2, $0xB80, v0  }
0x37: {  	v32 =	vsel vm1, $0x1D80, v1;
	v1 =	vsel vm14, $0x4000, v35;
	v0 =	vsel vm1, $0x1B80, v0  }
0x38: {  	v1 =	vsel vm13, $0x5000, v1;
	v16 =	vsel vm0, $0x2B80, v0;
	v0 =	vunpack.c.l.s4.s8 v34  }
0x39: {  	v26 =	vsel vm0, $0x2980, v62;
	v37 =	vsel vm12, $0x6000, v1;
	v1 =	vsel vm11, $0x7200, v38  }
0x3a: {  	v1 =	vsel vm10, $0x4280, v1;
	v4 =	vunpack.c.0.s8.s32 v0;
	v0 =	vsel vm11, $0x7000, v37  }
0x3b: {  	v59 =	vimm.s32 $0x7B80;
	v1 =	vsel vm9, $0x5280, v1;
	v0 =	vsel vm10, $0x4080, v0  }
0x3c: {  	v62 =	vimm.s32 $0x7F80;
	v1 =	vsel vm8, $0x6280, v1;
	v0 =	vsel vm9, $0x5080, v0  }
0x3d: {  	v43 =	vsel vm0, $0x2F80, v33;
	v1 =	vsel vm7, $0x7280, v1;
	v0 =	vsel vm8, $0x6080, v0  }
0x3e: {  	v23 =	vsel vm0, $0x2780, v61;
	v1 =	vsel vm6, $0x4300, v1;
	v0 =	vsel vm7, $0x7080, v0  }
0x3f: {  	v2 =	vand.u32 $0xF, v39;
	v1 =	vsel vm5, $0x5300, v1;
	v41 =	vsel vm6, $0x4100, v0  }
0x40: {  	v61 =	vimm.s32 $0x7D80;
	v1 =	vsel vm4, $0x6300, v1;
	v3 =	vsel vm5, $0x5100, v41  }
0x41: {  	v63 =	vor.u32 $0xC, v6;
	v1 =	vsel vm3, $0x7300, v1;
	v3 =	vsel vm4, $0x6100, v3  }
0x42: {  	v13 =	vsel vm0, $0x2D80, v32;
	v1 =	vsel vm2, $0x4380, v1;
	v3 =	vsel vm3, $0x7100, v3  }
0x43: {  	v10 =	vcombine.low v2, v4;
	v1 =	vsel vm1, $0x5380, v1;
	v55 =	vsel vm2, $0x4180, v3  }
0x44: {  	v60 =	vsel vm0, $0x6380, v1;
	v1 =	vsel vm14, $0x4400, v56;
	v3 =	vsel vm14, $0x4800, v58  }
0x45: {  	v2 =	vsel vm1, $0x5180, v55;
	v1 =	vsel vm13, $0x5400, v1;
	v3 =	vsel vm13, $0x5800, v3  }
0x46: {  	v15 =	vsel vm0, $0x6180, v2;
	v2 =	vsel vm14, $0x4600, v57;
	v1 =	vsel vm12, $0x6400, v1  }
0x47: {  	v3 =	vsel vm12, $0x6800, v3;
	v2 =	vsel vm13, $0x5600, v2;
	v1 =	vsel vm11, $0x7400, v1  }
0x48: {  	v3 =	vsel vm11, $0x7800, v3;
	v2 =	vsel vm12, $0x6600, v2;
	v1 =	vsel vm10, $0x4480, v1  }
0x49: {  	v3 =	vsel vm10, $0x4880, v3;
	v2 =	vsel vm11, $0x7600, v2;
	v1 =	vsel vm9, $0x5480, v1  }
0x4a: {  	v3 =	vsel vm9, $0x5880, v3;
	v2 =	vsel vm10, $0x4680, v2;
	v1 =	vsel vm8, $0x6480, v1  }
0x4b: {  	v3 =	vsel vm8, $0x6880, v3;
	v2 =	vsel vm9, $0x5680, v2;
	v1 =	vsel vm7, $0x7480, v1  }
0x4c: {  	v3 =	vsel vm7, $0x7880, v3;
	v2 =	vsel vm8, $0x6680, v2;
	v1 =	vsel vm6, $0x4500, v1  }
0x4d: {  	v3 =	vsel vm6, $0x4900, v3;
	v2 =	vsel vm7, $0x7680, v2;
	v1 =	vsel vm5, $0x5500, v1  }
0x4e: {  	v3 =	vsel vm5, $0x5900, v3;
	v2 =	vsel vm6, $0x4700, v2;
	v1 =	vsel vm4, $0x6500, v1  }
0x4f: {  	v3 =	vsel vm4, $0x6900, v3;
	v2 =	vsel vm5, $0x5700, v2;
	v1 =	vsel vm3, $0x7500, v1  }
0x50: {  	v3 =	vsel vm3, $0x7900, v3;
	v2 =	vsel vm4, $0x6700, v2;
	v1 =	vsel vm2, $0x4580, v1  }
0x51: {  	v3 =	vsel vm2, $0x4980, v3;
	v2 =	vsel vm3, $0x7700, v2;
	v1 =	vsel vm1, $0x5580, v1  }
0x52: {  	v3 =	vsel vm1, $0x5980, v3;
	v2 =	vsel vm2, $0x4780, v2;
	v58 =	vsel vm0, $0x6580, v1  }
0x53: {  	s0 =	rddreg [dreg:$0x0];
	v54 =	vsel vm0, $0x6980, v3;
	v1 =	vsel vm14, $0x4A00, v59;
	v3 =	vsel vm14, $0x4E00, v62  }
0x54: {  	s1 =	rddreg [dreg:$0x1];
	v2 =	vsel vm1, $0x5780, v2;
	v1 =	vsel vm13, $0x5A00, v1;
	v3 =	vsel vm13, $0x5E00, v3  }
0x55: {  	s2 =	rddreg [dreg:$0x2];
	v56 =	vsel vm0, $0x6780, v2;
	v2 =	vsel vm14, $0x4C00, v61;
	v1 =	vsel vm12, $0x6A00, v1  }
0x56: {  	s4 =	rddreg [dreg:$0x3];
	v3 =	vsel vm12, $0x6E00, v3;
	v2 =	vsel vm13, $0x5C00, v2;
	v1 =	vsel vm11, $0x7A00, v1  }
0x57: {  	s7 =	rddreg [dreg:$0x4];
	s3 =	simm.s32 $0x0;
	s5 =	srdreg.scid;
	v3 =	vsel vm11, $0x7E00, v3;
	v2 =	vsel vm12, $0x6C00, v2;
	v1 =	vsel vm10, $0x4A80, v1  }
0x58: {  	s8 =	stileid.u32;
	s10 =	simm.s32 $0x2;
	s11 =	simm.s32 $0x7A1400;
	v3 =	vsel vm10, $0x4E80, v3;
	v2 =	vsel vm11, $0x7C00, v2;
	v1 =	vsel vm9, $0x5A80, v1  }
0x59: {  	s12 =	simm.s32 $0x400;
	s13 =	simm.s32 $0x8400;
	s14 =	simm.s32 $0x1400;
	v3 =	vsel vm9, $0x5E80, v3;
	v2 =	vsel vm10, $0x4C80, v2;
	v1 =	vsel vm8, $0x6A80, v1  }
0x5a: {  	s15 =	simm.s32 $0x9400;
	s16 =	simm.s32 $0x2400;
	s17 =	simm.s32 $0xA400;
	v3 =	vsel vm8, $0x6E80, v3;
	v2 =	vsel vm9, $0x5C80, v2;
	v1 =	vsel vm7, $0x7A80, v1  }
0x5b: {  	s18 =	simm.s32 $0x3400;
	s19 =	simm.s32 $0xB400;
	s20 =	simm.s32 $0x4400;
	v3 =	vsel vm7, $0x7E80, v3;
	v2 =	vsel vm8, $0x6C80, v2;
	v1 =	vsel vm6, $0x4B00, v1  }
0x5c: {  	s21 =	simm.s32 $0xC400;
	s22 =	simm.s32 $0x5400;
	s23 =	simm.s32 $0xD400;
	v3 =	vsel vm6, $0x4F00, v3;
	v2 =	vsel vm7, $0x7C80, v2;
	v1 =	vsel vm5, $0x5B00, v1  }
0x5d: {  	s24 =	simm.s32 $0x6400;
	s25 =	simm.s32 $0xE400;
	s26 =	simm.s32 $0x7400;
	v3 =	vsel vm5, $0x5F00, v3;
	v2 =	vsel vm6, $0x4D00, v2;
	v1 =	vsel vm4, $0x6B00, v1  }
0x5e: {  	s28 =	simm.s32 $0xF400;
	s29 =	simm.s32 $0x1;
	s5 =	sand.u32 $0x1, s5;
	v3 =	vsel vm4, $0x6F00, v3;
	v2 =	vsel vm5, $0x5D00, v2;
	v1 =	vsel vm3, $0x7B00, v1  }
0x5f: {  	s8 =	sshll.u32 s8, $0x7;
	s6 =	ssub.s32 $0x2, s5;
	s5 =	sshll.u32 s5, $0x6;
	v3 =	vsel vm3, $0x7F00, v3;
	v2 =	vsel vm4, $0x6D00, v2;
	v1 =	vsel vm2, $0x4B80, v1  }
0x60: {  	s31 =	simm.s32 $0x0;
	[smem:$0x7FF] =	sst s3;
	s8 =	sor.u32 s5, s8;
	v3 =	vsel vm2, $0x4F80, v3;
	v2 =	vsel vm3, $0x7D00, v2;
	v1 =	vsel vm1, $0x5B80, v1  }
0x61: {  	_ =	strace $0x80000047;
	s9 =	sshrl.u32 s6, $0x1;
	s2 =	sadd.s32 s2, s8;
	v3 =	vsel vm1, $0x5F80, v3;
	v2 =	vsel vm2, $0x4D80, v2;
	v46 =	vsel vm0, $0x6B80, v1  }
0x62: {  	s9 =	ssub.s32 s6, s9;
	s30 =	sadd.s32 s4, s8;
	[dreg:$0x6] =	wrdreg s2;
	[tilespmem:$0x1FFF0] =	vst v5;
	v18 =	vsel vm0, $0x6F80, v3;
	vm2 =	vmmov $0xfff;
	v2 =	vsel vm1, $0x5D80, v2  }
0x63: {  	s7 =	sadd.s32 s7, s8;
	[dreg:$0x7] =	wrdreg s30;
	s8 =	smax.u32 s9, $0x1;
	[tilespmem:$0x1FFE0] =	vst v63;
	vm1 =	vmmov $0xff;
	v52 =	vsel vm0, $0x6D80, v2;
	vm0 =	vmmov $0xf  }
.LBB2_1:
0x64: {  	s2 =	rddreg [dreg:$0x6]  }
0x65: {  	[tilespmem:s3], [sflag:$0x2] =	stream.linear.gather [hbm4b:s2+s3], $0x200, $0x38;
	[tilespmem:$0x10600] =	vst v63  }
0x66: {  	_ =	swait.ge [sflag:s10], $0x200  }
0x67: {  	[sflag:s10] =	ssyncset.done $0x0  }
0x68: {  	s4 =	simm.s32 $0x200;
	s30 =	rddreg [dreg:$0x7];
	[sflag:s10] =	ssyncadd.s32 $0xFFFFFE00  }
0x69: {  	[tilespmem:s4], [sflag:$0x2] =	stream.linear.gather [hbm4b:s30+s3], $0x200, $0x38;
	[tilespmem:$0x10600] =	vst v63  }
0x6a: {  	_ =	swait.ge [sflag:s10], $0x200  }
0x6b: {  	[sflag:s10] =	ssyncset.done $0x0  }
0x6c: {  	[sflag:s10] =	ssyncadd.s32 $0xFFFFFE00  }
0x6d: {  	v45 =	vld [tilespmem:$0x0]  }
0x6e: {  	v44 =	vld [tilespmem:$0x200];
	_ =	sdelay $0x3  }
0x6f: {  	(v2sf) =	vpush v45, $0x0  }
0x70: {  	(v2sf) =	vpush v44, $0x0;
	_ =	sdelay $0x1  }
0x71: {  	(v2sf) =	vpush v45, $0x1;
	_ =	sdelay $0x4  }
0x72: {  	(v2sf) =	vpush v44, $0x1  }
0x73: {  	(v2sf) =	vpush v45, $0x2;
	_ =	sdelay $0x5  }
0x74: {  	s5 =	spop (v2sf);
	(v2sf) =	vpush v44, $0x2  }
0x75: {  	s6 =	spop (v2sf);
	(v2sf) =	vpush v45, $0x3  }
0x76: {  	s2 =	sand.u32 $0xFFFFF80, s5  }
0x77: {  	s2 =	sadd.s32 s0, s2;
	s9 =	spop (v2sf)  }
0x78: {  	(v2sf) =	vpush v44, $0x3;
	[tilespmem:s12], [sflag:$0x1] =	stream.strided.gather [hbm4b:s2+s12], $0x1000, s11, s12, $0x38;
	[tilespmem:$0x10600] =	vst v63  }
0x79: {  	s2 =	sand.u32 $0xFFFFF80, s6  }
0x7a: {  	s2 =	sadd.s32 s1, s2  }
0x7b: {  	[tilespmem:s13], [sflag:$0x1] =	stream.strided.gather [hbm4b:s2+s12], $0x1000, s11, s12, $0x38;
	[tilespmem:$0x10600] =	vst v63  }
0x7c: {  	s30 =	spop (v2sf);
	s2 =	sand.u32 $0xFFFFF80, s9  }
0x7d: {  	s5 =	sand.u32 $0xFFFFF80, s30;
	s6 =	spop (v2sf);
	s2 =	sadd.s32 s0, s2  }
0x7e: {  	[tilespmem:s14], [sflag:$0x1] =	stream.strided.gather [hbm4b:s2+s12], $0x1000, s11, s12, $0x38;
	[tilespmem:$0x10600] =	vst v63  }
0x7f: {  	s9 =	sand.u32 $0xFFFFF80, s6;
	s2 =	sadd.s32 s1, s5  }
0x80: {  	[tilespmem:s15], [sflag:$0x1] =	stream.strided.gather [hbm4b:s2+s12], $0x1000, s11, s12, $0x38;
	[tilespmem:$0x10600] =	vst v63  }
0x81: {  	s2 =	sadd.s32 s0, s9  }
0x82: {  	[tilespmem:s16], [sflag:$0x1] =	stream.strided.gather [hbm4b:s2+s12], $0x1000, s11, s12, $0x38;
	[tilespmem:$0x10600] =	vst v63  }
0x83: {  	s30 =	spop (v2sf)  }
0x84: {  	s5 =	sand.u32 $0xFFFFF80, s30;
	s6 =	spop (v2sf)  }
0x85: {  	s2 =	sadd.s32 s1, s5;
	s9 =	sand.u32 $0xFFFFF80, s6  }
0x86: {  	[tilespmem:s17], [sflag:$0x1] =	stream.strided.gather [hbm4b:s2+s12], $0x1000, s11, s12, $0x38;
	[tilespmem:$0x10600] =	vst v63  }
0x87: {  	s30 =	spop (v2sf);
	s2 =	sadd.s32 s0, s9  }
0x88: {  	[tilespmem:s18], [sflag:$0x1] =	stream.strided.gather [hbm4b:s2+s12], $0x1000, s11, s12, $0x38;
	[tilespmem:$0x10600] =	vst v63  }
0x89: {  	s2 =	sand.u32 $0xFFFFF80, s30  }
0x8a: {  	s2 =	sadd.s32 s1, s2  }
0x8b: {  	[tilespmem:s19], [sflag:$0x1] =	stream.strided.gather [hbm4b:s2+s12], $0x1000, s11, s12, $0x38;
	[tilespmem:$0x10600] =	vst v63  }
0x8c: {  	s4 =	simm.s32 $0x10400;
	s2 =	simm.s32 $0xFFFFFFE0  }
.LBB2_2:
0x8d: {  	(v2sf) =	vpush v45, $0x4;
	_ =	sdelay $0x1  }
0x8e: {  	(v2sf) =	vpush v44, $0x4;
	_ =	sdelay $0x2  }
0x8f: {  	(v2sf) =	vpush v45, $0x5;
	_ =	sdelay $0x1  }
0x90: {  	(v2sf) =	vpush v44, $0x5;
	_ =	sdelay $0x7  }
0x91: {  	s30 =	spop (v2sf);
	(v2sf) =	vpush v45, $0x6  }
0x92: {  	s9 =	sadd.s32 $0x21, s2  }
0x93: {  	s9 =	smin.u32 s9, $0x1F;
	s6 =	spop (v2sf);
	(v2sf) =	vpush v44, $0x6  }
0x94: {  	s9 =	sshll.u32 s9, $0x4  }
0x95: {  	v24 =	vld [tilespmem:s9+$0x0];
	s30 =	sand.u32 $0xFFFFF80, s30  }
0x96: {  	v25 =	vld [tilespmem:s9+$0x200];
	s5 =	sadd.s32 s0, s30;
	s9 =	sand.u32 $0xFFFFF80, s6;
	s30 =	spop (v2sf);
	(v2sf) =	vpush v45, $0x7  }
0x97: {  	[tilespmem:s20], [sflag:$0x1] =	stream.strided.gather [hbm4b:s5+s12], $0x1000, s11, s12, $0x38;
	[tilespmem:$0x10600] =	vst v63  }
0x98: {  	s9 =	sadd.s32 s1, s9;
	s5 =	spop (v2sf)  }
0x99: {  	(v2sf) =	vpush v44, $0x7;
	[tilespmem:s21], [sflag:$0x1] =	stream.strided.gather [hbm4b:s9+s12], $0x1000, s11, s12, $0x38;
	[tilespmem:$0x10600] =	vst v63  }
0x9a: {  	s9 =	sand.u32 $0xFFFFF80, s30  }
0x9b: {  	s9 =	sadd.s32 s0, s9  }
0x9c: {  	[tilespmem:s22], [sflag:$0x1] =	stream.strided.gather [hbm4b:s9+s12], $0x1000, s11, s12, $0x38;
	[tilespmem:$0x10600] =	vst v63  }
0x9d: {  	s9 =	sand.u32 $0xFFFFF80, s5  }
0x9e: {  	s9 =	sadd.s32 s1, s9  }
0x9f: {  	[tilespmem:s23], [sflag:$0x1] =	stream.strided.gather [hbm4b:s9+s12], $0x1000, s11, s12, $0x38;
	[tilespmem:$0x10600] =	vst v63  }
0xa0: {  	s6 =	spop (v2sf)  }
0xa1: {  	s9 =	sand.u32 $0xFFFFF80, s6  }
0xa2: {  	s30 =	spop (v2sf);
	s9 =	sadd.s32 s0, s9  }
0xa3: {  	[tilespmem:s24], [sflag:$0x1] =	stream.strided.gather [hbm4b:s9+s12], $0x1000, s11, s12, $0x38;
	[tilespmem:$0x10600] =	vst v63  }
0xa4: {  	s9 =	sand.u32 $0xFFFFF80, s30  }
0xa5: {  	s5 =	spop (v2sf);
	s9 =	sadd.s32 s1, s9  }
0xa6: {  	[tilespmem:s25], [sflag:$0x1] =	stream.strided.gather [hbm4b:s9+s12], $0x1000, s11, s12, $0x38;
	[tilespmem:$0x10600] =	vst v63  }
0xa7: {  	s9 =	sand.u32 $0xFFFFF80, s5  }
0xa8: {  	s6 =	spop (v2sf);
	s9 =	sadd.s32 s0, s9  }
0xa9: {  	[tilespmem:s26], [sflag:$0x1] =	stream.strided.gather [hbm4b:s9+s12], $0x1000, s11, s12, $0x38;
	[tilespmem:$0x10600] =	vst v63  }
0xaa: {  	s9 =	sand.u32 $0xFFFFF80, s6  }
0xab: {  	s9 =	sadd.s32 s1, s9  }
0xac: {  	[tilespmem:s28], [sflag:$0x1] =	stream.strided.gather [hbm4b:s9+s12], $0x1000, s11, s12, $0x38;
	[tilespmem:$0x10600] =	vst v63  }
0xad: {  	_ =	swait.ge [sflag:s29], $0x1000  }
0xae: {  	[sflag:s29] =	ssyncset.done $0x0  }
0xaf: {  	[sflag:s29] =	ssyncadd.s32 $0xFFFFF000  }
0xb0: {  	_ =	swait.ge [sflag:s29], $0x1000  }
0xb1: {  	[sflag:s29] =	ssyncset.done $0x0  }
0xb2: {  	[sflag:s29] =	ssyncadd.s32 $0xFFFFF000  }
0xb3: {  	_ =	swait.ge [sflag:s29], $0x1000  }
0xb4: {  	[sflag:s29] =	ssyncset.done $0x0  }
0xb5: {  	[sflag:s29] =	ssyncadd.s32 $0xFFFFF000  }
0xb6: {  	_ =	swait.ge [sflag:s29], $0x1000  }
0xb7: {  	[sflag:s29] =	ssyncset.done $0x0  }
0xb8: {  	[sflag:s29] =	ssyncadd.s32 $0xFFFFF000  }
0xb9: {  	_ =	swait.ge [sflag:s29], $0x1000  }
0xba: {  	[sflag:s29] =	ssyncset.done $0x0  }
0xbb: {  	[sflag:s29] =	ssyncadd.s32 $0xFFFFF000  }
0xbc: {  	_ =	swait.ge [sflag:s29], $0x1000  }
0xbd: {  	[sflag:s29] =	ssyncset.done $0x0  }
0xbe: {  	[sflag:s29] =	ssyncadd.s32 $0xFFFFF000  }
0xbf: {  	_ =	swait.ge [sflag:s29], $0x1000  }
0xc0: {  	v29 =	vand.u32 $0x7F, v45;
	[sflag:s29] =	ssyncset.done $0x0  }
0xc1: {  	v28 =	vand.u32 $0x7F, v44;
	v0 =	vperm.xlane v29, v7;
	[sflag:s29] =	ssyncadd.s32 $0xFFFFF000  }
0xc2: {  	v1 =	vperm.xlane v28, v7;
	_ =	swait.ge [sflag:s29], $0x1000  }
0xc3: {  	v2 =	vadd.s32 v8, v0;
	(v2sf) =	vpush v45, $0x8  }
0xc4: {  	v3 =	vadd.s32 v8, v1  }
0xc5: {  	v4 =	vadd.s32 v27, v0;
	(v2sf) =	vpush v44, $0x8  }
0xc6: {  	v5 =	vadd.s32 v27, v1;
	[sflag:s29] =	ssyncset.done $0x0  }
0xc7: {  	v6 =	vadd.s32 v47, v0;
	[sflag:s29] =	ssyncadd.s32 $0xFFFFF000;
	(v2sf) =	vpush v45, $0x9  }
0xc8: {  	v61 =	vadd.s32 v47, v1;
	v40 =	vld.idx.msk [tilespmem:v2+s12+$0x0], $0xffff  }
0xc9: {  	v62 =	vadd.s32 v23, v0;
	v42 =	vld.idx.msk [tilespmem:v3+s13+$0x0], $0xffff  }
0xca: {  	v39 =	vld.idx.msk [tilespmem:v4+s12+$0x0], $0xffff;
	v4 =	vadd.s32 v23, v1;
	(v2sf) =	vpush v44, $0x9  }
0xcb: {  	v33 =	vld.idx.msk [tilespmem:v5+s13+$0x0], $0xffff;
	v5 =	vadd.s32 v26, v0  }
0xcc: {  	v63 =	vadd.s32 v16, v0;
	v37 =	vld.idx.msk [tilespmem:v6+s12+$0x0], $0xffff  }
0xcd: {  	v30 =	vadd.s32 v16, v1;
	v41 =	vld.idx.msk [tilespmem:v61+s13+$0x0], $0xffff  }
0xce: {  	v6 =	vadd.s32 v26, v1;
	v36 =	vld.idx.msk [tilespmem:v62+s12+$0x0], $0xffff  }
0xcf: {  	v38 =	vld.idx.msk [tilespmem:v4+s13+$0x0], $0xffff;
	v4 =	vadd.s32 v13, v0  }
0xd0: {  	v34 =	vld.idx.msk [tilespmem:v5+s12+$0x0], $0xffff;
	v5 =	vadd.s32 v13, v1  }
0xd1: {  	v2 =	vld.idx.msk [tilespmem:v63+s12+$0x0], $0xffff;
	v0 =	vadd.s32 v43, v0  }
0xd2: {  	v31 =	vld.idx.msk [tilespmem:v30+s13+$0x0], $0xffff;
	v1 =	vadd.s32 v43, v1;
	s30 =	spop (v2sf);
	(v2sf) =	vpush v45, $0xA  }
0xd3: {  	v35 =	vld.idx.msk [tilespmem:v6+s13+$0x0], $0xffff  }
0xd4: {  	v32 =	vld.idx.msk [tilespmem:v4+s12+$0x0], $0xffff;
	s5 =	spop (v2sf);
	(v2sf) =	vpush v44, $0xA  }
0xd5: {  	v49 =	vld.idx.msk [tilespmem:v5+s13+$0x0], $0xffff;
	s9 =	sand.u32 $0xFFFFF80, s30  }
0xd6: {  	v0 =	vld.idx.msk [tilespmem:v0+s12+$0x0], $0xffff;
	s9 =	sadd.s32 s0, s9;
	s6 =	spop (v2sf)  }
0xd7: {  	v50 =	vld.idx.msk [tilespmem:v1+s13+$0x0], $0xffff;
	(v2sf) =	vpush v45, $0xB;
	[tilespmem:s12], [sflag:$0x1] =	stream.strided.gather [hbm4b:s9+s12], $0x1000, s11, s12, $0x38  }
0xd8: {  	s9 =	sand.u32 $0xFFFFF80, s5  }
0xd9: {  	s30 =	spop (v2sf);
	s9 =	sadd.s32 s1, s9  }
0xda: {  	(v2sf) =	vpush v44, $0xB;
	[tilespmem:s13], [sflag:$0x1] =	stream.strided.gather [hbm4b:s9+s12], $0x1000, s11, s12, $0x38;
	[tilespmem:$0x10600] =	vst v63  }
0xdb: {  	s9 =	sand.u32 $0xFFFFF80, s6  }
0xdc: {  	s9 =	sadd.s32 s0, s9  }
0xdd: {  	[tilespmem:s14], [sflag:$0x1] =	stream.strided.gather [hbm4b:s9+s12], $0x1000, s11, s12, $0x38;
	[tilespmem:$0x10600] =	vst v63  }
0xde: {  	s9 =	sand.u32 $0xFFFFF80, s30  }
0xdf: {  	s9 =	sadd.s32 s1, s9  }
0xe0: {  	[tilespmem:s15], [sflag:$0x1] =	stream.strided.gather [hbm4b:s9+s12], $0x1000, s11, s12, $0x38;
	[tilespmem:$0x10600] =	vst v63  }
0xe1: {  	s5 =	spop (v2sf)  }
0xe2: {  	s9 =	sand.u32 $0xFFFFF80, s5  }
0xe3: {  	s6 =	spop (v2sf);
	s9 =	sadd.s32 s0, s9  }
0xe4: {  	[tilespmem:s16], [sflag:$0x1] =	stream.strided.gather [hbm4b:s9+s12], $0x1000, s11, s12, $0x38;
	[tilespmem:$0x10600] =	vst v63  }
0xe5: {  	[tilespmem:$0x1FF30] =	vst v2;
	s9 =	sand.u32 $0xFFFFF80, s6  }
0xe6: {  	[tilespmem:$0x1FF40] =	vst v31;
	s30 =	spop (v2sf);
	s9 =	sadd.s32 s1, s9  }
0xe7: {  	[tilespmem:s17], [sflag:$0x1] =	stream.strided.gather [hbm4b:s9+s12], $0x1000, s11, s12, $0x38;
	[tilespmem:$0x10600] =	vst v63  }
0xe8: {  	[tilespmem:$0x1FF50] =	vst v32;
	s9 =	sand.u32 $0xFFFFF80, s30  }
0xe9: {  	[tilespmem:$0x1FF60] =	vst v49;
	s5 =	spop (v2sf);
	s9 =	sadd.s32 s0, s9  }
0xea: {  	[tilespmem:s18], [sflag:$0x1] =	stream.strided.gather [hbm4b:s9+s12], $0x1000, s11, s12, $0x38;
	[tilespmem:$0x10600] =	vst v63  }
0xeb: {  	[tilespmem:$0x1FFA0] =	vst v0;
	s9 =	sand.u32 $0xFFFFF80, s5  }
0xec: {  	[tilespmem:$0x1FFB0] =	vst v50;
	s9 =	sadd.s32 s1, s9  }
0xed: {  	[tilespmem:s19], [sflag:$0x1] =	stream.strided.gather [hbm4b:s9+s12], $0x1000, s11, s12, $0x38;
	[tilespmem:$0x10600] =	vst v63  }
0xee: {  	_ =	swait.ge [sflag:s29], $0x1000  }
0xef: {  	[sflag:s29] =	ssyncset.done $0x0  }
0xf0: {  	[sflag:s29] =	ssyncadd.s32 $0xFFFFF000  }
0xf1: {  	_ =	swait.ge [sflag:s29], $0x1000  }
0xf2: {  	[sflag:s29] =	ssyncset.done $0x0  }
0xf3: {  	[sflag:s29] =	ssyncadd.s32 $0xFFFFF000  }
0xf4: {  	_ =	swait.ge [sflag:s29], $0x1000  }
0xf5: {  	[sflag:s29] =	ssyncset.done $0x0  }
0xf6: {  	[sflag:s29] =	ssyncadd.s32 $0xFFFFF000  }
0xf7: {  	_ =	swait.ge [sflag:s29], $0x1000  }
0xf8: {  	[sflag:s29] =	ssyncset.done $0x0  }
0xf9: {  	[sflag:s29] =	ssyncadd.s32 $0xFFFFF000  }
0xfa: {  	_ =	swait.ge [sflag:s29], $0x1000  }
0xfb: {  	[sflag:s29] =	ssyncset.done $0x0  }
0xfc: {  	[sflag:s29] =	ssyncadd.s32 $0xFFFFF000  }
0xfd: {  	_ =	swait.ge [sflag:s29], $0x1000  }
0xfe: {  	[sflag:s29] =	ssyncset.done $0x0  }
0xff: {  	[sflag:s29] =	ssyncadd.s32 $0xFFFFF000  }
0x100: {  	_ =	swait.ge [sflag:s29], $0x1000  }
0x101: {  	[sflag:s29] =	ssyncset.done $0x0  }
0x102: {  	v0 =	vperm.xlane v29, v48;
	[sflag:s29] =	ssyncadd.s32 $0xFFFFF000  }
0x103: {  	_ =	swait.ge [sflag:s29], $0x1000  }
0x104: {  	v1 =	vperm.xlane v28, v48;
	v4 =	vadd.s32 v60, v0;
	(v2sf) =	vpush v45, $0xC  }
0x105: {  	v51 =	vadd.s32 v15, v0  }
0x106: {  	v53 =	vadd.s32 v15, v1;
	(v2sf) =	vpush v44, $0xC  }
0x107: {  	v5 =	vadd.s32 v60, v1;
	[sflag:s29] =	ssyncset.done $0x0  }
0x108: {  	v55 =	vadd.s32 v58, v1;
	[sflag:s29] =	ssyncadd.s32 $0xFFFFF000;
	(v2sf) =	vpush v45, $0xD  }
0x109: {  	v31 =	vld.idx.msk [tilespmem:v4+s12+$0x0], $0xffff;
	v4 =	vadd.s32 v56, v1  }
0x10a: {  	v6 =	vadd.s32 v58, v0;
	v30 =	vld.idx.msk [tilespmem:v51+s12+$0x0], $0xffff  }
0x10b: {  	v62 =	vadd.s32 v56, v0;
	v61 =	vld.idx.msk [tilespmem:v53+s13+$0x0], $0xffff;
	(v2sf) =	vpush v44, $0xD  }
0x10c: {  	v59 =	vld.idx.msk [tilespmem:v5+s13+$0x0], $0xffff;
	v5 =	vadd.s32 v54, v0  }
0x10d: {  	v63 =	vadd.s32 v46, v0;
	v57 =	vld.idx.msk [tilespmem:v55+s13+$0x0], $0xffff  }
0x10e: {  	v55 =	vld.idx.msk [tilespmem:v4+s13+$0x0], $0xffff;
	v4 =	vadd.s32 v52, v0  }
0x10f: {  	v32 =	vld.idx.msk [tilespmem:v6+s12+$0x0], $0xffff;
	v6 =	vadd.s32 v54, v1  }
0x110: {  	v49 =	vld.idx.msk [tilespmem:v62+s12+$0x0], $0xffff;
	v62 =	vadd.s32 v46, v1  }
0x111: {  	v50 =	vld.idx.msk [tilespmem:v5+s12+$0x0], $0xffff;
	v5 =	vadd.s32 v52, v1  }
0x112: {  	v2 =	vld.idx.msk [tilespmem:v63+s12+$0x0], $0xffff;
	v0 =	vadd.s32 v18, v0  }
0x113: {  	v1 =	vadd.s32 v18, v1;
	v63 =	vld.idx.msk [tilespmem:v4+s12+$0x0], $0xffff;
	s6 =	spop (v2sf);
	(v2sf) =	vpush v45, $0xE  }
0x114: {  	v53 =	vld.idx.msk [tilespmem:v6+s13+$0x0], $0xffff  }
0x115: {  	v51 =	vld.idx.msk [tilespmem:v62+s13+$0x0], $0xffff;
	s30 =	spop (v2sf);
	(v2sf) =	vpush v44, $0xE  }
0x116: {  	v62 =	vld.idx.msk [tilespmem:v5+s13+$0x0], $0xffff;
	s9 =	sand.u32 $0xFFFFF80, s6  }
0x117: {  	v0 =	vld.idx.msk [tilespmem:v0+s12+$0x0], $0xffff;
	s9 =	sadd.s32 s0, s9;
	s5 =	spop (v2sf)  }
0x118: {  	[tilespmem:$0x1FF80] =	vst v63;
	v63 =	vld.idx.msk [tilespmem:v1+s13+$0x0], $0xffff;
	(v2sf) =	vpush v45, $0xF;
	[tilespmem:s20], [sflag:$0x1] =	stream.strided.gather [hbm4b:s9+s12], $0x1000, s11, s12, $0x38  }
0x119: {  	s9 =	sand.u32 $0xFFFFF80, s30  }
0x11a: {  	s6 =	spop (v2sf);
	s9 =	sadd.s32 s1, s9  }
0x11b: {  	(v2sf) =	vpush v44, $0xF;
	[tilespmem:s21], [sflag:$0x1] =	stream.strided.gather [hbm4b:s9+s12], $0x1000, s11, s12, $0x38;
	[tilespmem:$0x10600] =	vst v63  }
0x11c: {  	s9 =	sand.u32 $0xFFFFF80, s5  }
0x11d: {  	s9 =	sadd.s32 s0, s9  }
0x11e: {  	[tilespmem:s22], [sflag:$0x1] =	stream.strided.gather [hbm4b:s9+s12], $0x1000, s11, s12, $0x38;
	[tilespmem:$0x10600] =	vst v63  }
0x11f: {  	s9 =	sand.u32 $0xFFFFF80, s6  }
0x120: {  	s9 =	sadd.s32 s1, s9  }
0x121: {  	[tilespmem:s23], [sflag:$0x1] =	stream.strided.gather [hbm4b:s9+s12], $0x1000, s11, s12, $0x38;
	[tilespmem:$0x10600] =	vst v63  }
0x122: {  	s30 =	spop (v2sf)  }
0x123: {  	s9 =	sand.u32 $0xFFFFF80, s30  }
0x124: {  	s5 =	spop (v2sf);
	s9 =	sadd.s32 s0, s9  }
0x125: {  	[tilespmem:s24], [sflag:$0x1] =	stream.strided.gather [hbm4b:s9+s12], $0x1000, s11, s12, $0x38;
	[tilespmem:$0x10600] =	vst v63  }
0x126: {  	s9 =	sand.u32 $0xFFFFF80, s5  }
0x127: {  	s6 =	spop (v2sf);
	s9 =	sadd.s32 s1, s9  }
0x128: {  	[tilespmem:s25], [sflag:$0x1] =	stream.strided.gather [hbm4b:s9+s12], $0x1000, s11, s12, $0x38;
	[tilespmem:$0x10600] =	vst v63  }
0x129: {  	[tilespmem:$0x1FF70] =	vst v2;
	s9 =	sand.u32 $0xFFFFF80, s6  }
0x12a: {  	[tilespmem:$0x1FF90] =	vst v62;
	s30 =	spop (v2sf);
	s9 =	sadd.s32 s0, s9  }
0x12b: {  	[tilespmem:s26], [sflag:$0x1] =	stream.strided.gather [hbm4b:s9+s12], $0x1000, s11, s12, $0x38;
	[tilespmem:$0x10600] =	vst v63  }
0x12c: {  	[tilespmem:$0x1FFC0] =	vst v0;
	s9 =	sand.u32 $0xFFFFF80, s30  }
0x12d: {  	[tilespmem:$0x1FFD0] =	vst v63;
	s9 =	sadd.s32 s1, s9  }
0x12e: {  	[tilespmem:s28], [sflag:$0x1] =	stream.strided.gather [hbm4b:s9+s12], $0x1000, s11, s12, $0x38;
	[tilespmem:$0x10600] =	vst v63  }
0x12f: {  	_ =	swait.ge [sflag:s29], $0x1000  }
0x130: {  	[sflag:s29] =	ssyncset.done $0x0  }
0x131: {  	[sflag:s29] =	ssyncadd.s32 $0xFFFFF000  }
0x132: {  	_ =	swait.ge [sflag:s29], $0x1000  }
0x133: {  	[sflag:s29] =	ssyncset.done $0x0  }
0x134: {  	[sflag:s29] =	ssyncadd.s32 $0xFFFFF000  }
0x135: {  	_ =	swait.ge [sflag:s29], $0x1000  }
0x136: {  	[sflag:s29] =	ssyncset.done $0x0  }
0x137: {  	[sflag:s29] =	ssyncadd.s32 $0xFFFFF000  }
0x138: {  	_ =	swait.ge [sflag:s29], $0x1000  }
0x139: {  	[sflag:s29] =	ssyncset.done $0x0  }
0x13a: {  	[sflag:s29] =	ssyncadd.s32 $0xFFFFF000  }
0x13b: {  	_ =	swait.ge [sflag:s29], $0x1000  }
0x13c: {  	[sflag:s29] =	ssyncset.done $0x0  }
0x13d: {  	[sflag:s29] =	ssyncadd.s32 $0xFFFFF000  }
0x13e: {  	_ =	swait.ge [sflag:s29], $0x1000  }
0x13f: {  	[sflag:s29] =	ssyncset.done $0x0  }
0x140: {  	[sflag:s29] =	ssyncadd.s32 $0xFFFFF000  }
0x141: {  	v0 =	vperm.xlane v29, v19;
	_ =	swait.ge [sflag:s29], $0x1000  }
0x142: {  	v21 =	vperm.xlane v28, v19;
	[sflag:s29] =	ssyncset.done $0x0  }
0x143: {  	v44 =	vadd.s32 v8, v0;
	[sflag:s29] =	ssyncadd.s32 $0xFFFFF000  }
0x144: {  	p0 =	seq.s32 s2, $0xFFFFFFFF;
	v45 =	vadd.s32 v8, v21;
	_ =	swait.ge [sflag:s29], $0x1000  }
0x145: {  	v62 =	vadd.s32 v27, v0;
	(v2sf) =	vpush @!p0 v24, $0x0  }
0x146: {  	v5 =	vadd.s32 v27, v21;
	[sflag:s29] =	ssyncset.done $0x0  }
0x147: {  	v12 =	vadd.s32 v47, v0;
	[sflag:s29] =	ssyncadd.s32 $0xFFFFF000  }
0x148: {  	v63 =	vadd.s32 v47, v21;
	v6 =	vld.idx.msk [tilespmem:v44+s12+$0x0], $0xffff  }
0x149: {  	v14 =	vmov v7;
	v22 =	vadd.s32 v23, v0;
	(v2sf) =	vpush @!p0 v25, $0x0;
	v7 =	vld.idx.msk [tilespmem:v45+s13+$0x0], $0xffff  }
0x14a: {  	v20 =	vmov v23;
	v23 =	vadd.s32 v23, v21;
	v4 =	vld.idx.msk [tilespmem:v62+s12+$0x0], $0xffff  }
0x14b: {  	v5 =	vld.idx.msk [tilespmem:v5+s13+$0x0], $0xffff;
	v44 =	vadd.s32 v26, v0  }
0x14c: {  	v2 =	vld.idx.msk [tilespmem:v12+s12+$0x0], $0xffff;
	v12 =	vadd.s32 v26, v21  }
0x14d: {  	v3 =	vld.idx.msk [tilespmem:v63+s13+$0x0], $0xffff;
	v45 =	vadd.s32 v16, v0;
	(v2sf) =	vpush @!p0 v24, $0x1  }
0x14e: {  	v22 =	vld.idx.msk [tilespmem:v22+s12+$0x0], $0xffff;
	v62 =	vadd.s32 v16, v21  }
0x14f: {  	v23 =	vld.idx.msk [tilespmem:v23+s13+$0x0], $0xffff;
	v63 =	vadd.s32 v13, v0  }
0x150: {  	v9 =	vadd.s32 v43, v21;
	v1 =	vld.idx.msk [tilespmem:v44+s12+$0x0], $0xffff  }
0x151: {  	(v2sf) =	vpush @!p0 v25, $0x1;
	v44 =	vadd.s32 v13, v21;
	v12 =	vld.idx.msk [tilespmem:v12+s13+$0x0], $0xffff  }
0x152: {  	v17 =	vmovc v16;
	v16 =	vmov v26;
	v26 =	vmov v8;
	v8 =	vadd.s32 v43, v0;
	v0 =	vld.idx.msk [tilespmem:v45+s12+$0x0], $0xffff  }
0x153: {  	v21 =	vld.idx.msk [tilespmem:v62+s13+$0x0], $0xffff  }
0x154: {  	v45 =	vld.idx.msk [tilespmem:v63+s12+$0x0], $0xffff;
	s9 =	spop @!p0 (v2sf)  }
0x155: {  	v62 =	vld.idx.msk [tilespmem:v9+s13+$0x0], $0xffff;
	(v2sf) =	vpush @!p0 v24, $0x2;
	s9 =	sand.u32 @!p0 $0xFFFFF80, s9  }
0x156: {  	s5 =	simm.s32 @!p0 $0x400;
	s30 =	simm.s32 @!p0 $0x7A1400;
	v63 =	vld.idx.msk [tilespmem:v44+s13+$0x0], $0xffff;
	s9 =	sadd.s32 @!p0 s0, s9  }
0x157: {  	v44 =	vld.idx.msk [tilespmem:v8+s12+$0x0], $0xffff;
	[tilespmem:s5], [sflag:$0x1] =	stream.strided.gather @!p0 [hbm4b:s9+s5], $0x1000, s30, s5, $0x38  }
0x158: {  	s9 =	spop @!p0 (v2sf)  }
0x159: {  	(v2sf) =	vpush @!p0 v25, $0x2;
	s9 =	sand.u32 @!p0 $0xFFFFF80, s9  }
0x15a: {  	s6 =	simm.s32 @!p0 $0x8400;
	s9 =	sadd.s32 @!p0 s1, s9  }
0x15b: {  	[tilespmem:s6], [sflag:$0x1] =	stream.strided.gather @!p0 [hbm4b:s9+s5], $0x1000, s30, s5, $0x38;
	[tilespmem:$0x10600] =	vst v63  }
0x15c: {  	s6 =	spop @!p0 (v2sf)  }
0x15d: {  	(v2sf) =	vpush @!p0 v24, $0x3;
	s6 =	sand.u32 @!p0 $0xFFFFF80, s6  }
0x15e: {  	s9 =	simm.s32 @!p0 $0x1400;
	s6 =	sadd.s32 @!p0 s0, s6  }
0x15f: {  	[tilespmem:s9], [sflag:$0x1] =	stream.strided.gather @!p0 [hbm4b:s6+s5], $0x1000, s30, s5, $0x38;
	[tilespmem:$0x10600] =	vst v63  }
0x160: {  	s6 =	spop @!p0 (v2sf)  }
0x161: {  	(v2sf) =	vpush @!p0 v25, $0x3;
	s6 =	sand.u32 @!p0 $0xFFFFF80, s6  }
0x162: {  	s9 =	simm.s32 @!p0 $0x9400;
	s6 =	sadd.s32 @!p0 s1, s6  }
0x163: {  	[tilespmem:s9], [sflag:$0x1] =	stream.strided.gather @!p0 [hbm4b:s6+s5], $0x1000, s30, s5, $0x38;
	[tilespmem:$0x10600] =	vst v63  }
0x164: {  	s6 =	spop @!p0 (v2sf)  }
0x165: {  	s6 =	sand.u32 @!p0 $0xFFFFF80, s6  }
0x166: {  	s9 =	simm.s32 @!p0 $0x2400;
	s6 =	sadd.s32 @!p0 s0, s6  }
0x167: {  	[tilespmem:s9], [sflag:$0x1] =	stream.strided.gather @!p0 [hbm4b:s6+s5], $0x1000, s30, s5, $0x38;
	[tilespmem:$0x10600] =	vst v63  }
0x168: {  	s6 =	spop @!p0 (v2sf)  }
0x169: {  	s6 =	sand.u32 @!p0 $0xFFFFF80, s6  }
0x16a: {  	s9 =	simm.s32 @!p0 $0xA400;
	s6 =	sadd.s32 @!p0 s1, s6  }
0x16b: {  	[tilespmem:s9], [sflag:$0x1] =	stream.strided.gather @!p0 [hbm4b:s6+s5], $0x1000, s30, s5, $0x38;
	[tilespmem:$0x10600] =	vst v63  }
0x16c: {  	s6 =	spop @!p0 (v2sf)  }
0x16d: {  	s6 =	sand.u32 @!p0 $0xFFFFF80, s6  }
0x16e: {  	s9 =	simm.s32 @!p0 $0x3400;
	s6 =	sadd.s32 @!p0 s0, s6  }
0x16f: {  	[tilespmem:s9], [sflag:$0x1] =	stream.strided.gather @!p0 [hbm4b:s6+s5], $0x1000, s30, s5, $0x38;
	[tilespmem:$0x10600] =	vst v63  }
0x170: {  	s6 =	spop @!p0 (v2sf)  }
0x171: {  	s6 =	sand.u32 @!p0 $0xFFFFF80, s6  }
0x172: {  	s9 =	simm.s32 @!p0 $0xB400;
	s6 =	sadd.s32 @!p0 s1, s6  }
0x173: {  	[tilespmem:s9], [sflag:$0x1] =	stream.strided.gather @!p0 [hbm4b:s6+s5], $0x1000, s30, s5, $0x38;
	[tilespmem:$0x10600] =	vst v63  }
0x174: {  	_ =	swait.ge [sflag:s29], $0x1000  }
0x175: {  	[sflag:s29] =	ssyncset.done $0x0  }
0x176: {  	[sflag:s29] =	ssyncadd.s32 $0xFFFFF000  }
0x177: {  	_ =	swait.ge [sflag:s29], $0x1000  }
0x178: {  	[sflag:s29] =	ssyncset.done $0x0  }
0x179: {  	[sflag:s29] =	ssyncadd.s32 $0xFFFFF000  }
0x17a: {  	_ =	swait.ge [sflag:s29], $0x1000  }
0x17b: {  	[sflag:s29] =	ssyncset.done $0x0  }
0x17c: {  	[sflag:s29] =	ssyncadd.s32 $0xFFFFF000  }
0x17d: {  	_ =	swait.ge [sflag:s29], $0x1000  }
0x17e: {  	[sflag:s29] =	ssyncset.done $0x0  }
0x17f: {  	[sflag:s29] =	ssyncadd.s32 $0xFFFFF000  }
0x180: {  	_ =	swait.ge [sflag:s29], $0x1000  }
0x181: {  	[sflag:s29] =	ssyncset.done $0x0  }
0x182: {  	[sflag:s29] =	ssyncadd.s32 $0xFFFFF000  }
0x183: {  	_ =	swait.ge [sflag:s29], $0x1000  }
0x184: {  	v8 =	vmul.f32 v42, v40;
	v40 =	vld [tilespmem:$0x1FFE0];
	_ =	sdelay $0x4  }
0x185: {  	v8 =	vadd.f32 $0.0e+00, v8;
	v9 =	vperm.xlane v29, v40;
	v29 =	vmul.f32 v33, v39  }
0x186: {  	[sflag:s29] =	ssyncset.done $0x0  }
0x187: {  	[sflag:s29] =	ssyncadd.s32 $0xFFFFF000;
	v8 =	vadd.f32 v29, v8;
	v29 =	vmul.f32 v41, v37  }
0x188: {  	v6 =	vmul.f32 v7, v6;
	_ =	swait.ge [sflag:s29], $0x1000  }
0x189: {  	v4 =	vmul.f32 v5, v4;
	[sflag:s29] =	ssyncset.done $0x0;
	v8 =	vadd.f32 v29, v8;
	v29 =	vmul.f32 v38, v36  }
0x18a: {  	v6 =	vadd.f32 $0.0e+00, v6;
	[sflag:s29] =	ssyncadd.s32 $0xFFFFF000;
	v28 =	vperm.xlane v28, v40;
	v33 =	vmul.f32 v61, v30  }
0x18b: {  	_ =	swait.ge [sflag:s29], $0x1000;
	v39 =	vadd.s32 v15, v9;
	v8 =	vadd.f32 v29, v8;
	v29 =	vmul.f32 v35, v34  }
0x18c: {  	v2 =	vmul.f32 v3, v2;
	v37 =	vadd.s32 v15, v28;
	v61 =	vadd.f32 $0.0e+00, v33;
	v33 =	vld [tilespmem:$0x1FF40]  }
0x18d: {  	v4 =	vadd.f32 v4, v6;
	v41 =	vadd.s32 v60, v9;
	v8 =	vadd.f32 v29, v8;
	v29 =	vld [tilespmem:$0x1FF30]  }
0x18e: {  	v59 =	vmul.f32 v59, v31;
	[sflag:s29] =	ssyncset.done $0x0;
	v36 =	vadd.s32 v60, v28  }
0x18f: {  	v2 =	vadd.f32 v2, v4;
	v4 =	vmul.f32 v23, v22;
	v23 =	vld [tilespmem:$0x1FF70];
	[sflag:s29] =	ssyncadd.s32 $0xFFFFF000;
	v42 =	vadd.s32 v58, v9  }
0x190: {  	v35 =	vadd.s32 v58, v28;
	v34 =	vld.idx.msk [tilespmem:v39+s12+$0x0], $0xffff  }
0x191: {  	v40 =	vadd.s32 v56, v9;
	v38 =	vadd.f32 v59, v61;
	v37 =	vld.idx.msk [tilespmem:v37+s13+$0x0], $0xffff  }
0x192: {  	v61 =	vmul.f32 v57, v32;
	v32 =	vld.idx.msk [tilespmem:v41+s12+$0x0], $0xffff;
	v29 =	vmul.f32 v33, v29;
	v33 =	vadd.s32 v56, v28  }
0x193: {  	v36 =	vld.idx.msk [tilespmem:v36+s13+$0x0], $0xffff  }
0x194: {  	v30 =	vld.idx.msk [tilespmem:v42+s12+$0x0], $0xffff  }
0x195: {  	v50 =	vmul.f32 v53, v50;
	v7 =	vld.idx.msk [tilespmem:v35+s13+$0x0], $0xffff  }
0x196: {  	v0 =	vmul.f32 v21, v0;
	v31 =	vadd.s32 v54, v28;
	v53 =	vld.idx.msk [tilespmem:v40+s12+$0x0], $0xffff;
	v34 =	vmul.f32 v37, v34  }
0x197: {  	v6 =	vadd.s32 v18, v9;
	v57 =	vmul.f32 v55, v49;
	v38 =	vadd.f32 v61, v38;
	v5 =	vld.idx.msk [tilespmem:v33+s13+$0x0], $0xffff  }
0x198: {  	v59 =	vadd.s32 v54, v9;
	v34 =	vadd.f32 $0.0e+00, v34;
	v32 =	vmul.f32 v36, v32  }
0x199: {  	v21 =	vld [tilespmem:$0x1FFB0];
	v49 =	vadd.s32 v46, v9;
	v23 =	vmul.f32 v51, v23;
	v38 =	vadd.f32 v57, v38  }
0x19a: {  	v61 =	vld [tilespmem:$0x1FF60];
	v57 =	vadd.s32 v52, v9;
	v9 =	vadd.f32 v32, v34;
	v7 =	vmul.f32 v7, v30  }
0x19b: {  	v50 =	vadd.f32 v50, v38;
	v8 =	vadd.f32 v29, v8;
	v29 =	vld [tilespmem:$0x1FF50]  }
0x19c: {  	v42 =	vld.idx.msk [tilespmem:v31+s13+$0x0], $0xffff;
	v7 =	vadd.f32 v7, v9;
	v5 =	vmul.f32 v5, v53  }
0x19d: {  	v1 =	vmul.f32 v12, v1;
	v55 =	vadd.s32 v46, v28;
	v12 =	vadd.f32 v23, v50;
	v23 =	vmovc v20;
	v20 =	vld [tilespmem:$0x1FF90]  }
0x19e: {  	v5 =	vadd.f32 v5, v7;
	v7 =	vld [tilespmem:$0x1FF80]  }
0x19f: {  	v6 =	vld.idx.msk [tilespmem:v6+s12+$0x0], $0xffff  }
0x1a0: {  	v59 =	vld.idx.msk [tilespmem:v59+s12+$0x0], $0xffff;
	v29 =	vmul.f32 v61, v29;
	v61 =	vadd.s32 v52, v28  }
0x1a1: {  	v49 =	vld.idx.msk [tilespmem:v49+s12+$0x0], $0xffff;
	v28 =	vadd.s32 v18, v28  }
0x1a2: {  	v22 =	vld.idx.msk [tilespmem:v55+s13+$0x0], $0xffff  }
0x1a3: {  	v2 =	vadd.f32 v4, v2;
	v7 =	vmul.f32 v20, v7;
	v20 =	vld [tilespmem:$0x1FFA0]  }
0x1a4: {  	v9 =	vld.idx.msk [tilespmem:v57+s12+$0x0], $0xffff  }
0x1a5: {  	v1 =	vadd.f32 v1, v2;
	v4 =	vld.idx.msk [tilespmem:v61+s13+$0x0], $0xffff  }
0x1a6: {  	v3 =	vmul.f32 v42, v59;
	v53 =	vld.idx.msk [tilespmem:v28+s13+$0x0], $0xffff  }
0x1a7: {  	v0 =	vadd.f32 v0, v1;
	v55 =	vmul.f32 v63, v45;
	v7 =	vadd.f32 v7, v12;
	v12 =	vld [tilespmem:$0x1FFC0]  }
0x1a8: {  	v3 =	vadd.f32 v3, v5;
	v5 =	vmul.f32 v22, v49;
	v21 =	vmul.f32 v21, v20;
	v20 =	vld [tilespmem:$0x1FFD0]  }
0x1a9: {  	v0 =	vadd.f32 v55, v0;
	v57 =	vmul.f32 v62, v44  }
0x1aa: {  	v8 =	vadd.f32 v29, v8;
	v3 =	vadd.f32 v5, v3;
	v4 =	vmul.f32 v4, v9  }
0x1ab: {  	v0 =	vadd.f32 v57, v0  }
0x1ac: {  	v2 =	vmul.f32 v53, v6;
	v3 =	vadd.f32 v4, v3;
	v5 =	vadd.f32 v21, v8  }
0x1ad: {  	v12 =	vmul.f32 v20, v12  }
0x1ae: {  	v61 =	vperm.xlane v0, v10;
	v2 =	vadd.f32 v2, v3;
	v59 =	vperm.xlane v5, v10  }
0x1af: {  	v7 =	vadd.f32 v12, v7  }
0x1b0: {  	v0 =	vadd.f32 v0, v61;
	v1 =	vadd.f32 v5, v59;
	v5 =	vperm.xlane v2, v10  }
0x1b1: {  	v4 =	vperm.xlane v7, v10  }
0x1b2: {  	v2 =	vadd.f32 v2, v5;
	v5 =	vperm.xlane v0, v11  }
0x1b3: {  	v4 =	vadd.f32 v7, v4  }
0x1b4: {  	v0 =	vadd.f32 v0, v5;
	v5 =	vld [tilespmem:$0x1FFF0]  }
0x1b5: {  	v62 =	vperm.xlane v1, v11;
	v6 =	vperm.xlane v4, v11;
	_ =	sdelay $0x1  }
0x1b6: {  	v1 =	vadd.f32 v1, v62;
	v63 =	vadd.f32 v4, v6;
	v4 =	vperm.xlane v2, v11  }
0x1b7: {  	s2 =	sadd.s32 $0x1, s2;
	v6 =	vlaneseq.u32  }
0x1b8: {  	p0 =	seq.s32 s2, $0x0;
	v1 =	vperm.xlane v1, v6;
	v3 =	vperm.xlane v63, v5;
	v2 =	vadd.f32 v2, v4  }
.Ltmp0:
0x1b9: {  	v0 =	vperm.xlane v0, v10;
	(pc) =	sbr.rel @!p0 .LBB2_2-.Ltmp0, $4  }
0x1ba: {  	v1 =	vsel vm0, v1, v3;
	v2 =	vperm.xlane v2, v11  }
0x1bb: {  	v0 =	vsel vm1, v1, v0  }
0x1bc: {  	v45 =	vmov v24;
	v0 =	vsel vm2, v0, v2  }
0x1bd: {  	v44 =	vmovc v25;
	v8 =	vmovc v26;
	v26 =	vmov v16;
	v16 =	vmov v17;
	v7 =	vmov v14;
	[tilespmem:s4+$0x0] =	vst v0;
	s4 =	sadd.s32 $0x10, s4  }
0x1be: {  	s31 =	sadd.s32 $0x1, s31  }
0x1bf: {  	p0 =	sne.s32 s31, s8  }
.Ltmp1:
0x1c0: {  	s2 =	simm.s32 $0x10400;
	(pc) =	sbr.rel @p0 .LBB2_1-.Ltmp1, $4  }
0x1c1: {  	[hbm4b:s7+s3] =	stream.linear.scatter [tilespmem:s2], [sflag:$0x2], $0x200, $0x38;
	[tilespmem:$0x10600] =	vst v63  }
0x1c2: {  	_ =	swait.ge [sflag:s10], $0x200  }
0x1c3: {  	[sflag:s10] =	ssyncset.done $0x0  }
0x1c4: {  	[sflag:s10] =	ssyncadd.s32 $0xFFFFFE00  }
0x1c5: {  	_ =	sfence.sel $0x180000  }
0x1c6: {  	[bflag:$0x0] =	sbarrier.arrive $0xFFFF  }
0x1c7: {  	_ =	strace $0x90000047  }
0x1c8: {  	s0 =	stileid.u32;
	[bflag:$0x2] =	sbarrier.arrive $0xFFFF  }
0x1c9: {  	p0 =	sne.s32 s0, $0x0;
	s0 =	rddreg [dreg:$0x5]  }
0x1ca: {  	s0 =	sadd.s32 @!p0 $0x100000, s0  }
0x1cb: {  	[sflag:s0] =	ssyncadd.tile.s32 @!p0 $0x1;
	_ =	shalt  }
.Lfunc_end2:
_tile_overlayer_lowered:
.L_overlay_start_2:
0x1cc: {  	(tag) =	ssettag $0x2  }
0x1cd: {  	s0 =	rddreg [dreg:$0x0];
	s2 =	stileid.u32  }
0x1ce: {  	s1 =	rddreg [dreg:$0x1];
	p0 =	sne.s32 s2, $0x0  }
0x1cf: {  	s3 =	rddreg [dreg:$0x2];
	[bflag:$0x3] =	sbarrier.arrive $0xFFFF;
	s2 =	simm.s32 @!p0 $0x1C02  }
0x1d0: {  	[timem:s3], [sflag:s2] =	dma.local @!p0 [hbm:s0], s1  }
0x1d1: {  	s0 =	simm.s32 @!p0 $0x2  }
0x1d2: {  	_ =	swait.ge @!p0 [sflag:s0], s1  }
0x1d3: {  	s1 =	ssub.s32 @!p0 $0x0, s1;
	[sflag:s0] =	ssyncset.done @!p0 $0x0  }
0x1d4: {  	[sflag:s0] =	ssyncadd.s32 @!p0 s1  }
0x1d5: {  	[bflag:$0x3] =	sbarrier.arrive $0xFFFF  }
0x1d6: {  	_ =	shalt  }

</sc_bundles>
